<compile_context>
chip_gen: v7x
topology: tpu7x:2x2x1
jax: 0.10.2.dev20260603
libtpu: 0.0.44.dev20260713+nightly
codegen_flags: <defaults>
</compile_context>

<pallas_src>
import dataclasses
import functools

import jax
import jax.numpy as jnp
import numpy as np
from jax import lax
from jax.experimental import pallas as pl
from jax.experimental.pallas import tpu as pltpu
from jax.experimental.pallas import tpu_sc as plsc

_NC = 2
_NS = 16
_LN = 16
_W = 80
_SW = 25

_IDX = np.arange(128).reshape(4, 2, 16)
_PLO = _IDX[:, 0, :].reshape(-1)
_PHI = _IDX[:, 1, :].reshape(-1)




def _round_bf16_bits(v32):
    return v32 + 32767 + jnp.bitwise_and(jnp.right_shift(v32, 16), 1)


def _mlp_pallas(x_list, layers, relu_flags, block_rows, out_dtype=jnp.float32,
                mm_dtype=None, pack_out=None):
    rows = x_list[0].shape[0]
    for x in x_list:
        if x.ndim == 2:
            rows = x.shape[0]
    din = x_list[0].shape[-1]
    n_lay = len(layers)
    if pack_out is not None:
        dout = pack_out[0].shape[1]
        out_dtype = jnp.int32
    else:
        dout = layers[-1][0].shape[1]

    n_refs = sum(2 if x.ndim == 3 else 1 for x in x_list)
    wmats = [(w, b) for w, b in layers]
    if pack_out is not None:
        wmats += [(pack_out[0], pack_out[1]), (pack_out[2], pack_out[3])]

    def body(*refs):
        x_refs = refs[:n_refs]
        w_refs = refs[n_refs:n_refs + 2 * len(wmats)]
        acc = None
        for r in x_refs:
            v = r[0] if len(r.shape) == 3 else r[...]
            acc = v if acc is None else acc + v

        def mat(a, li):
            w = w_refs[2 * li][...]
            b = w_refs[2 * li + 1][...]
            if mm_dtype is not None:
                a = a.astype(mm_dtype)
                w = w.astype(mm_dtype)
            return jnp.dot(a, w, preferred_element_type=jnp.float32) + b

        for li in range(n_lay):
            acc = mat(acc, li)
            if relu_flags[li]:
                acc = jnp.maximum(acc, 0.0)
        if pack_out is not None:
            lo = jax.lax.bitcast_convert_type(mat(acc, n_lay), jnp.int32)
            hi = jax.lax.bitcast_convert_type(mat(acc, n_lay + 1), jnp.int32)
            lo_bits = jnp.bitwise_and(
                jnp.right_shift(_round_bf16_bits(lo), 16), 65535)
            hi_bits = jnp.bitwise_and(_round_bf16_bits(hi), -65536)
            refs[-1][...] = jnp.bitwise_or(lo_bits, hi_bits)
        else:
            refs[-1][...] = acc.astype(out_dtype)

    in_specs = []
    flat = []
    for x in x_list:
        if x.ndim == 3:
            for p in range(2):
                in_specs.append(pl.BlockSpec(
                    (1, block_rows, din), lambda i, p=p: (p, i, 0)))
                flat.append(x)
        else:
            in_specs.append(pl.BlockSpec((block_rows, din), lambda i: (i, 0)))
            flat.append(x)
    for w, b in wmats:
        in_specs.append(pl.BlockSpec(w.shape, lambda i: (0, 0)))
        in_specs.append(pl.BlockSpec((1, b.shape[0]), lambda i: (0, 0)))
        flat += [w, b.reshape(1, -1)]

    return pl.pallas_call(
        body,
        grid=(rows // block_rows,),
        in_specs=in_specs,
        out_specs=pl.BlockSpec((block_rows, dout), lambda i: (i, 0)),
        out_shape=jax.ShapeDtypeStruct((rows, dout), out_dtype),
    )(*flat)


def _mlp_layers(p):
    return [(p["W1"], p["b1"]), (p["W2"], p["b2"]), (p["W3"], p["b3"])]


def _pack_last(p):
    return (p["W3"][:, _PLO], p["b3"][_PLO],
            p["W3"][:, _PHI], p["b3"][_PHI])




def _sc_message(hp, ep, src5, dst5):
    n, d = hp.shape
    dw = ep.shape[1]
    nsw = src5.shape[2]
    epw = nsw * _SW * _W
    npad = -(-n // (_NS * 8)) * (_NS * 8)
    rps = npad // _NS
    nfull = rps // _W
    tail = rps - nfull * _W
    mesh = plsc.VectorSubcoreMesh(core_axis_name="c", subcore_axis_name="s")
    cp = pltpu.CompilerParams()
    if "needs_layout_passes" in pltpu.CompilerParams.__dataclass_fields__:
        cp = dataclasses.replace(cp, needs_layout_passes=False)

    @functools.partial(
        pl.kernel,
        out_type=jax.ShapeDtypeStruct((_NC, npad, d), jnp.float32),
        mesh=mesh,
        compiler_params=cp,
        scratch_types=[
            pltpu.VMEM((_SW, _W), jnp.int32),
            pltpu.VMEM((_SW, _W), jnp.int32),
            pltpu.VMEM((_W, d), jnp.float32),
            pltpu.VMEM((_W, dw), jnp.int32),
            pltpu.VMEM((_W, d), jnp.float32),
            pltpu.VMEM((_W, dw), jnp.int32),
            pltpu.VMEM_SHARED((npad, d), jnp.float32),
            pltpu.SemaphoreType.DMA,
            pltpu.SemaphoreType.DMA,
            pltpu.SemaphoreType.DMA,
            pltpu.SemaphoreType.DMA,
        ],
    )
    def k(h_hbm, e_hbm, src_hbm, dst_hbm, out_hbm,
          src_v, dst_v, h_a, e_a, h_b, e_b, agg,
          sem_ha, sem_ea, sem_hb, sem_eb):
        c = lax.axis_index("c")
        s = lax.axis_index("s")
        wbase = (c * _NS + s) * epw

        @pl.loop(0, _W)
        def _(i):
            for j in range(d // _LN):
                h_a[i, pl.ds(j * _LN, _LN)] = jnp.zeros((_LN,), jnp.float32)

        @pl.loop(0, nfull)
        def _(q):
            pltpu.async_copy(
                h_a, agg.at[pl.ds(s * rps + q * _W, _W), :], sem_ha)
        if tail:
            pltpu.async_copy(
                h_a.at[pl.ds(0, tail), :],
                agg.at[pl.ds(s * rps + nfull * _W, tail), :], sem_ea)

        @pl.loop(0, nfull)
        def _(q):
            pltpu.make_async_copy(
                h_a, agg.at[pl.ds(s * rps, _W), :], sem_ha).wait()
        if tail:
            pltpu.make_async_copy(
                h_a.at[pl.ds(0, tail), :],
                agg.at[pl.ds(s * rps, tail), :], sem_ea).wait()

        plsc.subcore_barrier()

        mask = jnp.full((16,), -65536, jnp.int32)

        def fire(sw, g, hbuf, ebuf, sem_h, sem_e):
            pltpu.async_copy(h_hbm.at[src_v.at[g]], hbuf, sem_h)
            pltpu.async_copy(
                e_hbm.at[pl.ds(wbase + (sw * _SW + g) * _W, _W), :],
                ebuf, sem_e)

        def drain(hbuf, ebuf, sem_h, sem_e):
            pltpu.make_async_copy(h_hbm.at[pl.ds(0, _W), :], hbuf, sem_h).wait()
            pltpu.make_async_copy(e_hbm.at[pl.ds(0, _W), :], ebuf, sem_e).wait()

        def compute_scatter(g, hbuf, ebuf):
            @plsc.parallel_loop(0, _W)
            def _(i):
                for j in range(d // 32):
                    w = ebuf[i, pl.ds(j * _LN, _LN)]
                    lo = plsc.bitcast(jnp.left_shift(w, 16), jnp.float32)
                    hi = plsc.bitcast(jnp.bitwise_and(w, mask), jnp.float32)
                    sl = pl.ds(j * 32, _LN)
                    sh = pl.ds(j * 32 + _LN, _LN)
                    hbuf[i, sl] = jnp.maximum(hbuf[i, sl] + lo, 0.0)
                    hbuf[i, sh] = jnp.maximum(hbuf[i, sh] + hi, 0.0)
            pltpu.sync_copy(hbuf, agg.at[dst_v.at[g]], add=True)

        @pl.loop(0, nsw)
        def _(sw):
            pltpu.sync_copy(src_hbm.at[c, s, sw], src_v)
            pltpu.sync_copy(dst_hbm.at[c, s, sw], dst_v)
            fire(sw, 0, h_a, e_a, sem_ha, sem_ea)
            fire(sw, 1, h_b, e_b, sem_hb, sem_eb)

            @pl.loop(0, _SW, step=2)
            def _(g):
                drain(h_a, e_a, sem_ha, sem_ea)
                compute_scatter(g, h_a, e_a)

                @pl.when(g + 2 < _SW)
                def _():
                    fire(sw, g + 2, h_a, e_a, sem_ha, sem_ea)

                @pl.when(g + 1 < _SW)
                def _():
                    drain(h_b, e_b, sem_hb, sem_eb)
                    compute_scatter(g + 1, h_b, e_b)

                    @pl.when(g + 3 < _SW)
                    def _():
                        fire(sw, g + 3, h_b, e_b, sem_hb, sem_eb)

        plsc.subcore_barrier()

        @pl.loop(0, nfull)
        def _(q):
            base = s * rps + q * _W
            pltpu.async_copy(agg.at[pl.ds(base, _W), :],
                             out_hbm.at[c, pl.ds(base, _W), :], sem_ha)
        if tail:
            base = s * rps + nfull * _W
            pltpu.async_copy(agg.at[pl.ds(base, tail), :],
                             out_hbm.at[c, pl.ds(base, tail), :], sem_ea)

        @pl.loop(0, nfull)
        def _(q):
            pltpu.make_async_copy(agg.at[pl.ds(s * rps, _W), :],
                                  out_hbm.at[c, pl.ds(s * rps, _W), :],
                                  sem_ha).wait()
        if tail:
            pltpu.make_async_copy(agg.at[pl.ds(s * rps, tail), :],
                                  out_hbm.at[c, pl.ds(s * rps, tail), :],
                                  sem_ea).wait()

    return k(hp, ep, src5, dst5)




def kernel(x, edge_index, edge_attr, params):
    e_cnt = edge_attr.shape[0]
    nsw = e_cnt // (_NC * _NS * _SW * _W)
    src5 = edge_index[0].astype(jnp.int32).reshape(_NC, _NS, nsw, _SW, _W)
    dst5 = edge_index[1].astype(jnp.int32).reshape(_NC, _NS, nsw, _SW, _W)

    h = _mlp_pallas([x], _mlp_layers(params["node_to_node"]),
                    (True, True, False), block_rows=2000)
    ep = _mlp_pallas([edge_attr], _mlp_layers(params["edge_to_node"])[:2],
                     (True, True), block_rows=2000,
                     mm_dtype=jnp.bfloat16,
                     pack_out=_pack_last(params["edge_to_node"]))

    parts = _sc_message(h, ep, src5, dst5)
    h = _mlp_pallas([h, parts], _mlp_layers(params["gine"][0]),
                    (True, True, False), block_rows=2000)

    parts = _sc_message(h, ep, src5, dst5)
    return _mlp_pallas(
        [h, parts],
        _mlp_layers(params["gine"][1]) + _mlp_layers(params["final_mlp"]),
        (True, True, False, True, True, False), block_rows=2000)

# --- scband reference (transcript-rebuilt; emitter-appended) ---
"""Pipeline reference for scband-gine-63660005261516 (READ-ONLY COPY).

The authoritative reference and input builder live on the scoring server;
editing this copy changes nothing except your own understanding.
"""

import jax, jax.numpy as jnp
import numpy as np

N = 10000
E = 320000
D_NODE = 128
D_EDGE = 16
H = 128
OUT = 128
NUM_LAYERS = 2


def _init_linear(key, din, dout):
    k1, k2 = jax.random.split(key)
    s = 1.0 / np.sqrt(din)
    W = jax.random.uniform(k1, (din, dout), minval=-s, maxval=s, dtype=jnp.float32)
    b = jax.random.uniform(k2, (dout,), minval=-s, maxval=s, dtype=jnp.float32)
    return W, b


def _init_mlp(key, din, dh, dout):
    k1, k2, k3 = jax.random.split(key, 3)
    W1, b1 = _init_linear(k1, din, dh)
    W2, b2 = _init_linear(k2, dh, dh)
    W3, b3 = _init_linear(k3, dh, dout)
    return {"W1": W1, "b1": b1, "W2": W2, "b2": b2, "W3": W3, "b3": b3}


def _mlp_apply(p, x):
    # MLP(in, hidden, hidden, out) with ReLU; dropout is a no-op in eval mode
    x = jax.nn.relu(x @ p["W1"] + p["b1"])
    x = jax.nn.relu(x @ p["W2"] + p["b2"])
    return x @ p["W3"] + p["b3"]


def setup_inputs(seed: int = 0) -> dict:
    key = jax.random.key(seed)
    kx, ke, ki, kp = jax.random.split(key, 4)
    x = jax.random.normal(kx, (N, D_NODE), dtype=jnp.float32)
    edge_attr = jax.random.normal(ke, (E, D_EDGE), dtype=jnp.float32)
    edge_index = jax.random.randint(ki, (2, E), 0, N, dtype=jnp.int64 if jax.config.jax_enable_x64 else jnp.int32)
    ks = jax.random.split(kp, 3 + NUM_LAYERS)
    params = {
        "node_to_node": _init_mlp(ks[0], D_NODE, H, H),
        "edge_to_node": _init_mlp(ks[1], D_EDGE, H, H),
        "gine": [_init_mlp(ks[2 + i], H, H, H) for i in range(NUM_LAYERS)],
        "final_mlp": _init_mlp(ks[2 + NUM_LAYERS], H, H, OUT),
    }
    return {"x": x, "edge_index": edge_index, "edge_attr": edge_attr, "params": params}


def reference(x, edge_index, edge_attr, params):
    # node_feat = node_to_node(nf); edge_feat = edge_to_node(ef)
    h = _mlp_apply(params["node_to_node"], x)
    e = _mlp_apply(params["edge_to_node"], edge_attr)
    src = edge_index[0]
    dst = edge_index[1]
    eps = 0.0  # dgl GINEConv default (learn_eps=False)
    for i in range(NUM_LAYERS):
        # message: relu(h_src + e); aggregate: sum over destination nodes
        msg = jax.nn.relu(h[src] + e)
        agg = jnp.zeros_like(h).at[dst].add(msg)
        h = _mlp_apply(params["gine"][i], (1.0 + eps) * h + agg)
    node_feat = _mlp_apply(params["final_mlp"], h)
    # original returns (None, None, node_feat); we return the array
    return node_feat

if __name__ == "__main__":
    import jax
    _d = setup_inputs()
    print(jax.jit(kernel)(*tuple(_d.values())))

</pallas_src>

<mosaic_0001>
#map = affine_map<(d0, d1) -> (0, 0)>
#map1 = affine_map<(d0, d1) -> (0, 0, 0, 0, 0)>
#map2 = affine_map<(d0, d1) -> (0, 0, 0)>
module attributes {stable_mosaic.version = 14 : i64} {
  func.func @k(%arg0: i32, %arg1: i32, %arg2: memref<10000x128xf32, #tpu.memory_space<hbm>>, %arg3: memref<320000x64xi32, #tpu.memory_space<hbm>>, %arg4: memref<2x16x5x25x80xi32, #tpu.memory_space<hbm>>, %arg5: memref<2x16x5x25x80xi32, #tpu.memory_space<hbm>>, %arg6: memref<2x10112x128xf32, #tpu.memory_space<hbm>>, %arg7: memref<25x80xi32, #tpu.memory_space<vmem>>, %arg8: memref<25x80xi32, #tpu.memory_space<vmem>>, %arg9: memref<80x128xf32, #tpu.memory_space<vmem>>, %arg10: memref<80x64xi32, #tpu.memory_space<vmem>>, %arg11: memref<80x128xf32, #tpu.memory_space<vmem>>, %arg12: memref<80x64xi32, #tpu.memory_space<vmem>>, %arg13: memref<10112x128xf32, #tpu.memory_space<vmem_shared>>, %arg14: memref<!tpu.dma_semaphore, #tpu.memory_space<semaphore_mem>>, %arg15: memref<!tpu.dma_semaphore, #tpu.memory_space<semaphore_mem>>, %arg16: memref<!tpu.dma_semaphore, #tpu.memory_space<semaphore_mem>>, %arg17: memref<!tpu.dma_semaphore, #tpu.memory_space<semaphore_mem>>) attributes {dimension_semantics = [#tpu.dimension_semantics<core_parallel>, #tpu.dimension_semantics<subcore_parallel>], iteration_bounds = array<i64: 2, 16>, scalar_prefetch = 0 : i64, scratch_operands = 11 : i64, tpu.core_type = #tpu.core_type<sc_vector_subcore>, window_params = [{transform_indices = #map}, {transform_indices = #map}, {transform_indices = #map1}, {transform_indices = #map1}, {transform_indices = #map2}]} {
    %mul3A = arith.constant 16 : i32
    %mul3A_0 = arith.muli %arg0, %mul3A : i32
    %add3A = arith.addi %mul3A_0, %arg1 : i32
    %mul3A_1 = arith.constant 10000 : i32
    %mul3A_2 = arith.muli %add3A, %mul3A_1 : i32
    %scan3A = arith.constant 0 : i32
    %scan3A_3 = arith.constant 80 : i32
    %scan3A_4 = arith.addi %scan3A, %scan3A_3 : i32
    %scan3A_5 = arith.constant 1 : i32
    scf.for %scan3A_76 = %scan3A to %scan3A_4 step %scan3A_5  : i32 {
      %mul3A_77 = arith.constant 1 : i32
      %mul3A_78 = arith.muli %scan3A_76, %mul3A_77 : i32
      %add3A_79 = arith.constant 0 : i32
      %add3A_80 = arith.addi %add3A_79, %mul3A_78 : i32
      %broadcast_in_dim3A_81 = arith.constant 0.000000e+00 : f32
      %broadcast_in_dim3A_82 = vector.broadcast %broadcast_in_dim3A_81 : f32 to vector<16xf32>
      %swap3A = arith.index_cast %add3A_80 : i32 to index
      %swap3A_83 = arith.constant 0 : index
      %swap3A_84 = tpu.vector_load %arg9[%swap3A, %swap3A_83] {strides = array<i32>} : memref<80x128xf32, #tpu.memory_space<vmem>>, vector<16xf32>,
      tpu.vector_store %arg9[%swap3A, %swap3A_83], %broadcast_in_dim3A_82 {strides = array<i32>} : memref<80x128xf32, #tpu.memory_space<vmem>>, vector<16xf32>,
      %broadcast_in_dim3A_85 = arith.constant 0.000000e+00 : f32
      %broadcast_in_dim3A_86 = vector.broadcast %broadcast_in_dim3A_85 : f32 to vector<16xf32>
      %swap3A_87 = arith.index_cast %add3A_80 : i32 to index
      %swap3A_88 = arith.constant 16 : index
      %swap3A_89 = tpu.vector_load %arg9[%swap3A_87, %swap3A_88] {strides = array<i32>} : memref<80x128xf32, #tpu.memory_space<vmem>>, vector<16xf32>,
      tpu.vector_store %arg9[%swap3A_87, %swap3A_88], %broadcast_in_dim3A_86 {strides = array<i32>} : memref<80x128xf32, #tpu.memory_space<vmem>>, vector<16xf32>,
      %broadcast_in_dim3A_90 = arith.constant 0.000000e+00 : f32
      %broadcast_in_dim3A_91 = vector.broadcast %broadcast_in_dim3A_90 : f32 to vector<16xf32>
      %swap3A_92 = arith.index_cast %add3A_80 : i32 to index
      %swap3A_93 = arith.constant 32 : index
      %swap3A_94 = tpu.vector_load %arg9[%swap3A_92, %swap3A_93] {strides = array<i32>} : memref<80x128xf32, #tpu.memory_space<vmem>>, vector<16xf32>,
      tpu.vector_store %arg9[%swap3A_92, %swap3A_93], %broadcast_in_dim3A_91 {strides = array<i32>} : memref<80x128xf32, #tpu.memory_space<vmem>>, vector<16xf32>,
      %broadcast_in_dim3A_95 = arith.constant 0.000000e+00 : f32
      %broadcast_in_dim3A_96 = vector.broadcast %broadcast_in_dim3A_95 : f32 to vector<16xf32>
      %swap3A_97 = arith.index_cast %add3A_80 : i32 to index
      %swap3A_98 = arith.constant 48 : index
      %swap3A_99 = tpu.vector_load %arg9[%swap3A_97, %swap3A_98] {strides = array<i32>} : memref<80x128xf32, #tpu.memory_space<vmem>>, vector<16xf32>,
      tpu.vector_store %arg9[%swap3A_97, %swap3A_98], %broadcast_in_dim3A_96 {strides = array<i32>} : memref<80x128xf32, #tpu.memory_space<vmem>>, vector<16xf32>,
      %broadcast_in_dim3A_100 = arith.constant 0.000000e+00 : f32
      %broadcast_in_dim3A_101 = vector.broadcast %broadcast_in_dim3A_100 : f32 to vector<16xf32>
      %swap3A_102 = arith.index_cast %add3A_80 : i32 to index
      %swap3A_103 = arith.constant 64 : index
      %swap3A_104 = tpu.vector_load %arg9[%swap3A_102, %swap3A_103] {strides = array<i32>} : memref<80x128xf32, #tpu.memory_space<vmem>>, vector<16xf32>,
      tpu.vector_store %arg9[%swap3A_102, %swap3A_103], %broadcast_in_dim3A_101 {strides = array<i32>} : memref<80x128xf32, #tpu.memory_space<vmem>>, vector<16xf32>,
      %broadcast_in_dim3A_105 = arith.constant 0.000000e+00 : f32
      %broadcast_in_dim3A_106 = vector.broadcast %broadcast_in_dim3A_105 : f32 to vector<16xf32>
      %swap3A_107 = arith.index_cast %add3A_80 : i32 to index
      %swap3A_108 = arith.constant 80 : index
      %swap3A_109 = tpu.vector_load %arg9[%swap3A_107, %swap3A_108] {strides = array<i32>} : memref<80x128xf32, #tpu.memory_space<vmem>>, vector<16xf32>,
      tpu.vector_store %arg9[%swap3A_107, %swap3A_108], %broadcast_in_dim3A_106 {strides = array<i32>} : memref<80x128xf32, #tpu.memory_space<vmem>>, vector<16xf32>,
      %broadcast_in_dim3A_110 = arith.constant 0.000000e+00 : f32
      %broadcast_in_dim3A_111 = vector.broadcast %broadcast_in_dim3A_110 : f32 to vector<16xf32>
      %swap3A_112 = arith.index_cast %add3A_80 : i32 to index
      %swap3A_113 = arith.constant 96 : index
      %swap3A_114 = tpu.vector_load %arg9[%swap3A_112, %swap3A_113] {strides = array<i32>} : memref<80x128xf32, #tpu.memory_space<vmem>>, vector<16xf32>,
      tpu.vector_store %arg9[%swap3A_112, %swap3A_113], %broadcast_in_dim3A_111 {strides = array<i32>} : memref<80x128xf32, #tpu.memory_space<vmem>>, vector<16xf32>,
      %broadcast_in_dim3A_115 = arith.constant 0.000000e+00 : f32
      %broadcast_in_dim3A_116 = vector.broadcast %broadcast_in_dim3A_115 : f32 to vector<16xf32>
      %swap3A_117 = arith.index_cast %add3A_80 : i32 to index
      %swap3A_118 = arith.constant 112 : index
      %swap3A_119 = tpu.vector_load %arg9[%swap3A_117, %swap3A_118] {strides = array<i32>} : memref<80x128xf32, #tpu.memory_space<vmem>>, vector<16xf32>,
      tpu.vector_store %arg9[%swap3A_117, %swap3A_118], %broadcast_in_dim3A_116 {strides = array<i32>} : memref<80x128xf32, #tpu.memory_space<vmem>>, vector<16xf32>,
    }
    %scan3A_6 = arith.constant 80 : i32
    %scan3A_7 = arith.constant 0 : i32
    %scan3A_8 = arith.constant 7 : i32
    %scan3A_9 = arith.addi %scan3A_7, %scan3A_8 : i32
    %scan3A_10 = arith.constant 1 : i32
    scf.for %scan3A_76 = %scan3A_7 to %scan3A_9 step %scan3A_10  : i32 {
      %mul3A_77 = arith.constant 1 : i32
      %mul3A_78 = arith.muli %scan3A_76, %mul3A_77 : i32
      %add3A_79 = arith.constant 0 : i32
      %add3A_80 = arith.addi %add3A_79, %mul3A_78 : i32
      %mul3A_81 = arith.constant 632 : i32
      %mul3A_82 = arith.muli %arg1, %mul3A_81 : i32
      %mul3A_83 = arith.constant 80 : i32
      %mul3A_84 = arith.muli %add3A_80, %mul3A_83 : i32
      %add3A_85 = arith.addi %mul3A_82, %mul3A_84 : i32
      %dma_start3A_86 = arith.constant 0 : i32
      %dma_start3A_87 = tpu.memref_slice %arg13[%add3A_85, %dma_start3A_86] : memref<10112x128xf32, #tpu.memory_space<vmem_shared>> -> memref<80x128xf32, #tpu.memory_space<vmem_shared>>
      %dma_start3A_88 = arith.constant 0 : i32
      %dma_start3A_89 = tpu.memref_slice %arg13[%add3A_85, %dma_start3A_88] : memref<10112x128xf32, #tpu.memory_space<vmem_shared>> -> memref<80x128xf32, #tpu.memory_space<vmem_shared>>
      tpu.enqueue_dma source(%arg9 : memref<80x128xf32, #tpu.memory_space<vmem>>) target(%dma_start3A_89 : memref<80x128xf32, #tpu.memory_space<vmem_shared>>) target_semaphore(%arg14 : memref<!tpu.dma_semaphore, #tpu.memory_space<semaphore_mem>>)
    }
    %scan3A_11 = arith.constant 7 : i32
    %mul3A_12 = arith.constant 632 : i32
    %mul3A_13 = arith.muli %arg1, %mul3A_12 : i32
    %add3A_14 = arith.constant 560 : i32
    %add3A_15 = arith.addi %mul3A_13, %add3A_14 : i32
    %dma_start3A = arith.constant 0 : i32
    %dma_start3A_16 = arith.constant 0 : i32
    %dma_start3A_17 = tpu.memref_slice %arg9[%dma_start3A, %dma_start3A_16] : memref<80x128xf32, #tpu.memory_space<vmem>> -> memref<72x128xf32, #tpu.memory_space<vmem>>
    %dma_start3A_18 = arith.constant 0 : i32
    %dma_start3A_19 = tpu.memref_slice %arg13[%add3A_15, %dma_start3A_18] : memref<10112x128xf32, #tpu.memory_space<vmem_shared>> -> memref<72x128xf32, #tpu.memory_space<vmem_shared>>
    %dma_start3A_20 = arith.constant 0 : i32
    %dma_start3A_21 = tpu.memref_slice %arg13[%add3A_15, %dma_start3A_20] : memref<10112x128xf32, #tpu.memory_space<vmem_shared>> -> memref<72x128xf32, #tpu.memory_space<vmem_shared>>
    %dma_start3A_22 = arith.constant 0 : i32
    %dma_start3A_23 = arith.constant 0 : i32
    %dma_start3A_24 = tpu.memref_slice %arg9[%dma_start3A_22, %dma_start3A_23] : memref<80x128xf32, #tpu.memory_space<vmem>> -> memref<72x128xf32, #tpu.memory_space<vmem>>
    tpu.enqueue_dma source(%dma_start3A_24 : memref<72x128xf32, #tpu.memory_space<vmem>>) target(%dma_start3A_21 : memref<72x128xf32, #tpu.memory_space<vmem_shared>>) target_semaphore(%arg15 : memref<!tpu.dma_semaphore, #tpu.memory_space<semaphore_mem>>)
    %scan3A_25 = arith.constant 0 : i32
    %scan3A_26 = arith.constant 7 : i32
    %scan3A_27 = arith.addi %scan3A_25, %scan3A_26 : i32
    %scan3A_28 = arith.constant 1 : i32
    scf.for %scan3A_76 = %scan3A_25 to %scan3A_27 step %scan3A_28  : i32 {
      %mul3A_77 = arith.constant 1 : i32
      %mul3A_78 = arith.muli %scan3A_76, %mul3A_77 : i32
      %add3A_79 = arith.constant 0 : i32
      %add3A_80 = arith.addi %add3A_79, %mul3A_78 : i32
      %mul3A_81 = arith.constant 632 : i32
      %mul3A_82 = arith.muli %arg1, %mul3A_81 : i32
      %dma_wait3A_83 = arith.constant 0 : i32
      %dma_wait3A_84 = tpu.memref_slice %arg13[%mul3A_82, %dma_wait3A_83] : memref<10112x128xf32, #tpu.memory_space<vmem_shared>> -> memref<80x128xf32, #tpu.memory_space<vmem_shared>>
      %dma_wait3A_85 = arith.constant 0 : i32
      %dma_wait3A_86 = tpu.memref_slice %arg13[%mul3A_82, %dma_wait3A_85] : memref<10112x128xf32, #tpu.memory_space<vmem_shared>> -> memref<80x128xf32, #tpu.memory_space<vmem_shared>>
      tpu.wait_dma2 semaphore(%arg14 : memref<!tpu.dma_semaphore, #tpu.memory_space<semaphore_mem>>) src(%arg9 : memref<80x128xf32, #tpu.memory_space<vmem>>) dst(%dma_wait3A_86 : memref<80x128xf32, #tpu.memory_space<vmem_shared>>)
    }
    %scan3A_29 = arith.constant 7 : i32
    %mul3A_30 = arith.constant 632 : i32
    %mul3A_31 = arith.muli %arg1, %mul3A_30 : i32
    %dma_wait3A = arith.constant 0 : i32
    %dma_wait3A_32 = arith.constant 0 : i32
    %dma_wait3A_33 = tpu.memref_slice %arg9[%dma_wait3A, %dma_wait3A_32] : memref<80x128xf32, #tpu.memory_space<vmem>> -> memref<72x128xf32, #tpu.memory_space<vmem>>
    %dma_wait3A_34 = arith.constant 0 : i32
    %dma_wait3A_35 = tpu.memref_slice %arg13[%mul3A_31, %dma_wait3A_34] : memref<10112x128xf32, #tpu.memory_space<vmem_shared>> -> memref<72x128xf32, #tpu.memory_space<vmem_shared>>
    %dma_wait3A_36 = arith.constant 0 : i32
    %dma_wait3A_37 = tpu.memref_slice %arg13[%mul3A_31, %dma_wait3A_36] : memref<10112x128xf32, #tpu.memory_space<vmem_shared>> -> memref<72x128xf32, #tpu.memory_space<vmem_shared>>
    %dma_wait3A_38 = arith.constant 0 : i32
    %dma_wait3A_39 = arith.constant 0 : i32
    %dma_wait3A_40 = tpu.memref_slice %arg9[%dma_wait3A_38, %dma_wait3A_39] : memref<80x128xf32, #tpu.memory_space<vmem>> -> memref<72x128xf32, #tpu.memory_space<vmem>>
    tpu.wait_dma2 semaphore(%arg15 : memref<!tpu.dma_semaphore, #tpu.memory_space<semaphore_mem>>) src(%dma_wait3A_40 : memref<72x128xf32, #tpu.memory_space<vmem>>) dst(%dma_wait3A_37 : memref<72x128xf32, #tpu.memory_space<vmem_shared>>)
    %barrier3A = arith.constant 0 : index
    tpu.barrier barrier_id(%barrier3A)
    %broadcast_in_dim3A = arith.constant -65536 : i32
    %broadcast_in_dim3A_41 = vector.broadcast %broadcast_in_dim3A : i32 to vector<16xi32>
    %scan3A_42 = arith.constant 0 : i32
    %scan3A_43 = arith.constant 5 : i32
    %scan3A_44 = arith.addi %scan3A_42, %scan3A_43 : i32
    %scan3A_45 = arith.constant 1 : i32
    scf.for %scan3A_76 = %scan3A_42 to %scan3A_44 step %scan3A_45  : i32 {
      %mul3A_77 = arith.constant 1 : i32
      %mul3A_78 = arith.muli %scan3A_76, %mul3A_77 : i32
      %add3A_79 = arith.constant 0 : i32
      %add3A_80 = arith.addi %add3A_79, %mul3A_78 : i32
      "tpu.region"() ({
        %run_scoped3A = tpu.sem_alloc : memref<!tpu.dma_semaphore, #tpu.memory_space<semaphore_mem>>
        %dma_start3A_122 = arith.constant 0 : i32
        %dma_start3A_123 = arith.constant 0 : i32
        %dma_start3A_124 = tpu.memref_slice %arg4[%arg0, %arg1, %add3A_80, %dma_start3A_122, %dma_start3A_123] : memref<2x16x5x25x80xi32, #tpu.memory_space<hbm>> -> memref<1x1x1x25x80xi32, #tpu.memory_space<hbm>>
        %dma_start3A_125 = tpu.memref_squeeze %dma_start3A_124 : memref<1x1x1x25x80xi32, #tpu.memory_space<hbm>> -> memref<25x80xi32, #tpu.memory_space<hbm>>
        %dma_start3A_126 = arith.constant 0 : i32
        %dma_start3A_127 = arith.constant 0 : i32
        %dma_start3A_128 = tpu.memref_slice %arg4[%arg0, %arg1, %add3A_80, %dma_start3A_126, %dma_start3A_127] : memref<2x16x5x25x80xi32, #tpu.memory_space<hbm>> -> memref<1x1x1x25x80xi32, #tpu.memory_space<hbm>>
        %dma_start3A_129 = tpu.memref_squeeze %dma_start3A_128 : memref<1x1x1x25x80xi32, #tpu.memory_space<hbm>> -> memref<25x80xi32, #tpu.memory_space<hbm>>
        tpu.enqueue_dma source(%dma_start3A_129 : memref<25x80xi32, #tpu.memory_space<hbm>>) target(%arg7 : memref<25x80xi32, #tpu.memory_space<vmem>>) target_semaphore(%run_scoped3A : memref<!tpu.dma_semaphore, #tpu.memory_space<semaphore_mem>>)
        %dma_wait3A_130 = arith.constant 0 : i32
        %dma_wait3A_131 = arith.constant 0 : i32
        %dma_wait3A_132 = tpu.memref_slice %arg4[%arg0, %arg1, %add3A_80, %dma_wait3A_130, %dma_wait3A_131] : memref<2x16x5x25x80xi32, #tpu.memory_space<hbm>> -> memref<1x1x1x25x80xi32, #tpu.memory_space<hbm>>
        %dma_wait3A_133 = tpu.memref_squeeze %dma_wait3A_132 : memref<1x1x1x25x80xi32, #tpu.memory_space<hbm>> -> memref<25x80xi32, #tpu.memory_space<hbm>>
        %dma_wait3A_134 = arith.constant 0 : i32
        %dma_wait3A_135 = arith.constant 0 : i32
        %dma_wait3A_136 = tpu.memref_slice %arg4[%arg0, %arg1, %add3A_80, %dma_wait3A_134, %dma_wait3A_135] : memref<2x16x5x25x80xi32, #tpu.memory_space<hbm>> -> memref<1x1x1x25x80xi32, #tpu.memory_space<hbm>>
        %dma_wait3A_137 = tpu.memref_squeeze %dma_wait3A_136 : memref<1x1x1x25x80xi32, #tpu.memory_space<hbm>> -> memref<25x80xi32, #tpu.memory_space<hbm>>
        tpu.wait_dma2 semaphore(%run_scoped3A : memref<!tpu.dma_semaphore, #tpu.memory_space<semaphore_mem>>) src(%dma_wait3A_137 : memref<25x80xi32, #tpu.memory_space<hbm>>) dst(%arg7 : memref<25x80xi32, #tpu.memory_space<vmem>>)
        tpu.yield
      }) : () -> ()
      "tpu.region"() ({
        %run_scoped3A = tpu.sem_alloc : memref<!tpu.dma_semaphore, #tpu.memory_space<semaphore_mem>>
        %dma_start3A_122 = arith.constant 0 : i32
        %dma_start3A_123 = arith.constant 0 : i32
        %dma_start3A_124 = tpu.memref_slice %arg5[%arg0, %arg1, %add3A_80, %dma_start3A_122, %dma_start3A_123] : memref<2x16x5x25x80xi32, #tpu.memory_space<hbm>> -> memref<1x1x1x25x80xi32, #tpu.memory_space<hbm>>
        %dma_start3A_125 = tpu.memref_squeeze %dma_start3A_124 : memref<1x1x1x25x80xi32, #tpu.memory_space<hbm>> -> memref<25x80xi32, #tpu.memory_space<hbm>>
        %dma_start3A_126 = arith.constant 0 : i32
        %dma_start3A_127 = arith.constant 0 : i32
        %dma_start3A_128 = tpu.memref_slice %arg5[%arg0, %arg1, %add3A_80, %dma_start3A_126, %dma_start3A_127] : memref<2x16x5x25x80xi32, #tpu.memory_space<hbm>> -> memref<1x1x1x25x80xi32, #tpu.memory_space<hbm>>
        %dma_start3A_129 = tpu.memref_squeeze %dma_start3A_128 : memref<1x1x1x25x80xi32, #tpu.memory_space<hbm>> -> memref<25x80xi32, #tpu.memory_space<hbm>>
        tpu.enqueue_dma source(%dma_start3A_129 : memref<25x80xi32, #tpu.memory_space<hbm>>) target(%arg8 : memref<25x80xi32, #tpu.memory_space<vmem>>) target_semaphore(%run_scoped3A : memref<!tpu.dma_semaphore, #tpu.memory_space<semaphore_mem>>)
        %dma_wait3A_130 = arith.constant 0 : i32
        %dma_wait3A_131 = arith.constant 0 : i32
        %dma_wait3A_132 = tpu.memref_slice %arg5[%arg0, %arg1, %add3A_80, %dma_wait3A_130, %dma_wait3A_131] : memref<2x16x5x25x80xi32, #tpu.memory_space<hbm>> -> memref<1x1x1x25x80xi32, #tpu.memory_space<hbm>>
        %dma_wait3A_133 = tpu.memref_squeeze %dma_wait3A_132 : memref<1x1x1x25x80xi32, #tpu.memory_space<hbm>> -> memref<25x80xi32, #tpu.memory_space<hbm>>
        %dma_wait3A_134 = arith.constant 0 : i32
        %dma_wait3A_135 = arith.constant 0 : i32
        %dma_wait3A_136 = tpu.memref_slice %arg5[%arg0, %arg1, %add3A_80, %dma_wait3A_134, %dma_wait3A_135] : memref<2x16x5x25x80xi32, #tpu.memory_space<hbm>> -> memref<1x1x1x25x80xi32, #tpu.memory_space<hbm>>
        %dma_wait3A_137 = tpu.memref_squeeze %dma_wait3A_136 : memref<1x1x1x25x80xi32, #tpu.memory_space<hbm>> -> memref<25x80xi32, #tpu.memory_space<hbm>>
        tpu.wait_dma2 semaphore(%run_scoped3A : memref<!tpu.dma_semaphore, #tpu.memory_space<semaphore_mem>>) src(%dma_wait3A_137 : memref<25x80xi32, #tpu.memory_space<hbm>>) dst(%arg8 : memref<25x80xi32, #tpu.memory_space<vmem>>)
        tpu.yield
      }) : () -> ()
      %dma_start3A_81 = arith.constant 0 : i32
      %dma_start3A_82 = arith.constant 0 : i32
      %dma_start3A_83 = tpu.memref_slice %arg7[%dma_start3A_81, %dma_start3A_82] : memref<25x80xi32, #tpu.memory_space<vmem>> -> memref<1x80xi32, #tpu.memory_space<vmem>>
      %dma_start3A_84 = tpu.memref_squeeze %dma_start3A_83 : memref<1x80xi32, #tpu.memory_space<vmem>> -> memref<80xi32, #tpu.memory_space<vmem>>
      %dma_start3A_85 = arith.constant 0 : i32
      %dma_start3A_86 = arith.constant 0 : i32
      %dma_start3A_87 = tpu.memref_slice %arg2[%dma_start3A_85, %dma_start3A_86] : memref<10000x128xf32, #tpu.memory_space<hbm>> -> memref<10000x128xf32, #tpu.memory_space<hbm>>
      tpu.enqueue_indirect_dma source(%dma_start3A_87 : memref<10000x128xf32, #tpu.memory_space<hbm>>) target(%arg9 : memref<80x128xf32, #tpu.memory_space<vmem>>) offsets(%dma_start3A_84 : memref<80xi32, #tpu.memory_space<vmem>>) semaphore(%arg14 : memref<!tpu.dma_semaphore, #tpu.memory_space<semaphore_mem>>)
      %mul3A_88 = arith.constant 25 : i32
      %mul3A_89 = arith.muli %add3A_80, %mul3A_88 : i32
      %add3A_90 = arith.constant 0 : i32
      %add3A_91 = arith.addi %mul3A_89, %add3A_90 : i32
      %mul3A_92 = arith.constant 80 : i32
      %mul3A_93 = arith.muli %add3A_91, %mul3A_92 : i32
      %add3A_94 = arith.addi %mul3A_2, %mul3A_93 : i32
      %dma_start3A_95 = arith.constant 0 : i32
      %dma_start3A_96 = tpu.memref_slice %arg3[%add3A_94, %dma_start3A_95] : memref<320000x64xi32, #tpu.memory_space<hbm>> -> memref<80x64xi32, #tpu.memory_space<hbm>>
      %dma_start3A_97 = arith.constant 0 : i32
      %dma_start3A_98 = tpu.memref_slice %arg3[%add3A_94, %dma_start3A_97] : memref<320000x64xi32, #tpu.memory_space<hbm>> -> memref<80x64xi32, #tpu.memory_space<hbm>>
      tpu.enqueue_dma source(%dma_start3A_98 : memref<80x64xi32, #tpu.memory_space<hbm>>) target(%arg10 : memref<80x64xi32, #tpu.memory_space<vmem>>) target_semaphore(%arg15 : memref<!tpu.dma_semaphore, #tpu.memory_space<semaphore_mem>>)
      %dma_start3A_99 = arith.constant 1 : i32
      %dma_start3A_100 = arith.constant 0 : i32
      %dma_start3A_101 = tpu.memref_slice %arg7[%dma_start3A_99, %dma_start3A_100] : memref<25x80xi32, #tpu.memory_space<vmem>> -> memref<1x80xi32, #tpu.memory_space<vmem>>
      %dma_start3A_102 = tpu.memref_squeeze %dma_start3A_101 : memref<1x80xi32, #tpu.memory_space<vmem>> -> memref<80xi32, #tpu.memory_space<vmem>>
      %dma_start3A_103 = arith.constant 0 : i32
      %dma_start3A_104 = arith.constant 0 : i32
      %dma_start3A_105 = tpu.memref_slice %arg2[%dma_start3A_103, %dma_start3A_104] : memref<10000x128xf32, #tpu.memory_space<hbm>> -> memref<10000x128xf32, #tpu.memory_space<hbm>>
      tpu.enqueue_indirect_dma source(%dma_start3A_105 : memref<10000x128xf32, #tpu.memory_space<hbm>>) target(%arg11 : memref<80x128xf32, #tpu.memory_space<vmem>>) offsets(%dma_start3A_102 : memref<80xi32, #tpu.memory_space<vmem>>) semaphore(%arg16 : memref<!tpu.dma_semaphore, #tpu.memory_space<semaphore_mem>>)
      %mul3A_106 = arith.constant 25 : i32
      %mul3A_107 = arith.muli %add3A_80, %mul3A_106 : i32
      %add3A_108 = arith.constant 1 : i32
      %add3A_109 = arith.addi %mul3A_107, %add3A_108 : i32
      %mul3A_110 = arith.constant 80 : i32
      %mul3A_111 = arith.muli %add3A_109, %mul3A_110 : i32
      %add3A_112 = arith.addi %mul3A_2, %mul3A_111 : i32
      %dma_start3A_113 = arith.constant 0 : i32
      %dma_start3A_114 = tpu.memref_slice %arg3[%add3A_112, %dma_start3A_113] : memref<320000x64xi32, #tpu.memory_space<hbm>> -> memref<80x64xi32, #tpu.memory_space<hbm>>
      %dma_start3A_115 = arith.constant 0 : i32
      %dma_start3A_116 = tpu.memref_slice %arg3[%add3A_112, %dma_start3A_115] : memref<320000x64xi32, #tpu.memory_space<hbm>> -> memref<80x64xi32, #tpu.memory_space<hbm>>
      tpu.enqueue_dma source(%dma_start3A_116 : memref<80x64xi32, #tpu.memory_space<hbm>>) target(%arg12 : memref<80x64xi32, #tpu.memory_space<vmem>>) target_semaphore(%arg17 : memref<!tpu.dma_semaphore, #tpu.memory_space<semaphore_mem>>)
      %scan3A_117 = arith.constant 0 : i32
      %scan3A_118 = arith.constant 13 : i32
      %scan3A_119 = arith.addi %scan3A_117, %scan3A_118 : i32
      %scan3A_120 = arith.constant 1 : i32
      scf.for %scan3A_122 = %scan3A_117 to %scan3A_119 step %scan3A_120  : i32 {
        %mul3A_123 = arith.constant 2 : i32
        %mul3A_124 = arith.muli %scan3A_122, %mul3A_123 : i32
        %add3A_125 = arith.constant 0 : i32
        %add3A_126 = arith.addi %add3A_125, %mul3A_124 : i32
        %dma_wait3A_127 = arith.constant 0 : i32
        %dma_wait3A_128 = arith.constant 0 : i32
        %dma_wait3A_129 = tpu.memref_slice %arg2[%dma_wait3A_127, %dma_wait3A_128] : memref<10000x128xf32, #tpu.memory_space<hbm>> -> memref<80x128xf32, #tpu.memory_space<hbm>>
        %dma_wait3A_130 = arith.constant 0 : i32
        %dma_wait3A_131 = arith.constant 0 : i32
        %dma_wait3A_132 = tpu.memref_slice %arg2[%dma_wait3A_130, %dma_wait3A_131] : memref<10000x128xf32, #tpu.memory_space<hbm>> -> memref<80x128xf32, #tpu.memory_space<hbm>>
        tpu.wait_dma2 semaphore(%arg14 : memref<!tpu.dma_semaphore, #tpu.memory_space<semaphore_mem>>) src(%dma_wait3A_132 : memref<80x128xf32, #tpu.memory_space<hbm>>) dst(%arg9 : memref<80x128xf32, #tpu.memory_space<vmem>>)
        %dma_wait3A_133 = arith.constant 0 : i32
        %dma_wait3A_134 = arith.constant 0 : i32
        %dma_wait3A_135 = tpu.memref_slice %arg3[%dma_wait3A_133, %dma_wait3A_134] : memref<320000x64xi32, #tpu.memory_space<hbm>> -> memref<80x64xi32, #tpu.memory_space<hbm>>
        %dma_wait3A_136 = arith.constant 0 : i32
        %dma_wait3A_137 = arith.constant 0 : i32
        %dma_wait3A_138 = tpu.memref_slice %arg3[%dma_wait3A_136, %dma_wait3A_137] : memref<320000x64xi32, #tpu.memory_space<hbm>> -> memref<80x64xi32, #tpu.memory_space<hbm>>
        tpu.wait_dma2 semaphore(%arg15 : memref<!tpu.dma_semaphore, #tpu.memory_space<semaphore_mem>>) src(%dma_wait3A_138 : memref<80x64xi32, #tpu.memory_space<hbm>>) dst(%arg10 : memref<80x64xi32, #tpu.memory_space<vmem>>)
        %parallel_loop3A = arith.constant 0 : i32
        %parallel_loop3A_139 = arith.constant 80 : i32
        %parallel_loop3A_140 = arith.constant 1 : i32
        scf.for %parallel_loop3A_152 = %parallel_loop3A to %parallel_loop3A_139 step %parallel_loop3A_140  : i32 {
          %parallel_loop3A_153 = arith.index_cast %parallel_loop3A_152 : i32 to index
          %parallel_loop3A_154 = arith.constant 0 : index
          %parallel_loop3A_155 = tpu.vector_load %arg10[%parallel_loop3A_153, %parallel_loop3A_154] {strides = array<i32>} : memref<80x64xi32, #tpu.memory_space<vmem>>, vector<16xi32>,
          %parallel_loop3A_156 = arith.constant 16 : i32
          %parallel_loop3A_157 = vector.broadcast %parallel_loop3A_156 : i32 to vector<16xi32>
          %parallel_loop3A_158 = arith.shli %parallel_loop3A_155, %parallel_loop3A_157 : vector<16xi32>
          %parallel_loop3A_159 = vector.bitcast %parallel_loop3A_158 : vector<16xi32> to vector<16xf32>
          %parallel_loop3A_160 = arith.andi %parallel_loop3A_155, %broadcast_in_dim3A_41 : vector<16xi32>
          %parallel_loop3A_161 = vector.bitcast %parallel_loop3A_160 : vector<16xi32> to vector<16xf32>
          %parallel_loop3A_162 = arith.index_cast %parallel_loop3A_152 : i32 to index
          %parallel_loop3A_163 = arith.constant 0 : index
          %parallel_loop3A_164 = tpu.vector_load %arg9[%parallel_loop3A_162, %parallel_loop3A_163] {strides = array<i32>} : memref<80x128xf32, #tpu.memory_space<vmem>>, vector<16xf32>,
          %parallel_loop3A_165 = arith.addf %parallel_loop3A_164, %parallel_loop3A_159 : vector<16xf32>
          %parallel_loop3A_166 = arith.constant 0.000000e+00 : f32
          %parallel_loop3A_167 = vector.broadcast %parallel_loop3A_166 : f32 to vector<16xf32>
          %parallel_loop3A_168 = arith.maximumf %parallel_loop3A_165, %parallel_loop3A_167 : vector<16xf32>
          %parallel_loop3A_169 = arith.index_cast %parallel_loop3A_152 : i32 to index
          %parallel_loop3A_170 = arith.constant 0 : index
          %parallel_loop3A_171 = tpu.vector_load %arg9[%parallel_loop3A_169, %parallel_loop3A_170] {strides = array<i32>} : memref<80x128xf32, #tpu.memory_space<vmem>>, vector<16xf32>,
          tpu.vector_store %arg9[%parallel_loop3A_169, %parallel_loop3A_170], %parallel_loop3A_168 {strides = array<i32>} : memref<80x128xf32, #tpu.memory_space<vmem>>, vector<16xf32>,
          %parallel_loop3A_172 = arith.index_cast %parallel_loop3A_152 : i32 to index
          %parallel_loop3A_173 = arith.constant 16 : index
          %parallel_loop3A_174 = tpu.vector_load %arg9[%parallel_loop3A_172, %parallel_loop3A_173] {strides = array<i32>} : memref<80x128xf32, #tpu.memory_space<vmem>>, vector<16xf32>,
          %parallel_loop3A_175 = arith.addf %parallel_loop3A_174, %parallel_loop3A_161 : vector<16xf32>
          %parallel_loop3A_176 = arith.constant 0.000000e+00 : f32
          %parallel_loop3A_177 = vector.broadcast %parallel_loop3A_176 : f32 to vector<16xf32>
          %parallel_loop3A_178 = arith.maximumf %parallel_loop3A_175, %parallel_loop3A_177 : vector<16xf32>
          %parallel_loop3A_179 = arith.index_cast %parallel_loop3A_152 : i32 to index
          %parallel_loop3A_180 = arith.constant 16 : index
          %parallel_loop3A_181 = tpu.vector_load %arg9[%parallel_loop3A_179, %parallel_loop3A_180] {strides = array<i32>} : memref<80x128xf32, #tpu.memory_space<vmem>>, vector<16xf32>,
          tpu.vector_store %arg9[%parallel_loop3A_179, %parallel_loop3A_180], %parallel_loop3A_178 {strides = array<i32>} : memref<80x128xf32, #tpu.memory_space<vmem>>, vector<16xf32>,
          %parallel_loop3A_182 = arith.index_cast %parallel_loop3A_152 : i32 to index
          %parallel_loop3A_183 = arith.constant 16 : index
          %parallel_loop3A_184 = tpu.vector_load %arg10[%parallel_loop3A_182, %parallel_loop3A_183] {strides = array<i32>} : memref<80x64xi32, #tpu.memory_space<vmem>>, vector<16xi32>,
          %parallel_loop3A_185 = arith.constant 16 : i32
          %parallel_loop3A_186 = vector.broadcast %parallel_loop3A_185 : i32 to vector<16xi32>
          %parallel_loop3A_187 = arith.shli %parallel_loop3A_184, %parallel_loop3A_186 : vector<16xi32>
          %parallel_loop3A_188 = vector.bitcast %parallel_loop3A_187 : vector<16xi32> to vector<16xf32>
          %parallel_loop3A_189 = arith.andi %parallel_loop3A_184, %broadcast_in_dim3A_41 : vector<16xi32>
          %parallel_loop3A_190 = vector.bitcast %parallel_loop3A_189 : vector<16xi32> to vector<16xf32>
          %parallel_loop3A_191 = arith.index_cast %parallel_loop3A_152 : i32 to index
          %parallel_loop3A_192 = arith.constant 32 : index
          %parallel_loop3A_193 = tpu.vector_load %arg9[%parallel_loop3A_191, %parallel_loop3A_192] {strides = array<i32>} : memref<80x128xf32, #tpu.memory_space<vmem>>, vector<16xf32>,
          %parallel_loop3A_194 = arith.addf %parallel_loop3A_193, %parallel_loop3A_188 : vector<16xf32>
          %parallel_loop3A_195 = arith.constant 0.000000e+00 : f32
          %parallel_loop3A_196 = vector.broadcast %parallel_loop3A_195 : f32 to vector<16xf32>
          %parallel_loop3A_197 = arith.maximumf %parallel_loop3A_194, %parallel_loop3A_196 : vector<16xf32>
          %parallel_loop3A_198 = arith.index_cast %parallel_loop3A_152 : i32 to index
          %parallel_loop3A_199 = arith.constant 32 : index
          %parallel_loop3A_200 = tpu.vector_load %arg9[%parallel_loop3A_198, %parallel_loop3A_199] {strides = array<i32>} : memref<80x128xf32, #tpu.memory_space<vmem>>, vector<16xf32>,
          tpu.vector_store %arg9[%parallel_loop3A_198, %parallel_loop3A_199], %parallel_loop3A_197 {strides = array<i32>} : memref<80x128xf32, #tpu.memory_space<vmem>>, vector<16xf32>,
          %parallel_loop3A_201 = arith.index_cast %parallel_loop3A_152 : i32 to index
          %parallel_loop3A_202 = arith.constant 48 : index
          %parallel_loop3A_203 = tpu.vector_load %arg9[%parallel_loop3A_201, %parallel_loop3A_202] {strides = array<i32>} : memref<80x128xf32, #tpu.memory_space<vmem>>, vector<16xf32>,
          %parallel_loop3A_204 = arith.addf %parallel_loop3A_203, %parallel_loop3A_190 : vector<16xf32>
          %parallel_loop3A_205 = arith.constant 0.000000e+00 : f32
          %parallel_loop3A_206 = vector.broadcast %parallel_loop3A_205 : f32 to vector<16xf32>
          %parallel_loop3A_207 = arith.maximumf %parallel_loop3A_204, %parallel_loop3A_206 : vector<16xf32>
          %parallel_loop3A_208 = arith.index_cast %parallel_loop3A_152 : i32 to index
          %parallel_loop3A_209 = arith.constant 48 : index
          %parallel_loop3A_210 = tpu.vector_load %arg9[%parallel_loop3A_208, %parallel_loop3A_209] {strides = array<i32>} : memref<80x128xf32, #tpu.memory_space<vmem>>, vector<16xf32>,
          tpu.vector_store %arg9[%parallel_loop3A_208, %parallel_loop3A_209], %parallel_loop3A_207 {strides = array<i32>} : memref<80x128xf32, #tpu.memory_space<vmem>>, vector<16xf32>,
          %parallel_loop3A_211 = arith.index_cast %parallel_loop3A_152 : i32 to index
          %parallel_loop3A_212 = arith.constant 32 : index
          %parallel_loop3A_213 = tpu.vector_load %arg10[%parallel_loop3A_211, %parallel_loop3A_212] {strides = array<i32>} : memref<80x64xi32, #tpu.memory_space<vmem>>, vector<16xi32>,
          %parallel_loop3A_214 = arith.constant 16 : i32
          %parallel_loop3A_215 = vector.broadcast %parallel_loop3A_214 : i32 to vector<16xi32>
          %parallel_loop3A_216 = arith.shli %parallel_loop3A_213, %parallel_loop3A_215 : vector<16xi32>
          %parallel_loop3A_217 = vector.bitcast %parallel_loop3A_216 : vector<16xi32> to vector<16xf32>
          %parallel_loop3A_218 = arith.andi %parallel_loop3A_213, %broadcast_in_dim3A_41 : vector<16xi32>
          %parallel_loop3A_219 = vector.bitcast %parallel_loop3A_218 : vector<16xi32> to vector<16xf32>
          %parallel_loop3A_220 = arith.index_cast %parallel_loop3A_152 : i32 to index
          %parallel_loop3A_221 = arith.constant 64 : index
          %parallel_loop3A_222 = tpu.vector_load %arg9[%parallel_loop3A_220, %parallel_loop3A_221] {strides = array<i32>} : memref<80x128xf32, #tpu.memory_space<vmem>>, vector<16xf32>,
          %parallel_loop3A_223 = arith.addf %parallel_loop3A_222, %parallel_loop3A_217 : vector<16xf32>
          %parallel_loop3A_224 = arith.constant 0.000000e+00 : f32
          %parallel_loop3A_225 = vector.broadcast %parallel_loop3A_224 : f32 to vector<16xf32>
          %parallel_loop3A_226 = arith.maximumf %parallel_loop3A_223, %parallel_loop3A_225 : vector<16xf32>
          %parallel_loop3A_227 = arith.index_cast %parallel_loop3A_152 : i32 to index
          %parallel_loop3A_228 = arith.constant 64 : index
          %parallel_loop3A_229 = tpu.vector_load %arg9[%parallel_loop3A_227, %parallel_loop3A_228] {strides = array<i32>} : memref<80x128xf32, #tpu.memory_space<vmem>>, vector<16xf32>,
          tpu.vector_store %arg9[%parallel_loop3A_227, %parallel_loop3A_228], %parallel_loop3A_226 {strides = array<i32>} : memref<80x128xf32, #tpu.memory_space<vmem>>, vector<16xf32>,
          %parallel_loop3A_230 = arith.index_cast %parallel_loop3A_152 : i32 to index
          %parallel_loop3A_231 = arith.constant 80 : index
          %parallel_loop3A_232 = tpu.vector_load %arg9[%parallel_loop3A_230, %parallel_loop3A_231] {strides = array<i32>} : memref<80x128xf32, #tpu.memory_space<vmem>>, vector<16xf32>,
          %parallel_loop3A_233 = arith.addf %parallel_loop3A_232, %parallel_loop3A_219 : vector<16xf32>
          %parallel_loop3A_234 = arith.constant 0.000000e+00 : f32
          %parallel_loop3A_235 = vector.broadcast %parallel_loop3A_234 : f32 to vector<16xf32>
          %parallel_loop3A_236 = arith.maximumf %parallel_loop3A_233, %parallel_loop3A_235 : vector<16xf32>
          %parallel_loop3A_237 = arith.index_cast %parallel_loop3A_152 : i32 to index
          %parallel_loop3A_238 = arith.constant 80 : index
          %parallel_loop3A_239 = tpu.vector_load %arg9[%parallel_loop3A_237, %parallel_loop3A_238] {strides = array<i32>} : memref<80x128xf32, #tpu.memory_space<vmem>>, vector<16xf32>,
          tpu.vector_store %arg9[%parallel_loop3A_237, %parallel_loop3A_238], %parallel_loop3A_236 {strides = array<i32>} : memref<80x128xf32, #tpu.memory_space<vmem>>, vector<16xf32>,
          %parallel_loop3A_240 = arith.index_cast %parallel_loop3A_152 : i32 to index
          %parallel_loop3A_241 = arith.constant 48 : index
          %parallel_loop3A_242 = tpu.vector_load %arg10[%parallel_loop3A_240, %parallel_loop3A_241] {strides = array<i32>} : memref<80x64xi32, #tpu.memory_space<vmem>>, vector<16xi32>,
          %parallel_loop3A_243 = arith.constant 16 : i32
          %parallel_loop3A_244 = vector.broadcast %parallel_loop3A_243 : i32 to vector<16xi32>
          %parallel_loop3A_245 = arith.shli %parallel_loop3A_242, %parallel_loop3A_244 : vector<16xi32>
          %parallel_loop3A_246 = vector.bitcast %parallel_loop3A_245 : vector<16xi32> to vector<16xf32>
          %parallel_loop3A_247 = arith.andi %parallel_loop3A_242, %broadcast_in_dim3A_41 : vector<16xi32>
          %parallel_loop3A_248 = vector.bitcast %parallel_loop3A_247 : vector<16xi32> to vector<16xf32>
          %parallel_loop3A_249 = arith.index_cast %parallel_loop3A_152 : i32 to index
          %parallel_loop3A_250 = arith.constant 96 : index
          %parallel_loop3A_251 = tpu.vector_load %arg9[%parallel_loop3A_249, %parallel_loop3A_250] {strides = array<i32>} : memref<80x128xf32, #tpu.memory_space<vmem>>, vector<16xf32>,
          %parallel_loop3A_252 = arith.addf %parallel_loop3A_251, %parallel_loop3A_246 : vector<16xf32>
          %parallel_loop3A_253 = arith.constant 0.000000e+00 : f32
          %parallel_loop3A_254 = vector.broadcast %parallel_loop3A_253 : f32 to vector<16xf32>
          %parallel_loop3A_255 = arith.maximumf %parallel_loop3A_252, %parallel_loop3A_254 : vector<16xf32>
          %parallel_loop3A_256 = arith.index_cast %parallel_loop3A_152 : i32 to index
          %parallel_loop3A_257 = arith.constant 96 : index
          %parallel_loop3A_258 = tpu.vector_load %arg9[%parallel_loop3A_256, %parallel_loop3A_257] {strides = array<i32>} : memref<80x128xf32, #tpu.memory_space<vmem>>, vector<16xf32>,
          tpu.vector_store %arg9[%parallel_loop3A_256, %parallel_loop3A_257], %parallel_loop3A_255 {strides = array<i32>} : memref<80x128xf32, #tpu.memory_space<vmem>>, vector<16xf32>,
          %parallel_loop3A_259 = arith.index_cast %parallel_loop3A_152 : i32 to index
          %parallel_loop3A_260 = arith.constant 112 : index
          %parallel_loop3A_261 = tpu.vector_load %arg9[%parallel_loop3A_259, %parallel_loop3A_260] {strides = array<i32>} : memref<80x128xf32, #tpu.memory_space<vmem>>, vector<16xf32>,
          %parallel_loop3A_262 = arith.addf %parallel_loop3A_261, %parallel_loop3A_248 : vector<16xf32>
          %parallel_loop3A_263 = arith.constant 0.000000e+00 : f32
          %parallel_loop3A_264 = vector.broadcast %parallel_loop3A_263 : f32 to vector<16xf32>
          %parallel_loop3A_265 = arith.maximumf %parallel_loop3A_262, %parallel_loop3A_264 : vector<16xf32>
          %parallel_loop3A_266 = arith.index_cast %parallel_loop3A_152 : i32 to index
          %parallel_loop3A_267 = arith.constant 112 : index
          %parallel_loop3A_268 = tpu.vector_load %arg9[%parallel_loop3A_266, %parallel_loop3A_267] {strides = array<i32>} : memref<80x128xf32, #tpu.memory_space<vmem>>, vector<16xf32>,
          tpu.vector_store %arg9[%parallel_loop3A_266, %parallel_loop3A_267], %parallel_loop3A_265 {strides = array<i32>} : memref<80x128xf32, #tpu.memory_space<vmem>>, vector<16xf32>,
        } {sc.loop_unroll_factor = 1 : i64, sc.parallel_access}
        "tpu.region"() ({
          %run_scoped3A = tpu.sem_alloc : memref<!tpu.dma_semaphore, #tpu.memory_space<semaphore_mem>>
          %dma_start3A_152 = arith.constant 0 : i32
          %dma_start3A_153 = tpu.memref_slice %arg8[%add3A_126, %dma_start3A_152] : memref<25x80xi32, #tpu.memory_space<vmem>> -> memref<1x80xi32, #tpu.memory_space<vmem>>
          %dma_start3A_154 = tpu.memref_squeeze %dma_start3A_153 : memref<1x80xi32, #tpu.memory_space<vmem>> -> memref<80xi32, #tpu.memory_space<vmem>>
          %dma_start3A_155 = arith.constant 0 : i32
          %dma_start3A_156 = arith.constant 0 : i32
          %dma_start3A_157 = tpu.memref_slice %arg13[%dma_start3A_155, %dma_start3A_156] : memref<10112x128xf32, #tpu.memory_space<vmem_shared>> -> memref<10112x128xf32, #tpu.memory_space<vmem_shared>>
          tpu.enqueue_indirect_dma source(%arg9 : memref<80x128xf32, #tpu.memory_space<vmem>>) target(%dma_start3A_157 : memref<10112x128xf32, #tpu.memory_space<vmem_shared>>) offsets(%dma_start3A_154 : memref<80xi32, #tpu.memory_space<vmem>>) semaphore(%run_scoped3A : memref<!tpu.dma_semaphore, #tpu.memory_space<semaphore_mem>>) {add = true}
          %dma_wait3A_158 = arith.constant 0 : i32
          %dma_wait3A_159 = tpu.memref_slice %arg8[%add3A_126, %dma_wait3A_158] : memref<25x80xi32, #tpu.memory_space<vmem>> -> memref<1x80xi32, #tpu.memory_space<vmem>>
          %dma_wait3A_160 = tpu.memref_squeeze %dma_wait3A_159 : memref<1x80xi32, #tpu.memory_space<vmem>> -> memref<80xi32, #tpu.memory_space<vmem>>
          %dma_wait3A_161 = arith.constant 0 : i32
          %dma_wait3A_162 = arith.constant 0 : i32
          %dma_wait3A_163 = tpu.memref_slice %arg13[%dma_wait3A_161, %dma_wait3A_162] : memref<10112x128xf32, #tpu.memory_space<vmem_shared>> -> memref<10112x128xf32, #tpu.memory_space<vmem_shared>>
          tpu.wait_indirect_dma semaphore(%run_scoped3A : memref<!tpu.dma_semaphore, #tpu.memory_space<semaphore_mem>>) src(%arg9 : memref<80x128xf32, #tpu.memory_space<vmem>>) dst(%dma_wait3A_163 : memref<10112x128xf32, #tpu.memory_space<vmem_shared>>)
          tpu.yield
        }) : () -> ()
        %add3A_141 = arith.constant 2 : i32
        %add3A_142 = arith.addi %add3A_126, %add3A_141 : i32
        %lt3A = arith.constant 25 : i32
        %lt3A_143 = arith.cmpi slt, %add3A_142, %lt3A : i32
        %convert_element_type3A = arith.extui %lt3A_143 : i1 to i32
        %cond3A = arith.constant 0 : i32
        %cond3A_144 = arith.cmpi ne, %convert_element_type3A, %cond3A : i32
        scf.if %cond3A_144 {
          %add3A_152 = arith.constant 2 : i32
          %add3A_153 = arith.addi %add3A_126, %add3A_152 : i32
          %dma_start3A_154 = arith.constant 0 : i32
          %dma_start3A_155 = tpu.memref_slice %arg7[%add3A_153, %dma_start3A_154] : memref<25x80xi32, #tpu.memory_space<vmem>> -> memref<1x80xi32, #tpu.memory_space<vmem>>
          %dma_start3A_156 = tpu.memref_squeeze %dma_start3A_155 : memref<1x80xi32, #tpu.memory_space<vmem>> -> memref<80xi32, #tpu.memory_space<vmem>>
          %dma_start3A_157 = arith.constant 0 : i32
          %dma_start3A_158 = arith.constant 0 : i32
          %dma_start3A_159 = tpu.memref_slice %arg2[%dma_start3A_157, %dma_start3A_158] : memref<10000x128xf32, #tpu.memory_space<hbm>> -> memref<10000x128xf32, #tpu.memory_space<hbm>>
          tpu.enqueue_indirect_dma source(%dma_start3A_159 : memref<10000x128xf32, #tpu.memory_space<hbm>>) target(%arg9 : memref<80x128xf32, #tpu.memory_space<vmem>>) offsets(%dma_start3A_156 : memref<80xi32, #tpu.memory_space<vmem>>) semaphore(%arg14 : memref<!tpu.dma_semaphore, #tpu.memory_space<semaphore_mem>>)
          %mul3A_160 = arith.constant 25 : i32
          %mul3A_161 = arith.muli %add3A_80, %mul3A_160 : i32
          %add3A_162 = arith.addi %mul3A_161, %add3A_153 : i32
          %mul3A_163 = arith.constant 80 : i32
          %mul3A_164 = arith.muli %add3A_162, %mul3A_163 : i32
          %add3A_165 = arith.addi %mul3A_2, %mul3A_164 : i32
          %dma_start3A_166 = arith.constant 0 : i32
          %dma_start3A_167 = tpu.memref_slice %arg3[%add3A_165, %dma_start3A_166] : memref<320000x64xi32, #tpu.memory_space<hbm>> -> memref<80x64xi32, #tpu.memory_space<hbm>>
          %dma_start3A_168 = arith.constant 0 : i32
          %dma_start3A_169 = tpu.memref_slice %arg3[%add3A_165, %dma_start3A_168] : memref<320000x64xi32, #tpu.memory_space<hbm>> -> memref<80x64xi32, #tpu.memory_space<hbm>>
          tpu.enqueue_dma source(%dma_start3A_169 : memref<80x64xi32, #tpu.memory_space<hbm>>) target(%arg10 : memref<80x64xi32, #tpu.memory_space<vmem>>) target_semaphore(%arg15 : memref<!tpu.dma_semaphore, #tpu.memory_space<semaphore_mem>>)
        } else {
        }
        %add3A_145 = arith.constant 1 : i32
        %add3A_146 = arith.addi %add3A_126, %add3A_145 : i32
        %lt3A_147 = arith.constant 25 : i32
        %lt3A_148 = arith.cmpi slt, %add3A_146, %lt3A_147 : i32
        %convert_element_type3A_149 = arith.extui %lt3A_148 : i1 to i32
        %cond3A_150 = arith.constant 0 : i32
        %cond3A_151 = arith.cmpi ne, %convert_element_type3A_149, %cond3A_150 : i32
        scf.if %cond3A_151 {
          %dma_wait3A_152 = arith.constant 0 : i32
          %dma_wait3A_153 = arith.constant 0 : i32
          %dma_wait3A_154 = tpu.memref_slice %arg2[%dma_wait3A_152, %dma_wait3A_153] : memref<10000x128xf32, #tpu.memory_space<hbm>> -> memref<80x128xf32, #tpu.memory_space<hbm>>
          %dma_wait3A_155 = arith.constant 0 : i32
          %dma_wait3A_156 = arith.constant 0 : i32
          %dma_wait3A_157 = tpu.memref_slice %arg2[%dma_wait3A_155, %dma_wait3A_156] : memref<10000x128xf32, #tpu.memory_space<hbm>> -> memref<80x128xf32, #tpu.memory_space<hbm>>
          tpu.wait_dma2 semaphore(%arg16 : memref<!tpu.dma_semaphore, #tpu.memory_space<semaphore_mem>>) src(%dma_wait3A_157 : memref<80x128xf32, #tpu.memory_space<hbm>>) dst(%arg11 : memref<80x128xf32, #tpu.memory_space<vmem>>)
          %dma_wait3A_158 = arith.constant 0 : i32
          %dma_wait3A_159 = arith.constant 0 : i32
          %dma_wait3A_160 = tpu.memref_slice %arg3[%dma_wait3A_158, %dma_wait3A_159] : memref<320000x64xi32, #tpu.memory_space<hbm>> -> memref<80x64xi32, #tpu.memory_space<hbm>>
          %dma_wait3A_161 = arith.constant 0 : i32
          %dma_wait3A_162 = arith.constant 0 : i32
          %dma_wait3A_163 = tpu.memref_slice %arg3[%dma_wait3A_161, %dma_wait3A_162] : memref<320000x64xi32, #tpu.memory_space<hbm>> -> memref<80x64xi32, #tpu.memory_space<hbm>>
          tpu.wait_dma2 semaphore(%arg17 : memref<!tpu.dma_semaphore, #tpu.memory_space<semaphore_mem>>) src(%dma_wait3A_163 : memref<80x64xi32, #tpu.memory_space<hbm>>) dst(%arg12 : memref<80x64xi32, #tpu.memory_space<vmem>>)
          %add3A_164 = arith.constant 1 : i32
          %add3A_165 = arith.addi %add3A_126, %add3A_164 : i32
          %parallel_loop3A_166 = arith.constant 0 : i32
          %parallel_loop3A_167 = arith.constant 80 : i32
          %parallel_loop3A_168 = arith.constant 1 : i32
          scf.for %parallel_loop3A_176 = %parallel_loop3A_166 to %parallel_loop3A_167 step %parallel_loop3A_168  : i32 {
            %parallel_loop3A_177 = arith.index_cast %parallel_loop3A_176 : i32 to index
            %parallel_loop3A_178 = arith.constant 0 : index
            %parallel_loop3A_179 = tpu.vector_load %arg12[%parallel_loop3A_177, %parallel_loop3A_178] {strides = array<i32>} : memref<80x64xi32, #tpu.memory_space<vmem>>, vector<16xi32>,
            %parallel_loop3A_180 = arith.constant 16 : i32
            %parallel_loop3A_181 = vector.broadcast %parallel_loop3A_180 : i32 to vector<16xi32>
            %parallel_loop3A_182 = arith.shli %parallel_loop3A_179, %parallel_loop3A_181 : vector<16xi32>
            %parallel_loop3A_183 = vector.bitcast %parallel_loop3A_182 : vector<16xi32> to vector<16xf32>
            %parallel_loop3A_184 = arith.andi %parallel_loop3A_179, %broadcast_in_dim3A_41 : vector<16xi32>
            %parallel_loop3A_185 = vector.bitcast %parallel_loop3A_184 : vector<16xi32> to vector<16xf32>
            %parallel_loop3A_186 = arith.index_cast %parallel_loop3A_176 : i32 to index
            %parallel_loop3A_187 = arith.constant 0 : index
            %parallel_loop3A_188 = tpu.vector_load %arg11[%parallel_loop3A_186, %parallel_loop3A_187] {strides = array<i32>} : memref<80x128xf32, #tpu.memory_space<vmem>>, vector<16xf32>,
            %parallel_loop3A_189 = arith.addf %parallel_loop3A_188, %parallel_loop3A_183 : vector<16xf32>
            %parallel_loop3A_190 = arith.constant 0.000000e+00 : f32
            %parallel_loop3A_191 = vector.broadcast %parallel_loop3A_190 : f32 to vector<16xf32>
            %parallel_loop3A_192 = arith.maximumf %parallel_loop3A_189, %parallel_loop3A_191 : vector<16xf32>
            %parallel_loop3A_193 = arith.index_cast %parallel_loop3A_176 : i32 to index
            %parallel_loop3A_194 = arith.constant 0 : index
            %parallel_loop3A_195 = tpu.vector_load %arg11[%parallel_loop3A_193, %parallel_loop3A_194] {strides = array<i32>} : memref<80x128xf32, #tpu.memory_space<vmem>>, vector<16xf32>,
            tpu.vector_store %arg11[%parallel_loop3A_193, %parallel_loop3A_194], %parallel_loop3A_192 {strides = array<i32>} : memref<80x128xf32, #tpu.memory_space<vmem>>, vector<16xf32>,
            %parallel_loop3A_196 = arith.index_cast %parallel_loop3A_176 : i32 to index
            %parallel_loop3A_197 = arith.constant 16 : index
            %parallel_loop3A_198 = tpu.vector_load %arg11[%parallel_loop3A_196, %parallel_loop3A_197] {strides = array<i32>} : memref<80x128xf32, #tpu.memory_space<vmem>>, vector<16xf32>,
            %parallel_loop3A_199 = arith.addf %parallel_loop3A_198, %parallel_loop3A_185 : vector<16xf32>
            %parallel_loop3A_200 = arith.constant 0.000000e+00 : f32
            %parallel_loop3A_201 = vector.broadcast %parallel_loop3A_200 : f32 to vector<16xf32>
            %parallel_loop3A_202 = arith.maximumf %parallel_loop3A_199, %parallel_loop3A_201 : vector<16xf32>
            %parallel_loop3A_203 = arith.index_cast %parallel_loop3A_176 : i32 to index
            %parallel_loop3A_204 = arith.constant 16 : index
            %parallel_loop3A_205 = tpu.vector_load %arg11[%parallel_loop3A_203, %parallel_loop3A_204] {strides = array<i32>} : memref<80x128xf32, #tpu.memory_space<vmem>>, vector<16xf32>,
            tpu.vector_store %arg11[%parallel_loop3A_203, %parallel_loop3A_204], %parallel_loop3A_202 {strides = array<i32>} : memref<80x128xf32, #tpu.memory_space<vmem>>, vector<16xf32>,
            %parallel_loop3A_206 = arith.index_cast %parallel_loop3A_176 : i32 to index
            %parallel_loop3A_207 = arith.constant 16 : index
            %parallel_loop3A_208 = tpu.vector_load %arg12[%parallel_loop3A_206, %parallel_loop3A_207] {strides = array<i32>} : memref<80x64xi32, #tpu.memory_space<vmem>>, vector<16xi32>,
            %parallel_loop3A_209 = arith.constant 16 : i32
            %parallel_loop3A_210 = vector.broadcast %parallel_loop3A_209 : i32 to vector<16xi32>
            %parallel_loop3A_211 = arith.shli %parallel_loop3A_208, %parallel_loop3A_210 : vector<16xi32>
            %parallel_loop3A_212 = vector.bitcast %parallel_loop3A_211 : vector<16xi32> to vector<16xf32>
            %parallel_loop3A_213 = arith.andi %parallel_loop3A_208, %broadcast_in_dim3A_41 : vector<16xi32>
            %parallel_loop3A_214 = vector.bitcast %parallel_loop3A_213 : vector<16xi32> to vector<16xf32>
            %parallel_loop3A_215 = arith.index_cast %parallel_loop3A_176 : i32 to index
            %parallel_loop3A_216 = arith.constant 32 : index
            %parallel_loop3A_217 = tpu.vector_load %arg11[%parallel_loop3A_215, %parallel_loop3A_216] {strides = array<i32>} : memref<80x128xf32, #tpu.memory_space<vmem>>, vector<16xf32>,
            %parallel_loop3A_218 = arith.addf %parallel_loop3A_217, %parallel_loop3A_212 : vector<16xf32>
            %parallel_loop3A_219 = arith.constant 0.000000e+00 : f32
            %parallel_loop3A_220 = vector.broadcast %parallel_loop3A_219 : f32 to vector<16xf32>
            %parallel_loop3A_221 = arith.maximumf %parallel_loop3A_218, %parallel_loop3A_220 : vector<16xf32>
            %parallel_loop3A_222 = arith.index_cast %parallel_loop3A_176 : i32 to index
            %parallel_loop3A_223 = arith.constant 32 : index
            %parallel_loop3A_224 = tpu.vector_load %arg11[%parallel_loop3A_222, %parallel_loop3A_223] {strides = array<i32>} : memref<80x128xf32, #tpu.memory_space<vmem>>, vector<16xf32>,
            tpu.vector_store %arg11[%parallel_loop3A_222, %parallel_loop3A_223], %parallel_loop3A_221 {strides = array<i32>} : memref<80x128xf32, #tpu.memory_space<vmem>>, vector<16xf32>,
            %parallel_loop3A_225 = arith.index_cast %parallel_loop3A_176 : i32 to index
            %parallel_loop3A_226 = arith.constant 48 : index
            %parallel_loop3A_227 = tpu.vector_load %arg11[%parallel_loop3A_225, %parallel_loop3A_226] {strides = array<i32>} : memref<80x128xf32, #tpu.memory_space<vmem>>, vector<16xf32>,
            %parallel_loop3A_228 = arith.addf %parallel_loop3A_227, %parallel_loop3A_214 : vector<16xf32>
            %parallel_loop3A_229 = arith.constant 0.000000e+00 : f32
            %parallel_loop3A_230 = vector.broadcast %parallel_loop3A_229 : f32 to vector<16xf32>
            %parallel_loop3A_231 = arith.maximumf %parallel_loop3A_228, %parallel_loop3A_230 : vector<16xf32>
            %parallel_loop3A_232 = arith.index_cast %parallel_loop3A_176 : i32 to index
            %parallel_loop3A_233 = arith.constant 48 : index
            %parallel_loop3A_234 = tpu.vector_load %arg11[%parallel_loop3A_232, %parallel_loop3A_233] {strides = array<i32>} : memref<80x128xf32, #tpu.memory_space<vmem>>, vector<16xf32>,
            tpu.vector_store %arg11[%parallel_loop3A_232, %parallel_loop3A_233], %parallel_loop3A_231 {strides = array<i32>} : memref<80x128xf32, #tpu.memory_space<vmem>>, vector<16xf32>,
            %parallel_loop3A_235 = arith.index_cast %parallel_loop3A_176 : i32 to index
            %parallel_loop3A_236 = arith.constant 32 : index
            %parallel_loop3A_237 = tpu.vector_load %arg12[%parallel_loop3A_235, %parallel_loop3A_236] {strides = array<i32>} : memref<80x64xi32, #tpu.memory_space<vmem>>, vector<16xi32>,
            %parallel_loop3A_238 = arith.constant 16 : i32
            %parallel_loop3A_239 = vector.broadcast %parallel_loop3A_238 : i32 to vector<16xi32>
            %parallel_loop3A_240 = arith.shli %parallel_loop3A_237, %parallel_loop3A_239 : vector<16xi32>
            %parallel_loop3A_241 = vector.bitcast %parallel_loop3A_240 : vector<16xi32> to vector<16xf32>
            %parallel_loop3A_242 = arith.andi %parallel_loop3A_237, %broadcast_in_dim3A_41 : vector<16xi32>
            %parallel_loop3A_243 = vector.bitcast %parallel_loop3A_242 : vector<16xi32> to vector<16xf32>
            %parallel_loop3A_244 = arith.index_cast %parallel_loop3A_176 : i32 to index
            %parallel_loop3A_245 = arith.constant 64 : index
            %parallel_loop3A_246 = tpu.vector_load %arg11[%parallel_loop3A_244, %parallel_loop3A_245] {strides = array<i32>} : memref<80x128xf32, #tpu.memory_space<vmem>>, vector<16xf32>,
            %parallel_loop3A_247 = arith.addf %parallel_loop3A_246, %parallel_loop3A_241 : vector<16xf32>
            %parallel_loop3A_248 = arith.constant 0.000000e+00 : f32
            %parallel_loop3A_249 = vector.broadcast %parallel_loop3A_248 : f32 to vector<16xf32>
            %parallel_loop3A_250 = arith.maximumf %parallel_loop3A_247, %parallel_loop3A_249 : vector<16xf32>
            %parallel_loop3A_251 = arith.index_cast %parallel_loop3A_176 : i32 to index
            %parallel_loop3A_252 = arith.constant 64 : index
            %parallel_loop3A_253 = tpu.vector_load %arg11[%parallel_loop3A_251, %parallel_loop3A_252] {strides = array<i32>} : memref<80x128xf32, #tpu.memory_space<vmem>>, vector<16xf32>,
            tpu.vector_store %arg11[%parallel_loop3A_251, %parallel_loop3A_252], %parallel_loop3A_250 {strides = array<i32>} : memref<80x128xf32, #tpu.memory_space<vmem>>, vector<16xf32>,
            %parallel_loop3A_254 = arith.index_cast %parallel_loop3A_176 : i32 to index
            %parallel_loop3A_255 = arith.constant 80 : index
            %parallel_loop3A_256 = tpu.vector_load %arg11[%parallel_loop3A_254, %parallel_loop3A_255] {strides = array<i32>} : memref<80x128xf32, #tpu.memory_space<vmem>>, vector<16xf32>,
            %parallel_loop3A_257 = arith.addf %parallel_loop3A_256, %parallel_loop3A_243 : vector<16xf32>
            %parallel_loop3A_258 = arith.constant 0.000000e+00 : f32
            %parallel_loop3A_259 = vector.broadcast %parallel_loop3A_258 : f32 to vector<16xf32>
            %parallel_loop3A_260 = arith.maximumf %parallel_loop3A_257, %parallel_loop3A_259 : vector<16xf32>
            %parallel_loop3A_261 = arith.index_cast %parallel_loop3A_176 : i32 to index
            %parallel_loop3A_262 = arith.constant 80 : index
            %parallel_loop3A_263 = tpu.vector_load %arg11[%parallel_loop3A_261, %parallel_loop3A_262] {strides = array<i32>} : memref<80x128xf32, #tpu.memory_space<vmem>>, vector<16xf32>,
            tpu.vector_store %arg11[%parallel_loop3A_261, %parallel_loop3A_262], %parallel_loop3A_260 {strides = array<i32>} : memref<80x128xf32, #tpu.memory_space<vmem>>, vector<16xf32>,
            %parallel_loop3A_264 = arith.index_cast %parallel_loop3A_176 : i32 to index
            %parallel_loop3A_265 = arith.constant 48 : index
            %parallel_loop3A_266 = tpu.vector_load %arg12[%parallel_loop3A_264, %parallel_loop3A_265] {strides = array<i32>} : memref<80x64xi32, #tpu.memory_space<vmem>>, vector<16xi32>,
            %parallel_loop3A_267 = arith.constant 16 : i32
            %parallel_loop3A_268 = vector.broadcast %parallel_loop3A_267 : i32 to vector<16xi32>
            %parallel_loop3A_269 = arith.shli %parallel_loop3A_266, %parallel_loop3A_268 : vector<16xi32>
            %parallel_loop3A_270 = vector.bitcast %parallel_loop3A_269 : vector<16xi32> to vector<16xf32>
            %parallel_loop3A_271 = arith.andi %parallel_loop3A_266, %broadcast_in_dim3A_41 : vector<16xi32>
            %parallel_loop3A_272 = vector.bitcast %parallel_loop3A_271 : vector<16xi32> to vector<16xf32>
            %parallel_loop3A_273 = arith.index_cast %parallel_loop3A_176 : i32 to index
            %parallel_loop3A_274 = arith.constant 96 : index
            %parallel_loop3A_275 = tpu.vector_load %arg11[%parallel_loop3A_273, %parallel_loop3A_274] {strides = array<i32>} : memref<80x128xf32, #tpu.memory_space<vmem>>, vector<16xf32>,
            %parallel_loop3A_276 = arith.addf %parallel_loop3A_275, %parallel_loop3A_270 : vector<16xf32>
            %parallel_loop3A_277 = arith.constant 0.000000e+00 : f32
            %parallel_loop3A_278 = vector.broadcast %parallel_loop3A_277 : f32 to vector<16xf32>
            %parallel_loop3A_279 = arith.maximumf %parallel_loop3A_276, %parallel_loop3A_278 : vector<16xf32>
            %parallel_loop3A_280 = arith.index_cast %parallel_loop3A_176 : i32 to index
            %parallel_loop3A_281 = arith.constant 96 : index
            %parallel_loop3A_282 = tpu.vector_load %arg11[%parallel_loop3A_280, %parallel_loop3A_281] {strides = array<i32>} : memref<80x128xf32, #tpu.memory_space<vmem>>, vector<16xf32>,
            tpu.vector_store %arg11[%parallel_loop3A_280, %parallel_loop3A_281], %parallel_loop3A_279 {strides = array<i32>} : memref<80x128xf32, #tpu.memory_space<vmem>>, vector<16xf32>,
            %parallel_loop3A_283 = arith.index_cast %parallel_loop3A_176 : i32 to index
            %parallel_loop3A_284 = arith.constant 112 : index
            %parallel_loop3A_285 = tpu.vector_load %arg11[%parallel_loop3A_283, %parallel_loop3A_284] {strides = array<i32>} : memref<80x128xf32, #tpu.memory_space<vmem>>, vector<16xf32>,
            %parallel_loop3A_286 = arith.addf %parallel_loop3A_285, %parallel_loop3A_272 : vector<16xf32>
            %parallel_loop3A_287 = arith.constant 0.000000e+00 : f32
            %parallel_loop3A_288 = vector.broadcast %parallel_loop3A_287 : f32 to vector<16xf32>
            %parallel_loop3A_289 = arith.maximumf %parallel_loop3A_286, %parallel_loop3A_288 : vector<16xf32>
            %parallel_loop3A_290 = arith.index_cast %parallel_loop3A_176 : i32 to index
            %parallel_loop3A_291 = arith.constant 112 : index
            %parallel_loop3A_292 = tpu.vector_load %arg11[%parallel_loop3A_290, %parallel_loop3A_291] {strides = array<i32>} : memref<80x128xf32, #tpu.memory_space<vmem>>, vector<16xf32>,
            tpu.vector_store %arg11[%parallel_loop3A_290, %parallel_loop3A_291], %parallel_loop3A_289 {strides = array<i32>} : memref<80x128xf32, #tpu.memory_space<vmem>>, vector<16xf32>,
          } {sc.loop_unroll_factor = 1 : i64, sc.parallel_access}
          "tpu.region"() ({
            %run_scoped3A = tpu.sem_alloc : memref<!tpu.dma_semaphore, #tpu.memory_space<semaphore_mem>>
            %dma_start3A_176 = arith.constant 0 : i32
            %dma_start3A_177 = tpu.memref_slice %arg8[%add3A_165, %dma_start3A_176] : memref<25x80xi32, #tpu.memory_space<vmem>> -> memref<1x80xi32, #tpu.memory_space<vmem>>
            %dma_start3A_178 = tpu.memref_squeeze %dma_start3A_177 : memref<1x80xi32, #tpu.memory_space<vmem>> -> memref<80xi32, #tpu.memory_space<vmem>>
            %dma_start3A_179 = arith.constant 0 : i32
            %dma_start3A_180 = arith.constant 0 : i32
            %dma_start3A_181 = tpu.memref_slice %arg13[%dma_start3A_179, %dma_start3A_180] : memref<10112x128xf32, #tpu.memory_space<vmem_shared>> -> memref<10112x128xf32, #tpu.memory_space<vmem_shared>>
            tpu.enqueue_indirect_dma source(%arg11 : memref<80x128xf32, #tpu.memory_space<vmem>>) target(%dma_start3A_181 : memref<10112x128xf32, #tpu.memory_space<vmem_shared>>) offsets(%dma_start3A_178 : memref<80xi32, #tpu.memory_space<vmem>>) semaphore(%run_scoped3A : memref<!tpu.dma_semaphore, #tpu.memory_space<semaphore_mem>>) {add = true}
            %dma_wait3A_182 = arith.constant 0 : i32
            %dma_wait3A_183 = tpu.memref_slice %arg8[%add3A_165, %dma_wait3A_182] : memref<25x80xi32, #tpu.memory_space<vmem>> -> memref<1x80xi32, #tpu.memory_space<vmem>>
            %dma_wait3A_184 = tpu.memref_squeeze %dma_wait3A_183 : memref<1x80xi32, #tpu.memory_space<vmem>> -> memref<80xi32, #tpu.memory_space<vmem>>
            %dma_wait3A_185 = arith.constant 0 : i32
            %dma_wait3A_186 = arith.constant 0 : i32
            %dma_wait3A_187 = tpu.memref_slice %arg13[%dma_wait3A_185, %dma_wait3A_186] : memref<10112x128xf32, #tpu.memory_space<vmem_shared>> -> memref<10112x128xf32, #tpu.memory_space<vmem_shared>>
            tpu.wait_indirect_dma semaphore(%run_scoped3A : memref<!tpu.dma_semaphore, #tpu.memory_space<semaphore_mem>>) src(%arg11 : memref<80x128xf32, #tpu.memory_space<vmem>>) dst(%dma_wait3A_187 : memref<10112x128xf32, #tpu.memory_space<vmem_shared>>)
            tpu.yield
          }) : () -> ()
          %add3A_169 = arith.constant 3 : i32
          %add3A_170 = arith.addi %add3A_126, %add3A_169 : i32
          %lt3A_171 = arith.constant 25 : i32
          %lt3A_172 = arith.cmpi slt, %add3A_170, %lt3A_171 : i32
          %convert_element_type3A_173 = arith.extui %lt3A_172 : i1 to i32
          %cond3A_174 = arith.constant 0 : i32
          %cond3A_175 = arith.cmpi ne, %convert_element_type3A_173, %cond3A_174 : i32
          scf.if %cond3A_175 {
            %add3A_176 = arith.constant 3 : i32
            %add3A_177 = arith.addi %add3A_126, %add3A_176 : i32
            %dma_start3A_178 = arith.constant 0 : i32
            %dma_start3A_179 = tpu.memref_slice %arg7[%add3A_177, %dma_start3A_178] : memref<25x80xi32, #tpu.memory_space<vmem>> -> memref<1x80xi32, #tpu.memory_space<vmem>>
            %dma_start3A_180 = tpu.memref_squeeze %dma_start3A_179 : memref<1x80xi32, #tpu.memory_space<vmem>> -> memref<80xi32, #tpu.memory_space<vmem>>
            %dma_start3A_181 = arith.constant 0 : i32
            %dma_start3A_182 = arith.constant 0 : i32
            %dma_start3A_183 = tpu.memref_slice %arg2[%dma_start3A_181, %dma_start3A_182] : memref<10000x128xf32, #tpu.memory_space<hbm>> -> memref<10000x128xf32, #tpu.memory_space<hbm>>
            tpu.enqueue_indirect_dma source(%dma_start3A_183 : memref<10000x128xf32, #tpu.memory_space<hbm>>) target(%arg11 : memref<80x128xf32, #tpu.memory_space<vmem>>) offsets(%dma_start3A_180 : memref<80xi32, #tpu.memory_space<vmem>>) semaphore(%arg16 : memref<!tpu.dma_semaphore, #tpu.memory_space<semaphore_mem>>)
            %mul3A_184 = arith.constant 25 : i32
            %mul3A_185 = arith.muli %add3A_80, %mul3A_184 : i32
            %add3A_186 = arith.addi %mul3A_185, %add3A_177 : i32
            %mul3A_187 = arith.constant 80 : i32
            %mul3A_188 = arith.muli %add3A_186, %mul3A_187 : i32
            %add3A_189 = arith.addi %mul3A_2, %mul3A_188 : i32
            %dma_start3A_190 = arith.constant 0 : i32
            %dma_start3A_191 = tpu.memref_slice %arg3[%add3A_189, %dma_start3A_190] : memref<320000x64xi32, #tpu.memory_space<hbm>> -> memref<80x64xi32, #tpu.memory_space<hbm>>
            %dma_start3A_192 = arith.constant 0 : i32
            %dma_start3A_193 = tpu.memref_slice %arg3[%add3A_189, %dma_start3A_192] : memref<320000x64xi32, #tpu.memory_space<hbm>> -> memref<80x64xi32, #tpu.memory_space<hbm>>
            tpu.enqueue_dma source(%dma_start3A_193 : memref<80x64xi32, #tpu.memory_space<hbm>>) target(%arg12 : memref<80x64xi32, #tpu.memory_space<vmem>>) target_semaphore(%arg17 : memref<!tpu.dma_semaphore, #tpu.memory_space<semaphore_mem>>)
          } else {
          }
        } else {
        }
      }
      %scan3A_121 = arith.constant 13 : i32
    }
    %scan3A_46 = arith.constant 5 : i32
    %barrier3A_47 = arith.constant 0 : index
    tpu.barrier barrier_id(%barrier3A_47)
    %scan3A_48 = arith.constant 0 : i32
    %scan3A_49 = arith.constant 7 : i32
    %scan3A_50 = arith.addi %scan3A_48, %scan3A_49 : i32
    %scan3A_51 = arith.constant 1 : i32
    scf.for %scan3A_76 = %scan3A_48 to %scan3A_50 step %scan3A_51  : i32 {
      %mul3A_77 = arith.constant 1 : i32
      %mul3A_78 = arith.muli %scan3A_76, %mul3A_77 : i32
      %add3A_79 = arith.constant 0 : i32
      %add3A_80 = arith.addi %add3A_79, %mul3A_78 : i32
      %mul3A_81 = arith.constant 632 : i32
      %mul3A_82 = arith.muli %arg1, %mul3A_81 : i32
      %mul3A_83 = arith.constant 80 : i32
      %mul3A_84 = arith.muli %add3A_80, %mul3A_83 : i32
      %add3A_85 = arith.addi %mul3A_82, %mul3A_84 : i32
      %dma_start3A_86 = arith.constant 0 : i32
      %dma_start3A_87 = tpu.memref_slice %arg6[%arg0, %add3A_85, %dma_start3A_86] : memref<2x10112x128xf32, #tpu.memory_space<hbm>> -> memref<1x80x128xf32, #tpu.memory_space<hbm>>
      %dma_start3A_88 = tpu.memref_squeeze %dma_start3A_87 : memref<1x80x128xf32, #tpu.memory_space<hbm>> -> memref<80x128xf32, #tpu.memory_space<hbm>>
      %dma_start3A_89 = arith.constant 0 : i32
      %dma_start3A_90 = tpu.memref_slice %arg13[%add3A_85, %dma_start3A_89] : memref<10112x128xf32, #tpu.memory_space<vmem_shared>> -> memref<80x128xf32, #tpu.memory_space<vmem_shared>>
      tpu.enqueue_dma source(%dma_start3A_90 : memref<80x128xf32, #tpu.memory_space<vmem_shared>>) target(%dma_start3A_88 : memref<80x128xf32, #tpu.memory_space<hbm>>) target_semaphore(%arg14 : memref<!tpu.dma_semaphore, #tpu.memory_space<semaphore_mem>>)
    }
    %scan3A_52 = arith.constant 7 : i32
    %mul3A_53 = arith.constant 632 : i32
    %mul3A_54 = arith.muli %arg1, %mul3A_53 : i32
    %add3A_55 = arith.constant 560 : i32
    %add3A_56 = arith.addi %mul3A_54, %add3A_55 : i32
    %dma_start3A_57 = arith.constant 0 : i32
    %dma_start3A_58 = tpu.memref_slice %arg6[%arg0, %add3A_56, %dma_start3A_57] : memref<2x10112x128xf32, #tpu.memory_space<hbm>> -> memref<1x72x128xf32, #tpu.memory_space<hbm>>
    %dma_start3A_59 = tpu.memref_squeeze %dma_start3A_58 : memref<1x72x128xf32, #tpu.memory_space<hbm>> -> memref<72x128xf32, #tpu.memory_space<hbm>>
    %dma_start3A_60 = arith.constant 0 : i32
    %dma_start3A_61 = tpu.memref_slice %arg13[%add3A_56, %dma_start3A_60] : memref<10112x128xf32, #tpu.memory_space<vmem_shared>> -> memref<72x128xf32, #tpu.memory_space<vmem_shared>>
    tpu.enqueue_dma source(%dma_start3A_61 : memref<72x128xf32, #tpu.memory_space<vmem_shared>>) target(%dma_start3A_59 : memref<72x128xf32, #tpu.memory_space<hbm>>) target_semaphore(%arg15 : memref<!tpu.dma_semaphore, #tpu.memory_space<semaphore_mem>>)
    %scan3A_62 = arith.constant 0 : i32
    %scan3A_63 = arith.constant 7 : i32
    %scan3A_64 = arith.addi %scan3A_62, %scan3A_63 : i32
    %scan3A_65 = arith.constant 1 : i32
    scf.for %scan3A_76 = %scan3A_62 to %scan3A_64 step %scan3A_65  : i32 {
      %mul3A_77 = arith.constant 1 : i32
      %mul3A_78 = arith.muli %scan3A_76, %mul3A_77 : i32
      %add3A_79 = arith.constant 0 : i32
      %add3A_80 = arith.addi %add3A_79, %mul3A_78 : i32
      %mul3A_81 = arith.constant 632 : i32
      %mul3A_82 = arith.muli %arg1, %mul3A_81 : i32
      %mul3A_83 = arith.constant 632 : i32
      %mul3A_84 = arith.muli %arg1, %mul3A_83 : i32
      %dma_wait3A_85 = arith.constant 0 : i32
      %dma_wait3A_86 = tpu.memref_slice %arg6[%arg0, %mul3A_84, %dma_wait3A_85] : memref<2x10112x128xf32, #tpu.memory_space<hbm>> -> memref<1x80x128xf32, #tpu.memory_space<hbm>>
      %dma_wait3A_87 = tpu.memref_squeeze %dma_wait3A_86 : memref<1x80x128xf32, #tpu.memory_space<hbm>> -> memref<80x128xf32, #tpu.memory_space<hbm>>
      %dma_wait3A_88 = arith.constant 0 : i32
      %dma_wait3A_89 = tpu.memref_slice %arg13[%mul3A_82, %dma_wait3A_88] : memref<10112x128xf32, #tpu.memory_space<vmem_shared>> -> memref<80x128xf32, #tpu.memory_space<vmem_shared>>
      tpu.wait_dma2 semaphore(%arg14 : memref<!tpu.dma_semaphore, #tpu.memory_space<semaphore_mem>>) src(%dma_wait3A_89 : memref<80x128xf32, #tpu.memory_space<vmem_shared>>) dst(%dma_wait3A_87 : memref<80x128xf32, #tpu.memory_space<hbm>>)
    }
    %scan3A_66 = arith.constant 7 : i32
    %mul3A_67 = arith.constant 632 : i32
    %mul3A_68 = arith.muli %arg1, %mul3A_67 : i32
    %mul3A_69 = arith.constant 632 : i32
    %mul3A_70 = arith.muli %arg1, %mul3A_69 : i32
    %dma_wait3A_71 = arith.constant 0 : i32
    %dma_wait3A_72 = tpu.memref_slice %arg6[%arg0, %mul3A_70, %dma_wait3A_71] : memref<2x10112x128xf32, #tpu.memory_space<hbm>> -> memref<1x72x128xf32, #tpu.memory_space<hbm>>
    %dma_wait3A_73 = tpu.memref_squeeze %dma_wait3A_72 : memref<1x72x128xf32, #tpu.memory_space<hbm>> -> memref<72x128xf32, #tpu.memory_space<hbm>>
    %dma_wait3A_74 = arith.constant 0 : i32
    %dma_wait3A_75 = tpu.memref_slice %arg13[%mul3A_68, %dma_wait3A_74] : memref<10112x128xf32, #tpu.memory_space<vmem_shared>> -> memref<72x128xf32, #tpu.memory_space<vmem_shared>>
    tpu.wait_dma2 semaphore(%arg15 : memref<!tpu.dma_semaphore, #tpu.memory_space<semaphore_mem>>) src(%dma_wait3A_75 : memref<72x128xf32, #tpu.memory_space<vmem_shared>>) dst(%dma_wait3A_73 : memref<72x128xf32, #tpu.memory_space<hbm>>)
    return
  }
}

#map = affine_map<(d0, d1) -> (0, 0)>
#map1 = affine_map<(d0, d1) -> (0, 0, 0, 0, 0)>
#map2 = affine_map<(d0, d1) -> (0, 0, 0)>
module attributes {stable_mosaic.version = 14 : i64} {
  func.func @k(%arg0: i32, %arg1: i32, %arg2: memref<10000x128xf32, #tpu.memory_space<hbm>>, %arg3: memref<320000x64xi32, #tpu.memory_space<hbm>>, %arg4: memref<2x16x5x25x80xi32, #tpu.memory_space<hbm>>, %arg5: memref<2x16x5x25x80xi32, #tpu.memory_space<hbm>>, %arg6: memref<2x10112x128xf32, #tpu.memory_space<hbm>>, %arg7: memref<25x80xi32, #tpu.memory_space<vmem>>, %arg8: memref<25x80xi32, #tpu.memory_space<vmem>>, %arg9: memref<80x128xf32, #tpu.memory_space<vmem>>, %arg10: memref<80x64xi32, #tpu.memory_space<vmem>>, %arg11: memref<80x128xf32, #tpu.memory_space<vmem>>, %arg12: memref<80x64xi32, #tpu.memory_space<vmem>>, %arg13: memref<10112x128xf32, #tpu.memory_space<vmem_shared>>, %arg14: memref<!tpu.dma_semaphore, #tpu.memory_space<semaphore_mem>>, %arg15: memref<!tpu.dma_semaphore, #tpu.memory_space<semaphore_mem>>, %arg16: memref<!tpu.dma_semaphore, #tpu.memory_space<semaphore_mem>>, %arg17: memref<!tpu.dma_semaphore, #tpu.memory_space<semaphore_mem>>) attributes {dimension_semantics = [#tpu.dimension_semantics<core_parallel>, #tpu.dimension_semantics<subcore_parallel>], iteration_bounds = array<i64: 2, 16>, scalar_prefetch = 0 : i64, scratch_operands = 11 : i64, tpu.core_type = #tpu.core_type<sc_vector_subcore>, window_params = [{transform_indices = #map}, {transform_indices = #map}, {transform_indices = #map1}, {transform_indices = #map1}, {transform_indices = #map2}]} {
    %mul3A = arith.constant 16 : i32
    %mul3A_0 = arith.muli %arg0, %mul3A : i32
    %add3A = arith.addi %mul3A_0, %arg1 : i32
    %mul3A_1 = arith.constant 10000 : i32
    %mul3A_2 = arith.muli %add3A, %mul3A_1 : i32
    %scan3A = arith.constant 0 : i32
    %scan3A_3 = arith.constant 80 : i32
    %scan3A_4 = arith.addi %scan3A, %scan3A_3 : i32
    %scan3A_5 = arith.constant 1 : i32
    scf.for %scan3A_76 = %scan3A to %scan3A_4 step %scan3A_5  : i32 {
      %mul3A_77 = arith.constant 1 : i32
      %mul3A_78 = arith.muli %scan3A_76, %mul3A_77 : i32
      %add3A_79 = arith.constant 0 : i32
      %add3A_80 = arith.addi %add3A_79, %mul3A_78 : i32
      %broadcast_in_dim3A_81 = arith.constant 0.000000e+00 : f32
      %broadcast_in_dim3A_82 = vector.broadcast %broadcast_in_dim3A_81 : f32 to vector<16xf32>
      %swap3A = arith.index_cast %add3A_80 : i32 to index
      %swap3A_83 = arith.constant 0 : index
      %swap3A_84 = tpu.vector_load %arg9[%swap3A, %swap3A_83] {strides = array<i32>} : memref<80x128xf32, #tpu.memory_space<vmem>>, vector<16xf32>,
      tpu.vector_store %arg9[%swap3A, %swap3A_83], %broadcast_in_dim3A_82 {strides = array<i32>} : memref<80x128xf32, #tpu.memory_space<vmem>>, vector<16xf32>,
      %broadcast_in_dim3A_85 = arith.constant 0.000000e+00 : f32
      %broadcast_in_dim3A_86 = vector.broadcast %broadcast_in_dim3A_85 : f32 to vector<16xf32>
      %swap3A_87 = arith.index_cast %add3A_80 : i32 to index
      %swap3A_88 = arith.constant 16 : index
      %swap3A_89 = tpu.vector_load %arg9[%swap3A_87, %swap3A_88] {strides = array<i32>} : memref<80x128xf32, #tpu.memory_space<vmem>>, vector<16xf32>,
      tpu.vector_store %arg9[%swap3A_87, %swap3A_88], %broadcast_in_dim3A_86 {strides = array<i32>} : memref<80x128xf32, #tpu.memory_space<vmem>>, vector<16xf32>,
      %broadcast_in_dim3A_90 = arith.constant 0.000000e+00 : f32
      %broadcast_in_dim3A_91 = vector.broadcast %broadcast_in_dim3A_90 : f32 to vector<16xf32>
      %swap3A_92 = arith.index_cast %add3A_80 : i32 to index
      %swap3A_93 = arith.constant 32 : index
      %swap3A_94 = tpu.vector_load %arg9[%swap3A_92, %swap3A_93] {strides = array<i32>} : memref<80x128xf32, #tpu.memory_space<vmem>>, vector<16xf32>,
      tpu.vector_store %arg9[%swap3A_92, %swap3A_93], %broadcast_in_dim3A_91 {strides = array<i32>} : memref<80x128xf32, #tpu.memory_space<vmem>>, vector<16xf32>,
      %broadcast_in_dim3A_95 = arith.constant 0.000000e+00 : f32
      %broadcast_in_dim3A_96 = vector.broadcast %broadcast_in_dim3A_95 : f32 to vector<16xf32>
      %swap3A_97 = arith.index_cast %add3A_80 : i32 to index
      %swap3A_98 = arith.constant 48 : index
      %swap3A_99 = tpu.vector_load %arg9[%swap3A_97, %swap3A_98] {strides = array<i32>} : memref<80x128xf32, #tpu.memory_space<vmem>>, vector<16xf32>,
      tpu.vector_store %arg9[%swap3A_97, %swap3A_98], %broadcast_in_dim3A_96 {strides = array<i32>} : memref<80x128xf32, #tpu.memory_space<vmem>>, vector<16xf32>,
      %broadcast_in_dim3A_100 = arith.constant 0.000000e+00 : f32
      %broadcast_in_dim3A_101 = vector.broadcast %broadcast_in_dim3A_100 : f32 to vector<16xf32>
      %swap3A_102 = arith.index_cast %add3A_80 : i32 to index
      %swap3A_103 = arith.constant 64 : index
      %swap3A_104 = tpu.vector_load %arg9[%swap3A_102, %swap3A_103] {strides = array<i32>} : memref<80x128xf32, #tpu.memory_space<vmem>>, vector<16xf32>,
      tpu.vector_store %arg9[%swap3A_102, %swap3A_103], %broadcast_in_dim3A_101 {strides = array<i32>} : memref<80x128xf32, #tpu.memory_space<vmem>>, vector<16xf32>,
      %broadcast_in_dim3A_105 = arith.constant 0.000000e+00 : f32
      %broadcast_in_dim3A_106 = vector.broadcast %broadcast_in_dim3A_105 : f32 to vector<16xf32>
      %swap3A_107 = arith.index_cast %add3A_80 : i32 to index
      %swap3A_108 = arith.constant 80 : index
      %swap3A_109 = tpu.vector_load %arg9[%swap3A_107, %swap3A_108] {strides = array<i32>} : memref<80x128xf32, #tpu.memory_space<vmem>>, vector<16xf32>,
      tpu.vector_store %arg9[%swap3A_107, %swap3A_108], %broadcast_in_dim3A_106 {strides = array<i32>} : memref<80x128xf32, #tpu.memory_space<vmem>>, vector<16xf32>,
      %broadcast_in_dim3A_110 = arith.constant 0.000000e+00 : f32
      %broadcast_in_dim3A_111 = vector.broadcast %broadcast_in_dim3A_110 : f32 to vector<16xf32>
      %swap3A_112 = arith.index_cast %add3A_80 : i32 to index
      %swap3A_113 = arith.constant 96 : index
      %swap3A_114 = tpu.vector_load %arg9[%swap3A_112, %swap3A_113] {strides = array<i32>} : memref<80x128xf32, #tpu.memory_space<vmem>>, vector<16xf32>,
      tpu.vector_store %arg9[%swap3A_112, %swap3A_113], %broadcast_in_dim3A_111 {strides = array<i32>} : memref<80x128xf32, #tpu.memory_space<vmem>>, vector<16xf32>,
      %broadcast_in_dim3A_115 = arith.constant 0.000000e+00 : f32
      %broadcast_in_dim3A_116 = vector.broadcast %broadcast_in_dim3A_115 : f32 to vector<16xf32>
      %swap3A_117 = arith.index_cast %add3A_80 : i32 to index
      %swap3A_118 = arith.constant 112 : index
      %swap3A_119 = tpu.vector_load %arg9[%swap3A_117, %swap3A_118] {strides = array<i32>} : memref<80x128xf32, #tpu.memory_space<vmem>>, vector<16xf32>,
      tpu.vector_store %arg9[%swap3A_117, %swap3A_118], %broadcast_in_dim3A_116 {strides = array<i32>} : memref<80x128xf32, #tpu.memory_space<vmem>>, vector<16xf32>,
    }
    %scan3A_6 = arith.constant 80 : i32
    %scan3A_7 = arith.constant 0 : i32
    %scan3A_8 = arith.constant 7 : i32
    %scan3A_9 = arith.addi %scan3A_7, %scan3A_8 : i32
    %scan3A_10 = arith.constant 1 : i32
    scf.for %scan3A_76 = %scan3A_7 to %scan3A_9 step %scan3A_10  : i32 {
      %mul3A_77 = arith.constant 1 : i32
      %mul3A_78 = arith.muli %scan3A_76, %mul3A_77 : i32
      %add3A_79 = arith.constant 0 : i32
      %add3A_80 = arith.addi %add3A_79, %mul3A_78 : i32
      %mul3A_81 = arith.constant 632 : i32
      %mul3A_82 = arith.muli %arg1, %mul3A_81 : i32
      %mul3A_83 = arith.constant 80 : i32
      %mul3A_84 = arith.muli %add3A_80, %mul3A_83 : i32
      %add3A_85 = arith.addi %mul3A_82, %mul3A_84 : i32
      %dma_start3A_86 = arith.constant 0 : i32
      %dma_start3A_87 = tpu.memref_slice %arg13[%add3A_85, %dma_start3A_86] : memref<10112x128xf32, #tpu.memory_space<vmem_shared>> -> memref<80x128xf32, #tpu.memory_space<vmem_shared>>
      %dma_start3A_88 = arith.constant 0 : i32
      %dma_start3A_89 = tpu.memref_slice %arg13[%add3A_85, %dma_start3A_88] : memref<10112x128xf32, #tpu.memory_space<vmem_shared>> -> memref<80x128xf32, #tpu.memory_space<vmem_shared>>
      tpu.enqueue_dma source(%arg9 : memref<80x128xf32, #tpu.memory_space<vmem>>) target(%dma_start3A_89 : memref<80x128xf32, #tpu.memory_space<vmem_shared>>) target_semaphore(%arg14 : memref<!tpu.dma_semaphore, #tpu.memory_space<semaphore_mem>>)
    }
    %scan3A_11 = arith.constant 7 : i32
    %mul3A_12 = arith.constant 632 : i32
    %mul3A_13 = arith.muli %arg1, %mul3A_12 : i32
    %add3A_14 = arith.constant 560 : i32
    %add3A_15 = arith.addi %mul3A_13, %add3A_14 : i32
    %dma_start3A = arith.constant 0 : i32
    %dma_start3A_16 = arith.constant 0 : i32
    %dma_start3A_17 = tpu.memref_slice %arg9[%dma_start3A, %dma_start3A_16] : memref<80x128xf32, #tpu.memory_space<vmem>> -> memref<72x128xf32, #tpu.memory_space<vmem>>
    %dma_start3A_18 = arith.constant 0 : i32
    %dma_start3A_19 = tpu.memref_slice %arg13[%add3A_15, %dma_start3A_18] : memref<10112x128xf32, #tpu.memory_space<vmem_shared>> -> memref<72x128xf32, #tpu.memory_space<vmem_shared>>
    %dma_start3A_20 = arith.constant 0 : i32
    %dma_start3A_21 = tpu.memref_slice %arg13[%add3A_15, %dma_start3A_20] : memref<10112x128xf32, #tpu.memory_space<vmem_shared>> -> memref<72x128xf32, #tpu.memory_space<vmem_shared>>
    %dma_start3A_22 = arith.constant 0 : i32
    %dma_start3A_23 = arith.constant 0 : i32
    %dma_start3A_24 = tpu.memref_slice %arg9[%dma_start3A_22, %dma_start3A_23] : memref<80x128xf32, #tpu.memory_space<vmem>> -> memref<72x128xf32, #tpu.memory_space<vmem>>
    tpu.enqueue_dma source(%dma_start3A_24 : memref<72x128xf32, #tpu.memory_space<vmem>>) target(%dma_start3A_21 : memref<72x128xf32, #tpu.memory_space<vmem_shared>>) target_semaphore(%arg15 : memref<!tpu.dma_semaphore, #tpu.memory_space<semaphore_mem>>)
    %scan3A_25 = arith.constant 0 : i32
    %scan3A_26 = arith.constant 7 : i32
    %scan3A_27 = arith.addi %scan3A_25, %scan3A_26 : i32
    %scan3A_28 = arith.constant 1 : i32
    scf.for %scan3A_76 = %scan3A_25 to %scan3A_27 step %scan3A_28  : i32 {
      %mul3A_77 = arith.constant 1 : i32
      %mul3A_78 = arith.muli %scan3A_76, %mul3A_77 : i32
      %add3A_79 = arith.constant 0 : i32
      %add3A_80 = arith.addi %add3A_79, %mul3A_78 : i32
      %mul3A_81 = arith.constant 632 : i32
      %mul3A_82 = arith.muli %arg1, %mul3A_81 : i32
      %dma_wait3A_83 = arith.constant 0 : i32
      %dma_wait3A_84 = tpu.memref_slice %arg13[%mul3A_82, %dma_wait3A_83] : memref<10112x128xf32, #tpu.memory_space<vmem_shared>> -> memref<80x128xf32, #tpu.memory_space<vmem_shared>>
      %dma_wait3A_85 = arith.constant 0 : i32
      %dma_wait3A_86 = tpu.memref_slice %arg13[%mul3A_82, %dma_wait3A_85] : memref<10112x128xf32, #tpu.memory_space<vmem_shared>> -> memref<80x128xf32, #tpu.memory_space<vmem_shared>>
      tpu.wait_dma2 semaphore(%arg14 : memref<!tpu.dma_semaphore, #tpu.memory_space<semaphore_mem>>) src(%arg9 : memref<80x128xf32, #tpu.memory_space<vmem>>) dst(%dma_wait3A_86 : memref<80x128xf32, #tpu.memory_space<vmem_shared>>)
    }
    %scan3A_29 = arith.constant 7 : i32
    %mul3A_30 = arith.constant 632 : i32
    %mul3A_31 = arith.muli %arg1, %mul3A_30 : i32
    %dma_wait3A = arith.constant 0 : i32
    %dma_wait3A_32 = arith.constant 0 : i32
    %dma_wait3A_33 = tpu.memref_slice %arg9[%dma_wait3A, %dma_wait3A_32] : memref<80x128xf32, #tpu.memory_space<vmem>> -> memref<72x128xf32, #tpu.memory_space<vmem>>
    %dma_wait3A_34 = arith.constant 0 : i32
    %dma_wait3A_35 = tpu.memref_slice %arg13[%mul3A_31, %dma_wait3A_34] : memref<10112x128xf32, #tpu.memory_space<vmem_shared>> -> memref<72x128xf32, #tpu.memory_space<vmem_shared>>
    %dma_wait3A_36 = arith.constant 0 : i32
    %dma_wait3A_37 = tpu.memref_slice %arg13[%mul3A_31, %dma_wait3A_36] : memref<10112x128xf32, #tpu.memory_space<vmem_shared>> -> memref<72x128xf32, #tpu.memory_space<vmem_shared>>
    %dma_wait3A_38 = arith.constant 0 : i32
    %dma_wait3A_39 = arith.constant 0 : i32
    %dma_wait3A_40 = tpu.memref_slice %arg9[%dma_wait3A_38, %dma_wait3A_39] : memref<80x128xf32, #tpu.memory_space<vmem>> -> memref<72x128xf32, #tpu.memory_space<vmem>>
    tpu.wait_dma2 semaphore(%arg15 : memref<!tpu.dma_semaphore, #tpu.memory_space<semaphore_mem>>) src(%dma_wait3A_40 : memref<72x128xf32, #tpu.memory_space<vmem>>) dst(%dma_wait3A_37 : memref<72x128xf32, #tpu.memory_space<vmem_shared>>)
    %barrier3A = arith.constant 0 : index
    tpu.barrier barrier_id(%barrier3A)
    %broadcast_in_dim3A = arith.constant -65536 : i32
    %broadcast_in_dim3A_41 = vector.broadcast %broadcast_in_dim3A : i32 to vector<16xi32>
    %scan3A_42 = arith.constant 0 : i32
    %scan3A_43 = arith.constant 5 : i32
    %scan3A_44 = arith.addi %scan3A_42, %scan3A_43 : i32
    %scan3A_45 = arith.constant 1 : i32
    scf.for %scan3A_76 = %scan3A_42 to %scan3A_44 step %scan3A_45  : i32 {
      %mul3A_77 = arith.constant 1 : i32
      %mul3A_78 = arith.muli %scan3A_76, %mul3A_77 : i32
      %add3A_79 = arith.constant 0 : i32
      %add3A_80 = arith.addi %add3A_79, %mul3A_78 : i32
      "tpu.region"() ({
        %run_scoped3A = tpu.sem_alloc : memref<!tpu.dma_semaphore, #tpu.memory_space<semaphore_mem>>
        %dma_start3A_122 = arith.constant 0 : i32
        %dma_start3A_123 = arith.constant 0 : i32
        %dma_start3A_124 = tpu.memref_slice %arg4[%arg0, %arg1, %add3A_80, %dma_start3A_122, %dma_start3A_123] : memref<2x16x5x25x80xi32, #tpu.memory_space<hbm>> -> memref<1x1x1x25x80xi32, #tpu.memory_space<hbm>>
        %dma_start3A_125 = tpu.memref_squeeze %dma_start3A_124 : memref<1x1x1x25x80xi32, #tpu.memory_space<hbm>> -> memref<25x80xi32, #tpu.memory_space<hbm>>
        %dma_start3A_126 = arith.constant 0 : i32
        %dma_start3A_127 = arith.constant 0 : i32
        %dma_start3A_128 = tpu.memref_slice %arg4[%arg0, %arg1, %add3A_80, %dma_start3A_126, %dma_start3A_127] : memref<2x16x5x25x80xi32, #tpu.memory_space<hbm>> -> memref<1x1x1x25x80xi32, #tpu.memory_space<hbm>>
        %dma_start3A_129 = tpu.memref_squeeze %dma_start3A_128 : memref<1x1x1x25x80xi32, #tpu.memory_space<hbm>> -> memref<25x80xi32, #tpu.memory_space<hbm>>
        tpu.enqueue_dma source(%dma_start3A_129 : memref<25x80xi32, #tpu.memory_space<hbm>>) target(%arg7 : memref<25x80xi32, #tpu.memory_space<vmem>>) target_semaphore(%run_scoped3A : memref<!tpu.dma_semaphore, #tpu.memory_space<semaphore_mem>>)
        %dma_wait3A_130 = arith.constant 0 : i32
        %dma_wait3A_131 = arith.constant 0 : i32
        %dma_wait3A_132 = tpu.memref_slice %arg4[%arg0, %arg1, %add3A_80, %dma_wait3A_130, %dma_wait3A_131] : memref<2x16x5x25x80xi32, #tpu.memory_space<hbm>> -> memref<1x1x1x25x80xi32, #tpu.memory_space<hbm>>
        %dma_wait3A_133 = tpu.memref_squeeze %dma_wait3A_132 : memref<1x1x1x25x80xi32, #tpu.memory_space<hbm>> -> memref<25x80xi32, #tpu.memory_space<hbm>>
        %dma_wait3A_134 = arith.constant 0 : i32
        %dma_wait3A_135 = arith.constant 0 : i32
        %dma_wait3A_136 = tpu.memref_slice %arg4[%arg0, %arg1, %add3A_80, %dma_wait3A_134, %dma_wait3A_135] : memref<2x16x5x25x80xi32, #tpu.memory_space<hbm>> -> memref<1x1x1x25x80xi32, #tpu.memory_space<hbm>>
        %dma_wait3A_137 = tpu.memref_squeeze %dma_wait3A_136 : memref<1x1x1x25x80xi32, #tpu.memory_space<hbm>> -> memref<25x80xi32, #tpu.memory_space<hbm>>
        tpu.wait_dma2 semaphore(%run_scoped3A : memref<!tpu.dma_semaphore, #tpu.memory_space<semaphore_mem>>) src(%dma_wait3A_137 : memref<25x80xi32, #tpu.memory_space<hbm>>) dst(%arg7 : memref<25x80xi32, #tpu.memory_space<vmem>>)
        tpu.yield
      }) : () -> ()
      "tpu.region"() ({
        %run_scoped3A = tpu.sem_alloc : memref<!tpu.dma_semaphore, #tpu.memory_space<semaphore_mem>>
        %dma_start3A_122 = arith.constant 0 : i32
        %dma_start3A_123 = arith.constant 0 : i32
        %dma_start3A_124 = tpu.memref_slice %arg5[%arg0, %arg1, %add3A_80, %dma_start3A_122, %dma_start3A_123] : memref<2x16x5x25x80xi32, #tpu.memory_space<hbm>> -> memref<1x1x1x25x80xi32, #tpu.memory_space<hbm>>
        %dma_start3A_125 = tpu.memref_squeeze %dma_start3A_124 : memref<1x1x1x25x80xi32, #tpu.memory_space<hbm>> -> memref<25x80xi32, #tpu.memory_space<hbm>>
        %dma_start3A_126 = arith.constant 0 : i32
        %dma_start3A_127 = arith.constant 0 : i32
        %dma_start3A_128 = tpu.memref_slice %arg5[%arg0, %arg1, %add3A_80, %dma_start3A_126, %dma_start3A_127] : memref<2x16x5x25x80xi32, #tpu.memory_space<hbm>> -> memref<1x1x1x25x80xi32, #tpu.memory_space<hbm>>
        %dma_start3A_129 = tpu.memref_squeeze %dma_start3A_128 : memref<1x1x1x25x80xi32, #tpu.memory_space<hbm>> -> memref<25x80xi32, #tpu.memory_space<hbm>>
        tpu.enqueue_dma source(%dma_start3A_129 : memref<25x80xi32, #tpu.memory_space<hbm>>) target(%arg8 : memref<25x80xi32, #tpu.memory_space<vmem>>) target_semaphore(%run_scoped3A : memref<!tpu.dma_semaphore, #tpu.memory_space<semaphore_mem>>)
        %dma_wait3A_130 = arith.constant 0 : i32
        %dma_wait3A_131 = arith.constant 0 : i32
        %dma_wait3A_132 = tpu.memref_slice %arg5[%arg0, %arg1, %add3A_80, %dma_wait3A_130, %dma_wait3A_131] : memref<2x16x5x25x80xi32, #tpu.memory_space<hbm>> -> memref<1x1x1x25x80xi32, #tpu.memory_space<hbm>>
        %dma_wait3A_133 = tpu.memref_squeeze %dma_wait3A_132 : memref<1x1x1x25x80xi32, #tpu.memory_space<hbm>> -> memref<25x80xi32, #tpu.memory_space<hbm>>
        %dma_wait3A_134 = arith.constant 0 : i32
        %dma_wait3A_135 = arith.constant 0 : i32
        %dma_wait3A_136 = tpu.memref_slice %arg5[%arg0, %arg1, %add3A_80, %dma_wait3A_134, %dma_wait3A_135] : memref<2x16x5x25x80xi32, #tpu.memory_space<hbm>> -> memref<1x1x1x25x80xi32, #tpu.memory_space<hbm>>
        %dma_wait3A_137 = tpu.memref_squeeze %dma_wait3A_136 : memref<1x1x1x25x80xi32, #tpu.memory_space<hbm>> -> memref<25x80xi32, #tpu.memory_space<hbm>>
        tpu.wait_dma2 semaphore(%run_scoped3A : memref<!tpu.dma_semaphore, #tpu.memory_space<semaphore_mem>>) src(%dma_wait3A_137 : memref<25x80xi32, #tpu.memory_space<hbm>>) dst(%arg8 : memref<25x80xi32, #tpu.memory_space<vmem>>)
        tpu.yield
      }) : () -> ()
      %dma_start3A_81 = arith.constant 0 : i32
      %dma_start3A_82 = arith.constant 0 : i32
      %dma_start3A_83 = tpu.memref_slice %arg7[%dma_start3A_81, %dma_start3A_82] : memref<25x80xi32, #tpu.memory_space<vmem>> -> memref<1x80xi32, #tpu.memory_space<vmem>>
      %dma_start3A_84 = tpu.memref_squeeze %dma_start3A_83 : memref<1x80xi32, #tpu.memory_space<vmem>> -> memref<80xi32, #tpu.memory_space<vmem>>
      %dma_start3A_85 = arith.constant 0 : i32
      %dma_start3A_86 = arith.constant 0 : i32
      %dma_start3A_87 = tpu.memref_slice %arg2[%dma_start3A_85, %dma_start3A_86] : memref<10000x128xf32, #tpu.memory_space<hbm>> -> memref<10000x128xf32, #tpu.memory_space<hbm>>
      tpu.enqueue_indirect_dma source(%dma_start3A_87 : memref<10000x128xf32, #tpu.memory_space<hbm>>) target(%arg9 : memref<80x128xf32, #tpu.memory_space<vmem>>) offsets(%dma_start3A_84 : memref<80xi32, #tpu.memory_space<vmem>>) semaphore(%arg14 : memref<!tpu.dma_semaphore, #tpu.memory_space<semaphore_mem>>)
      %mul3A_88 = arith.constant 25 : i32
      %mul3A_89 = arith.muli %add3A_80, %mul3A_88 : i32
      %add3A_90 = arith.constant 0 : i32
      %add3A_91 = arith.addi %mul3A_89, %add3A_90 : i32
      %mul3A_92 = arith.constant 80 : i32
      %mul3A_93 = arith.muli %add3A_91, %mul3A_92 : i32
      %add3A_94 = arith.addi %mul3A_2, %mul3A_93 : i32
      %dma_start3A_95 = arith.constant 0 : i32
      %dma_start3A_96 = tpu.memref_slice %arg3[%add3A_94, %dma_start3A_95] : memref<320000x64xi32, #tpu.memory_space<hbm>> -> memref<80x64xi32, #tpu.memory_space<hbm>>
      %dma_start3A_97 = arith.constant 0 : i32
      %dma_start3A_98 = tpu.memref_slice %arg3[%add3A_94, %dma_start3A_97] : memref<320000x64xi32, #tpu.memory_space<hbm>> -> memref<80x64xi32, #tpu.memory_space<hbm>>
      tpu.enqueue_dma source(%dma_start3A_98 : memref<80x64xi32, #tpu.memory_space<hbm>>) target(%arg10 : memref<80x64xi32, #tpu.memory_space<vmem>>) target_semaphore(%arg15 : memref<!tpu.dma_semaphore, #tpu.memory_space<semaphore_mem>>)
      %dma_start3A_99 = arith.constant 1 : i32
      %dma_start3A_100 = arith.constant 0 : i32
      %dma_start3A_101 = tpu.memref_slice %arg7[%dma_start3A_99, %dma_start3A_100] : memref<25x80xi32, #tpu.memory_space<vmem>> -> memref<1x80xi32, #tpu.memory_space<vmem>>
      %dma_start3A_102 = tpu.memref_squeeze %dma_start3A_101 : memref<1x80xi32, #tpu.memory_space<vmem>> -> memref<80xi32, #tpu.memory_space<vmem>>
      %dma_start3A_103 = arith.constant 0 : i32
      %dma_start3A_104 = arith.constant 0 : i32
      %dma_start3A_105 = tpu.memref_slice %arg2[%dma_start3A_103, %dma_start3A_104] : memref<10000x128xf32, #tpu.memory_space<hbm>> -> memref<10000x128xf32, #tpu.memory_space<hbm>>
      tpu.enqueue_indirect_dma source(%dma_start3A_105 : memref<10000x128xf32, #tpu.memory_space<hbm>>) target(%arg11 : memref<80x128xf32, #tpu.memory_space<vmem>>) offsets(%dma_start3A_102 : memref<80xi32, #tpu.memory_space<vmem>>) semaphore(%arg16 : memref<!tpu.dma_semaphore, #tpu.memory_space<semaphore_mem>>)
      %mul3A_106 = arith.constant 25 : i32
      %mul3A_107 = arith.muli %add3A_80, %mul3A_106 : i32
      %add3A_108 = arith.constant 1 : i32
      %add3A_109 = arith.addi %mul3A_107, %add3A_108 : i32
      %mul3A_110 = arith.constant 80 : i32
      %mul3A_111 = arith.muli %add3A_109, %mul3A_110 : i32
      %add3A_112 = arith.addi %mul3A_2, %mul3A_111 : i32
      %dma_start3A_113 = arith.constant 0 : i32
      %dma_start3A_114 = tpu.memref_slice %arg3[%add3A_112, %dma_start3A_113] : memref<320000x64xi32, #tpu.memory_space<hbm>> -> memref<80x64xi32, #tpu.memory_space<hbm>>
      %dma_start3A_115 = arith.constant 0 : i32
      %dma_start3A_116 = tpu.memref_slice %arg3[%add3A_112, %dma_start3A_115] : memref<320000x64xi32, #tpu.memory_space<hbm>> -> memref<80x64xi32, #tpu.memory_space<hbm>>
      tpu.enqueue_dma source(%dma_start3A_116 : memref<80x64xi32, #tpu.memory_space<hbm>>) target(%arg12 : memref<80x64xi32, #tpu.memory_space<vmem>>) target_semaphore(%arg17 : memref<!tpu.dma_semaphore, #tpu.memory_space<semaphore_mem>>)
      %scan3A_117 = arith.constant 0 : i32
      %scan3A_118 = arith.constant 13 : i32
      %scan3A_119 = arith.addi %scan3A_117, %scan3A_118 : i32
      %scan3A_120 = arith.constant 1 : i32
      scf.for %scan3A_122 = %scan3A_117 to %scan3A_119 step %scan3A_120  : i32 {
        %mul3A_123 = arith.constant 2 : i32
        %mul3A_124 = arith.muli %scan3A_122, %mul3A_123 : i32
        %add3A_125 = arith.constant 0 : i32
        %add3A_126 = arith.addi %add3A_125, %mul3A_124 : i32
        %dma_wait3A_127 = arith.constant 0 : i32
        %dma_wait3A_128 = arith.constant 0 : i32
        %dma_wait3A_129 = tpu.memref_slice %arg2[%dma_wait3A_127, %dma_wait3A_128] : memref<10000x128xf32, #tpu.memory_space<hbm>> -> memref<80x128xf32, #tpu.memory_space<hbm>>
        %dma_wait3A_130 = arith.constant 0 : i32
        %dma_wait3A_131 = arith.constant 0 : i32
        %dma_wait3A_132 = tpu.memref_slice %arg2[%dma_wait3A_130, %dma_wait3A_131] : memref<10000x128xf32, #tpu.memory_space<hbm>> -> memref<80x128xf32, #tpu.memory_space<hbm>>
        tpu.wait_dma2 semaphore(%arg14 : memref<!tpu.dma_semaphore, #tpu.memory_space<semaphore_mem>>) src(%dma_wait3A_132 : memref<80x128xf32, #tpu.memory_space<hbm>>) dst(%arg9 : memref<80x128xf32, #tpu.memory_space<vmem>>)
        %dma_wait3A_133 = arith.constant 0 : i32
        %dma_wait3A_134 = arith.constant 0 : i32
        %dma_wait3A_135 = tpu.memref_slice %arg3[%dma_wait3A_133, %dma_wait3A_134] : memref<320000x64xi32, #tpu.memory_space<hbm>> -> memref<80x64xi32, #tpu.memory_space<hbm>>
        %dma_wait3A_136 = arith.constant 0 : i32
        %dma_wait3A_137 = arith.constant 0 : i32
        %dma_wait3A_138 = tpu.memref_slice %arg3[%dma_wait3A_136, %dma_wait3A_137] : memref<320000x64xi32, #tpu.memory_space<hbm>> -> memref<80x64xi32, #tpu.memory_space<hbm>>
        tpu.wait_dma2 semaphore(%arg15 : memref<!tpu.dma_semaphore, #tpu.memory_space<semaphore_mem>>) src(%dma_wait3A_138 : memref<80x64xi32, #tpu.memory_space<hbm>>) dst(%arg10 : memref<80x64xi32, #tpu.memory_space<vmem>>)
        %parallel_loop3A = arith.constant 0 : i32
        %parallel_loop3A_139 = arith.constant 80 : i32
        %parallel_loop3A_140 = arith.constant 1 : i32
        scf.for %parallel_loop3A_152 = %parallel_loop3A to %parallel_loop3A_139 step %parallel_loop3A_140  : i32 {
          %parallel_loop3A_153 = arith.index_cast %parallel_loop3A_152 : i32 to index
          %parallel_loop3A_154 = arith.constant 0 : index
          %parallel_loop3A_155 = tpu.vector_load %arg10[%parallel_loop3A_153, %parallel_loop3A_154] {strides = array<i32>} : memref<80x64xi32, #tpu.memory_space<vmem>>, vector<16xi32>,
          %parallel_loop3A_156 = arith.constant 16 : i32
          %parallel_loop3A_157 = vector.broadcast %parallel_loop3A_156 : i32 to vector<16xi32>
          %parallel_loop3A_158 = arith.shli %parallel_loop3A_155, %parallel_loop3A_157 : vector<16xi32>
          %parallel_loop3A_159 = vector.bitcast %parallel_loop3A_158 : vector<16xi32> to vector<16xf32>
          %parallel_loop3A_160 = arith.andi %parallel_loop3A_155, %broadcast_in_dim3A_41 : vector<16xi32>
          %parallel_loop3A_161 = vector.bitcast %parallel_loop3A_160 : vector<16xi32> to vector<16xf32>
          %parallel_loop3A_162 = arith.index_cast %parallel_loop3A_152 : i32 to index
          %parallel_loop3A_163 = arith.constant 0 : index
          %parallel_loop3A_164 = tpu.vector_load %arg9[%parallel_loop3A_162, %parallel_loop3A_163] {strides = array<i32>} : memref<80x128xf32, #tpu.memory_space<vmem>>, vector<16xf32>,
          %parallel_loop3A_165 = arith.addf %parallel_loop3A_164, %parallel_loop3A_159 : vector<16xf32>
          %parallel_loop3A_166 = arith.constant 0.000000e+00 : f32
          %parallel_loop3A_167 = vector.broadcast %parallel_loop3A_166 : f32 to vector<16xf32>
          %parallel_loop3A_168 = arith.maximumf %parallel_loop3A_165, %parallel_loop3A_167 : vector<16xf32>
          %parallel_loop3A_169 = arith.index_cast %parallel_loop3A_152 : i32 to index
          %parallel_loop3A_170 = arith.constant 0 : index
          %parallel_loop3A_171 = tpu.vector_load %arg9[%parallel_loop3A_169, %parallel_loop3A_170] {strides = array<i32>} : memref<80x128xf32, #tpu.memory_space<vmem>>, vector<16xf32>,
          tpu.vector_store %arg9[%parallel_loop3A_169, %parallel_loop3A_170], %parallel_loop3A_168 {strides = array<i32>} : memref<80x128xf32, #tpu.memory_space<vmem>>, vector<16xf32>,
          %parallel_loop3A_172 = arith.index_cast %parallel_loop3A_152 : i32 to index
          %parallel_loop3A_173 = arith.constant 16 : index
          %parallel_loop3A_174 = tpu.vector_load %arg9[%parallel_loop3A_172, %parallel_loop3A_173] {strides = array<i32>} : memref<80x128xf32, #tpu.memory_space<vmem>>, vector<16xf32>,
          %parallel_loop3A_175 = arith.addf %parallel_loop3A_174, %parallel_loop3A_161 : vector<16xf32>
          %parallel_loop3A_176 = arith.constant 0.000000e+00 : f32
          %parallel_loop3A_177 = vector.broadcast %parallel_loop3A_176 : f32 to vector<16xf32>
          %parallel_loop3A_178 = arith.maximumf %parallel_loop3A_175, %parallel_loop3A_177 : vector<16xf32>
          %parallel_loop3A_179 = arith.index_cast %parallel_loop3A_152 : i32 to index
          %parallel_loop3A_180 = arith.constant 16 : index
          %parallel_loop3A_181 = tpu.vector_load %arg9[%parallel_loop3A_179, %parallel_loop3A_180] {strides = array<i32>} : memref<80x128xf32, #tpu.memory_space<vmem>>, vector<16xf32>,
          tpu.vector_store %arg9[%parallel_loop3A_179, %parallel_loop3A_180], %parallel_loop3A_178 {strides = array<i32>} : memref<80x128xf32, #tpu.memory_space<vmem>>, vector<16xf32>,
          %parallel_loop3A_182 = arith.index_cast %parallel_loop3A_152 : i32 to index
          %parallel_loop3A_183 = arith.constant 16 : index
          %parallel_loop3A_184 = tpu.vector_load %arg10[%parallel_loop3A_182, %parallel_loop3A_183] {strides = array<i32>} : memref<80x64xi32, #tpu.memory_space<vmem>>, vector<16xi32>,
          %parallel_loop3A_185 = arith.constant 16 : i32
          %parallel_loop3A_186 = vector.broadcast %parallel_loop3A_185 : i32 to vector<16xi32>
          %parallel_loop3A_187 = arith.shli %parallel_loop3A_184, %parallel_loop3A_186 : vector<16xi32>
          %parallel_loop3A_188 = vector.bitcast %parallel_loop3A_187 : vector<16xi32> to vector<16xf32>
          %parallel_loop3A_189 = arith.andi %parallel_loop3A_184, %broadcast_in_dim3A_41 : vector<16xi32>
          %parallel_loop3A_190 = vector.bitcast %parallel_loop3A_189 : vector<16xi32> to vector<16xf32>
          %parallel_loop3A_191 = arith.index_cast %parallel_loop3A_152 : i32 to index
          %parallel_loop3A_192 = arith.constant 32 : index
          %parallel_loop3A_193 = tpu.vector_load %arg9[%parallel_loop3A_191, %parallel_loop3A_192] {strides = array<i32>} : memref<80x128xf32, #tpu.memory_space<vmem>>, vector<16xf32>,
          %parallel_loop3A_194 = arith.addf %parallel_loop3A_193, %parallel_loop3A_188 : vector<16xf32>
          %parallel_loop3A_195 = arith.constant 0.000000e+00 : f32
          %parallel_loop3A_196 = vector.broadcast %parallel_loop3A_195 : f32 to vector<16xf32>
          %parallel_loop3A_197 = arith.maximumf %parallel_loop3A_194, %parallel_loop3A_196 : vector<16xf32>
          %parallel_loop3A_198 = arith.index_cast %parallel_loop3A_152 : i32 to index
          %parallel_loop3A_199 = arith.constant 32 : index
          %parallel_loop3A_200 = tpu.vector_load %arg9[%parallel_loop3A_198, %parallel_loop3A_199] {strides = array<i32>} : memref<80x128xf32, #tpu.memory_space<vmem>>, vector<16xf32>,
          tpu.vector_store %arg9[%parallel_loop3A_198, %parallel_loop3A_199], %parallel_loop3A_197 {strides = array<i32>} : memref<80x128xf32, #tpu.memory_space<vmem>>, vector<16xf32>,
          %parallel_loop3A_201 = arith.index_cast %parallel_loop3A_152 : i32 to index
          %parallel_loop3A_202 = arith.constant 48 : index
          %parallel_loop3A_203 = tpu.vector_load %arg9[%parallel_loop3A_201, %parallel_loop3A_202] {strides = array<i32>} : memref<80x128xf32, #tpu.memory_space<vmem>>, vector<16xf32>,
          %parallel_loop3A_204 = arith.addf %parallel_loop3A_203, %parallel_loop3A_190 : vector<16xf32>
          %parallel_loop3A_205 = arith.constant 0.000000e+00 : f32
          %parallel_loop3A_206 = vector.broadcast %parallel_loop3A_205 : f32 to vector<16xf32>
          %parallel_loop3A_207 = arith.maximumf %parallel_loop3A_204, %parallel_loop3A_206 : vector<16xf32>
          %parallel_loop3A_208 = arith.index_cast %parallel_loop3A_152 : i32 to index
          %parallel_loop3A_209 = arith.constant 48 : index
          %parallel_loop3A_210 = tpu.vector_load %arg9[%parallel_loop3A_208, %parallel_loop3A_209] {strides = array<i32>} : memref<80x128xf32, #tpu.memory_space<vmem>>, vector<16xf32>,
          tpu.vector_store %arg9[%parallel_loop3A_208, %parallel_loop3A_209], %parallel_loop3A_207 {strides = array<i32>} : memref<80x128xf32, #tpu.memory_space<vmem>>, vector<16xf32>,
          %parallel_loop3A_211 = arith.index_cast %parallel_loop3A_152 : i32 to index
          %parallel_loop3A_212 = arith.constant 32 : index
          %parallel_loop3A_213 = tpu.vector_load %arg10[%parallel_loop3A_211, %parallel_loop3A_212] {strides = array<i32>} : memref<80x64xi32, #tpu.memory_space<vmem>>, vector<16xi32>,
          %parallel_loop3A_214 = arith.constant 16 : i32
          %parallel_loop3A_215 = vector.broadcast %parallel_loop3A_214 : i32 to vector<16xi32>
          %parallel_loop3A_216 = arith.shli %parallel_loop3A_213, %parallel_loop3A_215 : vector<16xi32>
          %parallel_loop3A_217 = vector.bitcast %parallel_loop3A_216 : vector<16xi32> to vector<16xf32>
          %parallel_loop3A_218 = arith.andi %parallel_loop3A_213, %broadcast_in_dim3A_41 : vector<16xi32>
          %parallel_loop3A_219 = vector.bitcast %parallel_loop3A_218 : vector<16xi32> to vector<16xf32>
          %parallel_loop3A_220 = arith.index_cast %parallel_loop3A_152 : i32 to index
          %parallel_loop3A_221 = arith.constant 64 : index
          %parallel_loop3A_222 = tpu.vector_load %arg9[%parallel_loop3A_220, %parallel_loop3A_221] {strides = array<i32>} : memref<80x128xf32, #tpu.memory_space<vmem>>, vector<16xf32>,
          %parallel_loop3A_223 = arith.addf %parallel_loop3A_222, %parallel_loop3A_217 : vector<16xf32>
          %parallel_loop3A_224 = arith.constant 0.000000e+00 : f32
          %parallel_loop3A_225 = vector.broadcast %parallel_loop3A_224 : f32 to vector<16xf32>
          %parallel_loop3A_226 = arith.maximumf %parallel_loop3A_223, %parallel_loop3A_225 : vector<16xf32>
          %parallel_loop3A_227 = arith.index_cast %parallel_loop3A_152 : i32 to index
          %parallel_loop3A_228 = arith.constant 64 : index
          %parallel_loop3A_229 = tpu.vector_load %arg9[%parallel_loop3A_227, %parallel_loop3A_228] {strides = array<i32>} : memref<80x128xf32, #tpu.memory_space<vmem>>, vector<16xf32>,
          tpu.vector_store %arg9[%parallel_loop3A_227, %parallel_loop3A_228], %parallel_loop3A_226 {strides = array<i32>} : memref<80x128xf32, #tpu.memory_space<vmem>>, vector<16xf32>,
          %parallel_loop3A_230 = arith.index_cast %parallel_loop3A_152 : i32 to index
          %parallel_loop3A_231 = arith.constant 80 : index
          %parallel_loop3A_232 = tpu.vector_load %arg9[%parallel_loop3A_230, %parallel_loop3A_231] {strides = array<i32>} : memref<80x128xf32, #tpu.memory_space<vmem>>, vector<16xf32>,
          %parallel_loop3A_233 = arith.addf %parallel_loop3A_232, %parallel_loop3A_219 : vector<16xf32>
          %parallel_loop3A_234 = arith.constant 0.000000e+00 : f32
          %parallel_loop3A_235 = vector.broadcast %parallel_loop3A_234 : f32 to vector<16xf32>
          %parallel_loop3A_236 = arith.maximumf %parallel_loop3A_233, %parallel_loop3A_235 : vector<16xf32>
          %parallel_loop3A_237 = arith.index_cast %parallel_loop3A_152 : i32 to index
          %parallel_loop3A_238 = arith.constant 80 : index
          %parallel_loop3A_239 = tpu.vector_load %arg9[%parallel_loop3A_237, %parallel_loop3A_238] {strides = array<i32>} : memref<80x128xf32, #tpu.memory_space<vmem>>, vector<16xf32>,
          tpu.vector_store %arg9[%parallel_loop3A_237, %parallel_loop3A_238], %parallel_loop3A_236 {strides = array<i32>} : memref<80x128xf32, #tpu.memory_space<vmem>>, vector<16xf32>,
          %parallel_loop3A_240 = arith.index_cast %parallel_loop3A_152 : i32 to index
          %parallel_loop3A_241 = arith.constant 48 : index
          %parallel_loop3A_242 = tpu.vector_load %arg10[%parallel_loop3A_240, %parallel_loop3A_241] {strides = array<i32>} : memref<80x64xi32, #tpu.memory_space<vmem>>, vector<16xi32>,
          %parallel_loop3A_243 = arith.constant 16 : i32
          %parallel_loop3A_244 = vector.broadcast %parallel_loop3A_243 : i32 to vector<16xi32>
          %parallel_loop3A_245 = arith.shli %parallel_loop3A_242, %parallel_loop3A_244 : vector<16xi32>
          %parallel_loop3A_246 = vector.bitcast %parallel_loop3A_245 : vector<16xi32> to vector<16xf32>
          %parallel_loop3A_247 = arith.andi %parallel_loop3A_242, %broadcast_in_dim3A_41 : vector<16xi32>
          %parallel_loop3A_248 = vector.bitcast %parallel_loop3A_247 : vector<16xi32> to vector<16xf32>
          %parallel_loop3A_249 = arith.index_cast %parallel_loop3A_152 : i32 to index
          %parallel_loop3A_250 = arith.constant 96 : index
          %parallel_loop3A_251 = tpu.vector_load %arg9[%parallel_loop3A_249, %parallel_loop3A_250] {strides = array<i32>} : memref<80x128xf32, #tpu.memory_space<vmem>>, vector<16xf32>,
          %parallel_loop3A_252 = arith.addf %parallel_loop3A_251, %parallel_loop3A_246 : vector<16xf32>
          %parallel_loop3A_253 = arith.constant 0.000000e+00 : f32
          %parallel_loop3A_254 = vector.broadcast %parallel_loop3A_253 : f32 to vector<16xf32>
          %parallel_loop3A_255 = arith.maximumf %parallel_loop3A_252, %parallel_loop3A_254 : vector<16xf32>
          %parallel_loop3A_256 = arith.index_cast %parallel_loop3A_152 : i32 to index
          %parallel_loop3A_257 = arith.constant 96 : index
          %parallel_loop3A_258 = tpu.vector_load %arg9[%parallel_loop3A_256, %parallel_loop3A_257] {strides = array<i32>} : memref<80x128xf32, #tpu.memory_space<vmem>>, vector<16xf32>,
          tpu.vector_store %arg9[%parallel_loop3A_256, %parallel_loop3A_257], %parallel_loop3A_255 {strides = array<i32>} : memref<80x128xf32, #tpu.memory_space<vmem>>, vector<16xf32>,
          %parallel_loop3A_259 = arith.index_cast %parallel_loop3A_152 : i32 to index
          %parallel_loop3A_260 = arith.constant 112 : index
          %parallel_loop3A_261 = tpu.vector_load %arg9[%parallel_loop3A_259, %parallel_loop3A_260] {strides = array<i32>} : memref<80x128xf32, #tpu.memory_space<vmem>>, vector<16xf32>,
          %parallel_loop3A_262 = arith.addf %parallel_loop3A_261, %parallel_loop3A_248 : vector<16xf32>
          %parallel_loop3A_263 = arith.constant 0.000000e+00 : f32
          %parallel_loop3A_264 = vector.broadcast %parallel_loop3A_263 : f32 to vector<16xf32>
          %parallel_loop3A_265 = arith.maximumf %parallel_loop3A_262, %parallel_loop3A_264 : vector<16xf32>
          %parallel_loop3A_266 = arith.index_cast %parallel_loop3A_152 : i32 to index
          %parallel_loop3A_267 = arith.constant 112 : index
          %parallel_loop3A_268 = tpu.vector_load %arg9[%parallel_loop3A_266, %parallel_loop3A_267] {strides = array<i32>} : memref<80x128xf32, #tpu.memory_space<vmem>>, vector<16xf32>,
          tpu.vector_store %arg9[%parallel_loop3A_266, %parallel_loop3A_267], %parallel_loop3A_265 {strides = array<i32>} : memref<80x128xf32, #tpu.memory_space<vmem>>, vector<16xf32>,
        } {sc.loop_unroll_factor = 1 : i64, sc.parallel_access}
        "tpu.region"() ({
          %run_scoped3A = tpu.sem_alloc : memref<!tpu.dma_semaphore, #tpu.memory_space<semaphore_mem>>
          %dma_start3A_152 = arith.constant 0 : i32
          %dma_start3A_153 = tpu.memref_slice %arg8[%add3A_126, %dma_start3A_152] : memref<25x80xi32, #tpu.memory_space<vmem>> -> memref<1x80xi32, #tpu.memory_space<vmem>>
          %dma_start3A_154 = tpu.memref_squeeze %dma_start3A_153 : memref<1x80xi32, #tpu.memory_space<vmem>> -> memref<80xi32, #tpu.memory_space<vmem>>
          %dma_start3A_155 = arith.constant 0 : i32
          %dma_start3A_156 = arith.constant 0 : i32
          %dma_start3A_157 = tpu.memref_slice %arg13[%dma_start3A_155, %dma_start3A_156] : memref<10112x128xf32, #tpu.memory_space<vmem_shared>> -> memref<10112x128xf32, #tpu.memory_space<vmem_shared>>
          tpu.enqueue_indirect_dma source(%arg9 : memref<80x128xf32, #tpu.memory_space<vmem>>) target(%dma_start3A_157 : memref<10112x128xf32, #tpu.memory_space<vmem_shared>>) offsets(%dma_start3A_154 : memref<80xi32, #tpu.memory_space<vmem>>) semaphore(%run_scoped3A : memref<!tpu.dma_semaphore, #tpu.memory_space<semaphore_mem>>) {add = true}
          %dma_wait3A_158 = arith.constant 0 : i32
          %dma_wait3A_159 = tpu.memref_slice %arg8[%add3A_126, %dma_wait3A_158] : memref<25x80xi32, #tpu.memory_space<vmem>> -> memref<1x80xi32, #tpu.memory_space<vmem>>
          %dma_wait3A_160 = tpu.memref_squeeze %dma_wait3A_159 : memref<1x80xi32, #tpu.memory_space<vmem>> -> memref<80xi32, #tpu.memory_space<vmem>>
          %dma_wait3A_161 = arith.constant 0 : i32
          %dma_wait3A_162 = arith.constant 0 : i32
          %dma_wait3A_163 = tpu.memref_slice %arg13[%dma_wait3A_161, %dma_wait3A_162] : memref<10112x128xf32, #tpu.memory_space<vmem_shared>> -> memref<10112x128xf32, #tpu.memory_space<vmem_shared>>
          tpu.wait_indirect_dma semaphore(%run_scoped3A : memref<!tpu.dma_semaphore, #tpu.memory_space<semaphore_mem>>) src(%arg9 : memref<80x128xf32, #tpu.memory_space<vmem>>) dst(%dma_wait3A_163 : memref<10112x128xf32, #tpu.memory_space<vmem_shared>>)
          tpu.yield
        }) : () -> ()
        %add3A_141 = arith.constant 2 : i32
        %add3A_142 = arith.addi %add3A_126, %add3A_141 : i32
        %lt3A = arith.constant 25 : i32
        %lt3A_143 = arith.cmpi slt, %add3A_142, %lt3A : i32
        %convert_element_type3A = arith.extui %lt3A_143 : i1 to i32
        %cond3A = arith.constant 0 : i32
        %cond3A_144 = arith.cmpi ne, %convert_element_type3A, %cond3A : i32
        scf.if %cond3A_144 {
          %add3A_152 = arith.constant 2 : i32
          %add3A_153 = arith.addi %add3A_126, %add3A_152 : i32
          %dma_start3A_154 = arith.constant 0 : i32
          %dma_start3A_155 = tpu.memref_slice %arg7[%add3A_153, %dma_start3A_154] : memref<25x80xi32, #tpu.memory_space<vmem>> -> memref<1x80xi32, #tpu.memory_space<vmem>>
          %dma_start3A_156 = tpu.memref_squeeze %dma_start3A_155 : memref<1x80xi32, #tpu.memory_space<vmem>> -> memref<80xi32, #tpu.memory_space<vmem>>
          %dma_start3A_157 = arith.constant 0 : i32
          %dma_start3A_158 = arith.constant 0 : i32
          %dma_start3A_159 = tpu.memref_slice %arg2[%dma_start3A_157, %dma_start3A_158] : memref<10000x128xf32, #tpu.memory_space<hbm>> -> memref<10000x128xf32, #tpu.memory_space<hbm>>
          tpu.enqueue_indirect_dma source(%dma_start3A_159 : memref<10000x128xf32, #tpu.memory_space<hbm>>) target(%arg9 : memref<80x128xf32, #tpu.memory_space<vmem>>) offsets(%dma_start3A_156 : memref<80xi32, #tpu.memory_space<vmem>>) semaphore(%arg14 : memref<!tpu.dma_semaphore, #tpu.memory_space<semaphore_mem>>)
          %mul3A_160 = arith.constant 25 : i32
          %mul3A_161 = arith.muli %add3A_80, %mul3A_160 : i32
          %add3A_162 = arith.addi %mul3A_161, %add3A_153 : i32
          %mul3A_163 = arith.constant 80 : i32
          %mul3A_164 = arith.muli %add3A_162, %mul3A_163 : i32
          %add3A_165 = arith.addi %mul3A_2, %mul3A_164 : i32
          %dma_start3A_166 = arith.constant 0 : i32
          %dma_start3A_167 = tpu.memref_slice %arg3[%add3A_165, %dma_start3A_166] : memref<320000x64xi32, #tpu.memory_space<hbm>> -> memref<80x64xi32, #tpu.memory_space<hbm>>
          %dma_start3A_168 = arith.constant 0 : i32
          %dma_start3A_169 = tpu.memref_slice %arg3[%add3A_165, %dma_start3A_168] : memref<320000x64xi32, #tpu.memory_space<hbm>> -> memref<80x64xi32, #tpu.memory_space<hbm>>
          tpu.enqueue_dma source(%dma_start3A_169 : memref<80x64xi32, #tpu.memory_space<hbm>>) target(%arg10 : memref<80x64xi32, #tpu.memory_space<vmem>>) target_semaphore(%arg15 : memref<!tpu.dma_semaphore, #tpu.memory_space<semaphore_mem>>)
        } else {
        }
        %add3A_145 = arith.constant 1 : i32
        %add3A_146 = arith.addi %add3A_126, %add3A_145 : i32
        %lt3A_147 = arith.constant 25 : i32
        %lt3A_148 = arith.cmpi slt, %add3A_146, %lt3A_147 : i32
        %convert_element_type3A_149 = arith.extui %lt3A_148 : i1 to i32
        %cond3A_150 = arith.constant 0 : i32
        %cond3A_151 = arith.cmpi ne, %convert_element_type3A_149, %cond3A_150 : i32
        scf.if %cond3A_151 {
          %dma_wait3A_152 = arith.constant 0 : i32
          %dma_wait3A_153 = arith.constant 0 : i32
          %dma_wait3A_154 = tpu.memref_slice %arg2[%dma_wait3A_152, %dma_wait3A_153] : memref<10000x128xf32, #tpu.memory_space<hbm>> -> memref<80x128xf32, #tpu.memory_space<hbm>>
          %dma_wait3A_155 = arith.constant 0 : i32
          %dma_wait3A_156 = arith.constant 0 : i32
          %dma_wait3A_157 = tpu.memref_slice %arg2[%dma_wait3A_155, %dma_wait3A_156] : memref<10000x128xf32, #tpu.memory_space<hbm>> -> memref<80x128xf32, #tpu.memory_space<hbm>>
          tpu.wait_dma2 semaphore(%arg16 : memref<!tpu.dma_semaphore, #tpu.memory_space<semaphore_mem>>) src(%dma_wait3A_157 : memref<80x128xf32, #tpu.memory_space<hbm>>) dst(%arg11 : memref<80x128xf32, #tpu.memory_space<vmem>>)
          %dma_wait3A_158 = arith.constant 0 : i32
          %dma_wait3A_159 = arith.constant 0 : i32
          %dma_wait3A_160 = tpu.memref_slice %arg3[%dma_wait3A_158, %dma_wait3A_159] : memref<320000x64xi32, #tpu.memory_space<hbm>> -> memref<80x64xi32, #tpu.memory_space<hbm>>
          %dma_wait3A_161 = arith.constant 0 : i32
          %dma_wait3A_162 = arith.constant 0 : i32
          %dma_wait3A_163 = tpu.memref_slice %arg3[%dma_wait3A_161, %dma_wait3A_162] : memref<320000x64xi32, #tpu.memory_space<hbm>> -> memref<80x64xi32, #tpu.memory_space<hbm>>
          tpu.wait_dma2 semaphore(%arg17 : memref<!tpu.dma_semaphore, #tpu.memory_space<semaphore_mem>>) src(%dma_wait3A_163 : memref<80x64xi32, #tpu.memory_space<hbm>>) dst(%arg12 : memref<80x64xi32, #tpu.memory_space<vmem>>)
          %add3A_164 = arith.constant 1 : i32
          %add3A_165 = arith.addi %add3A_126, %add3A_164 : i32
          %parallel_loop3A_166 = arith.constant 0 : i32
          %parallel_loop3A_167 = arith.constant 80 : i32
          %parallel_loop3A_168 = arith.constant 1 : i32
          scf.for %parallel_loop3A_176 = %parallel_loop3A_166 to %parallel_loop3A_167 step %parallel_loop3A_168  : i32 {
            %parallel_loop3A_177 = arith.index_cast %parallel_loop3A_176 : i32 to index
            %parallel_loop3A_178 = arith.constant 0 : index
            %parallel_loop3A_179 = tpu.vector_load %arg12[%parallel_loop3A_177, %parallel_loop3A_178] {strides = array<i32>} : memref<80x64xi32, #tpu.memory_space<vmem>>, vector<16xi32>,
            %parallel_loop3A_180 = arith.constant 16 : i32
            %parallel_loop3A_181 = vector.broadcast %parallel_loop3A_180 : i32 to vector<16xi32>
            %parallel_loop3A_182 = arith.shli %parallel_loop3A_179, %parallel_loop3A_181 : vector<16xi32>
            %parallel_loop3A_183 = vector.bitcast %parallel_loop3A_182 : vector<16xi32> to vector<16xf32>
            %parallel_loop3A_184 = arith.andi %parallel_loop3A_179, %broadcast_in_dim3A_41 : vector<16xi32>
            %parallel_loop3A_185 = vector.bitcast %parallel_loop3A_184 : vector<16xi32> to vector<16xf32>
            %parallel_loop3A_186 = arith.index_cast %parallel_loop3A_176 : i32 to index
            %parallel_loop3A_187 = arith.constant 0 : index
            %parallel_loop3A_188 = tpu.vector_load %arg11[%parallel_loop3A_186, %parallel_loop3A_187] {strides = array<i32>} : memref<80x128xf32, #tpu.memory_space<vmem>>, vector<16xf32>,
            %parallel_loop3A_189 = arith.addf %parallel_loop3A_188, %parallel_loop3A_183 : vector<16xf32>
            %parallel_loop3A_190 = arith.constant 0.000000e+00 : f32
            %parallel_loop3A_191 = vector.broadcast %parallel_loop3A_190 : f32 to vector<16xf32>
            %parallel_loop3A_192 = arith.maximumf %parallel_loop3A_189, %parallel_loop3A_191 : vector<16xf32>
            %parallel_loop3A_193 = arith.index_cast %parallel_loop3A_176 : i32 to index
            %parallel_loop3A_194 = arith.constant 0 : index
            %parallel_loop3A_195 = tpu.vector_load %arg11[%parallel_loop3A_193, %parallel_loop3A_194] {strides = array<i32>} : memref<80x128xf32, #tpu.memory_space<vmem>>, vector<16xf32>,
            tpu.vector_store %arg11[%parallel_loop3A_193, %parallel_loop3A_194], %parallel_loop3A_192 {strides = array<i32>} : memref<80x128xf32, #tpu.memory_space<vmem>>, vector<16xf32>,
            %parallel_loop3A_196 = arith.index_cast %parallel_loop3A_176 : i32 to index
            %parallel_loop3A_197 = arith.constant 16 : index
            %parallel_loop3A_198 = tpu.vector_load %arg11[%parallel_loop3A_196, %parallel_loop3A_197] {strides = array<i32>} : memref<80x128xf32, #tpu.memory_space<vmem>>, vector<16xf32>,
            %parallel_loop3A_199 = arith.addf %parallel_loop3A_198, %parallel_loop3A_185 : vector<16xf32>
            %parallel_loop3A_200 = arith.constant 0.000000e+00 : f32
            %parallel_loop3A_201 = vector.broadcast %parallel_loop3A_200 : f32 to vector<16xf32>
            %parallel_loop3A_202 = arith.maximumf %parallel_loop3A_199, %parallel_loop3A_201 : vector<16xf32>
            %parallel_loop3A_203 = arith.index_cast %parallel_loop3A_176 : i32 to index
            %parallel_loop3A_204 = arith.constant 16 : index
            %parallel_loop3A_205 = tpu.vector_load %arg11[%parallel_loop3A_203, %parallel_loop3A_204] {strides = array<i32>} : memref<80x128xf32, #tpu.memory_space<vmem>>, vector<16xf32>,
            tpu.vector_store %arg11[%parallel_loop3A_203, %parallel_loop3A_204], %parallel_loop3A_202 {strides = array<i32>} : memref<80x128xf32, #tpu.memory_space<vmem>>, vector<16xf32>,
            %parallel_loop3A_206 = arith.index_cast %parallel_loop3A_176 : i32 to index
            %parallel_loop3A_207 = arith.constant 16 : index
            %parallel_loop3A_208 = tpu.vector_load %arg12[%parallel_loop3A_206, %parallel_loop3A_207] {strides = array<i32>} : memref<80x64xi32, #tpu.memory_space<vmem>>, vector<16xi32>,
            %parallel_loop3A_209 = arith.constant 16 : i32
            %parallel_loop3A_210 = vector.broadcast %parallel_loop3A_209 : i32 to vector<16xi32>
            %parallel_loop3A_211 = arith.shli %parallel_loop3A_208, %parallel_loop3A_210 : vector<16xi32>
            %parallel_loop3A_212 = vector.bitcast %parallel_loop3A_211 : vector<16xi32> to vector<16xf32>
            %parallel_loop3A_213 = arith.andi %parallel_loop3A_208, %broadcast_in_dim3A_41 : vector<16xi32>
            %parallel_loop3A_214 = vector.bitcast %parallel_loop3A_213 : vector<16xi32> to vector<16xf32>
            %parallel_loop3A_215 = arith.index_cast %parallel_loop3A_176 : i32 to index
            %parallel_loop3A_216 = arith.constant 32 : index
            %parallel_loop3A_217 = tpu.vector_load %arg11[%parallel_loop3A_215, %parallel_loop3A_216] {strides = array<i32>} : memref<80x128xf32, #tpu.memory_space<vmem>>, vector<16xf32>,
            %parallel_loop3A_218 = arith.addf %parallel_loop3A_217, %parallel_loop3A_212 : vector<16xf32>
            %parallel_loop3A_219 = arith.constant 0.000000e+00 : f32
            %parallel_loop3A_220 = vector.broadcast %parallel_loop3A_219 : f32 to vector<16xf32>
            %parallel_loop3A_221 = arith.maximumf %parallel_loop3A_218, %parallel_loop3A_220 : vector<16xf32>
            %parallel_loop3A_222 = arith.index_cast %parallel_loop3A_176 : i32 to index
            %parallel_loop3A_223 = arith.constant 32 : index
            %parallel_loop3A_224 = tpu.vector_load %arg11[%parallel_loop3A_222, %parallel_loop3A_223] {strides = array<i32>} : memref<80x128xf32, #tpu.memory_space<vmem>>, vector<16xf32>,
            tpu.vector_store %arg11[%parallel_loop3A_222, %parallel_loop3A_223], %parallel_loop3A_221 {strides = array<i32>} : memref<80x128xf32, #tpu.memory_space<vmem>>, vector<16xf32>,
            %parallel_loop3A_225 = arith.index_cast %parallel_loop3A_176 : i32 to index
            %parallel_loop3A_226 = arith.constant 48 : index
            %parallel_loop3A_227 = tpu.vector_load %arg11[%parallel_loop3A_225, %parallel_loop3A_226] {strides = array<i32>} : memref<80x128xf32, #tpu.memory_space<vmem>>, vector<16xf32>,
            %parallel_loop3A_228 = arith.addf %parallel_loop3A_227, %parallel_loop3A_214 : vector<16xf32>
            %parallel_loop3A_229 = arith.constant 0.000000e+00 : f32
            %parallel_loop3A_230 = vector.broadcast %parallel_loop3A_229 : f32 to vector<16xf32>
            %parallel_loop3A_231 = arith.maximumf %parallel_loop3A_228, %parallel_loop3A_230 : vector<16xf32>
            %parallel_loop3A_232 = arith.index_cast %parallel_loop3A_176 : i32 to index
            %parallel_loop3A_233 = arith.constant 48 : index
            %parallel_loop3A_234 = tpu.vector_load %arg11[%parallel_loop3A_232, %parallel_loop3A_233] {strides = array<i32>} : memref<80x128xf32, #tpu.memory_space<vmem>>, vector<16xf32>,
            tpu.vector_store %arg11[%parallel_loop3A_232, %parallel_loop3A_233], %parallel_loop3A_231 {strides = array<i32>} : memref<80x128xf32, #tpu.memory_space<vmem>>, vector<16xf32>,
            %parallel_loop3A_235 = arith.index_cast %parallel_loop3A_176 : i32 to index
            %parallel_loop3A_236 = arith.constant 32 : index
            %parallel_loop3A_237 = tpu.vector_load %arg12[%parallel_loop3A_235, %parallel_loop3A_236] {strides = array<i32>} : memref<80x64xi32, #tpu.memory_space<vmem>>, vector<16xi32>,
            %parallel_loop3A_238 = arith.constant 16 : i32
            %parallel_loop3A_239 = vector.broadcast %parallel_loop3A_238 : i32 to vector<16xi32>
            %parallel_loop3A_240 = arith.shli %parallel_loop3A_237, %parallel_loop3A_239 : vector<16xi32>
            %parallel_loop3A_241 = vector.bitcast %parallel_loop3A_240 : vector<16xi32> to vector<16xf32>
            %parallel_loop3A_242 = arith.andi %parallel_loop3A_237, %broadcast_in_dim3A_41 : vector<16xi32>
            %parallel_loop3A_243 = vector.bitcast %parallel_loop3A_242 : vector<16xi32> to vector<16xf32>
            %parallel_loop3A_244 = arith.index_cast %parallel_loop3A_176 : i32 to index
            %parallel_loop3A_245 = arith.constant 64 : index
            %parallel_loop3A_246 = tpu.vector_load %arg11[%parallel_loop3A_244, %parallel_loop3A_245] {strides = array<i32>} : memref<80x128xf32, #tpu.memory_space<vmem>>, vector<16xf32>,
            %parallel_loop3A_247 = arith.addf %parallel_loop3A_246, %parallel_loop3A_241 : vector<16xf32>
            %parallel_loop3A_248 = arith.constant 0.000000e+00 : f32
            %parallel_loop3A_249 = vector.broadcast %parallel_loop3A_248 : f32 to vector<16xf32>
            %parallel_loop3A_250 = arith.maximumf %parallel_loop3A_247, %parallel_loop3A_249 : vector<16xf32>
            %parallel_loop3A_251 = arith.index_cast %parallel_loop3A_176 : i32 to index
            %parallel_loop3A_252 = arith.constant 64 : index
            %parallel_loop3A_253 = tpu.vector_load %arg11[%parallel_loop3A_251, %parallel_loop3A_252] {strides = array<i32>} : memref<80x128xf32, #tpu.memory_space<vmem>>, vector<16xf32>,
            tpu.vector_store %arg11[%parallel_loop3A_251, %parallel_loop3A_252], %parallel_loop3A_250 {strides = array<i32>} : memref<80x128xf32, #tpu.memory_space<vmem>>, vector<16xf32>,
            %parallel_loop3A_254 = arith.index_cast %parallel_loop3A_176 : i32 to index
            %parallel_loop3A_255 = arith.constant 80 : index
            %parallel_loop3A_256 = tpu.vector_load %arg11[%parallel_loop3A_254, %parallel_loop3A_255] {strides = array<i32>} : memref<80x128xf32, #tpu.memory_space<vmem>>, vector<16xf32>,
            %parallel_loop3A_257 = arith.addf %parallel_loop3A_256, %parallel_loop3A_243 : vector<16xf32>
            %parallel_loop3A_258 = arith.constant 0.000000e+00 : f32
            %parallel_loop3A_259 = vector.broadcast %parallel_loop3A_258 : f32 to vector<16xf32>
            %parallel_loop3A_260 = arith.maximumf %parallel_loop3A_257, %parallel_loop3A_259 : vector<16xf32>
            %parallel_loop3A_261 = arith.index_cast %parallel_loop3A_176 : i32 to index
            %parallel_loop3A_262 = arith.constant 80 : index
            %parallel_loop3A_263 = tpu.vector_load %arg11[%parallel_loop3A_261, %parallel_loop3A_262] {strides = array<i32>} : memref<80x128xf32, #tpu.memory_space<vmem>>, vector<16xf32>,
            tpu.vector_store %arg11[%parallel_loop3A_261, %parallel_loop3A_262], %parallel_loop3A_260 {strides = array<i32>} : memref<80x128xf32, #tpu.memory_space<vmem>>, vector<16xf32>,
            %parallel_loop3A_264 = arith.index_cast %parallel_loop3A_176 : i32 to index
            %parallel_loop3A_265 = arith.constant 48 : index
            %parallel_loop3A_266 = tpu.vector_load %arg12[%parallel_loop3A_264, %parallel_loop3A_265] {strides = array<i32>} : memref<80x64xi32, #tpu.memory_space<vmem>>, vector<16xi32>,
            %parallel_loop3A_267 = arith.constant 16 : i32
            %parallel_loop3A_268 = vector.broadcast %parallel_loop3A_267 : i32 to vector<16xi32>
            %parallel_loop3A_269 = arith.shli %parallel_loop3A_266, %parallel_loop3A_268 : vector<16xi32>
            %parallel_loop3A_270 = vector.bitcast %parallel_loop3A_269 : vector<16xi32> to vector<16xf32>
            %parallel_loop3A_271 = arith.andi %parallel_loop3A_266, %broadcast_in_dim3A_41 : vector<16xi32>
            %parallel_loop3A_272 = vector.bitcast %parallel_loop3A_271 : vector<16xi32> to vector<16xf32>
            %parallel_loop3A_273 = arith.index_cast %parallel_loop3A_176 : i32 to index
            %parallel_loop3A_274 = arith.constant 96 : index
            %parallel_loop3A_275 = tpu.vector_load %arg11[%parallel_loop3A_273, %parallel_loop3A_274] {strides = array<i32>} : memref<80x128xf32, #tpu.memory_space<vmem>>, vector<16xf32>,
            %parallel_loop3A_276 = arith.addf %parallel_loop3A_275, %parallel_loop3A_270 : vector<16xf32>
            %parallel_loop3A_277 = arith.constant 0.000000e+00 : f32
            %parallel_loop3A_278 = vector.broadcast %parallel_loop3A_277 : f32 to vector<16xf32>
            %parallel_loop3A_279 = arith.maximumf %parallel_loop3A_276, %parallel_loop3A_278 : vector<16xf32>
            %parallel_loop3A_280 = arith.index_cast %parallel_loop3A_176 : i32 to index
            %parallel_loop3A_281 = arith.constant 96 : index
            %parallel_loop3A_282 = tpu.vector_load %arg11[%parallel_loop3A_280, %parallel_loop3A_281] {strides = array<i32>} : memref<80x128xf32, #tpu.memory_space<vmem>>, vector<16xf32>,
            tpu.vector_store %arg11[%parallel_loop3A_280, %parallel_loop3A_281], %parallel_loop3A_279 {strides = array<i32>} : memref<80x128xf32, #tpu.memory_space<vmem>>, vector<16xf32>,
            %parallel_loop3A_283 = arith.index_cast %parallel_loop3A_176 : i32 to index
            %parallel_loop3A_284 = arith.constant 112 : index
            %parallel_loop3A_285 = tpu.vector_load %arg11[%parallel_loop3A_283, %parallel_loop3A_284] {strides = array<i32>} : memref<80x128xf32, #tpu.memory_space<vmem>>, vector<16xf32>,
            %parallel_loop3A_286 = arith.addf %parallel_loop3A_285, %parallel_loop3A_272 : vector<16xf32>
            %parallel_loop3A_287 = arith.constant 0.000000e+00 : f32
            %parallel_loop3A_288 = vector.broadcast %parallel_loop3A_287 : f32 to vector<16xf32>
            %parallel_loop3A_289 = arith.maximumf %parallel_loop3A_286, %parallel_loop3A_288 : vector<16xf32>
            %parallel_loop3A_290 = arith.index_cast %parallel_loop3A_176 : i32 to index
            %parallel_loop3A_291 = arith.constant 112 : index
            %parallel_loop3A_292 = tpu.vector_load %arg11[%parallel_loop3A_290, %parallel_loop3A_291] {strides = array<i32>} : memref<80x128xf32, #tpu.memory_space<vmem>>, vector<16xf32>,
            tpu.vector_store %arg11[%parallel_loop3A_290, %parallel_loop3A_291], %parallel_loop3A_289 {strides = array<i32>} : memref<80x128xf32, #tpu.memory_space<vmem>>, vector<16xf32>,
          } {sc.loop_unroll_factor = 1 : i64, sc.parallel_access}
          "tpu.region"() ({
            %run_scoped3A = tpu.sem_alloc : memref<!tpu.dma_semaphore, #tpu.memory_space<semaphore_mem>>
            %dma_start3A_176 = arith.constant 0 : i32
            %dma_start3A_177 = tpu.memref_slice %arg8[%add3A_165, %dma_start3A_176] : memref<25x80xi32, #tpu.memory_space<vmem>> -> memref<1x80xi32, #tpu.memory_space<vmem>>
            %dma_start3A_178 = tpu.memref_squeeze %dma_start3A_177 : memref<1x80xi32, #tpu.memory_space<vmem>> -> memref<80xi32, #tpu.memory_space<vmem>>
            %dma_start3A_179 = arith.constant 0 : i32
            %dma_start3A_180 = arith.constant 0 : i32
            %dma_start3A_181 = tpu.memref_slice %arg13[%dma_start3A_179, %dma_start3A_180] : memref<10112x128xf32, #tpu.memory_space<vmem_shared>> -> memref<10112x128xf32, #tpu.memory_space<vmem_shared>>
            tpu.enqueue_indirect_dma source(%arg11 : memref<80x128xf32, #tpu.memory_space<vmem>>) target(%dma_start3A_181 : memref<10112x128xf32, #tpu.memory_space<vmem_shared>>) offsets(%dma_start3A_178 : memref<80xi32, #tpu.memory_space<vmem>>) semaphore(%run_scoped3A : memref<!tpu.dma_semaphore, #tpu.memory_space<semaphore_mem>>) {add = true}
            %dma_wait3A_182 = arith.constant 0 : i32
            %dma_wait3A_183 = tpu.memref_slice %arg8[%add3A_165, %dma_wait3A_182] : memref<25x80xi32, #tpu.memory_space<vmem>> -> memref<1x80xi32, #tpu.memory_space<vmem>>
            %dma_wait3A_184 = tpu.memref_squeeze %dma_wait3A_183 : memref<1x80xi32, #tpu.memory_space<vmem>> -> memref<80xi32, #tpu.memory_space<vmem>>
            %dma_wait3A_185 = arith.constant 0 : i32
            %dma_wait3A_186 = arith.constant 0 : i32
            %dma_wait3A_187 = tpu.memref_slice %arg13[%dma_wait3A_185, %dma_wait3A_186] : memref<10112x128xf32, #tpu.memory_space<vmem_shared>> -> memref<10112x128xf32, #tpu.memory_space<vmem_shared>>
            tpu.wait_indirect_dma semaphore(%run_scoped3A : memref<!tpu.dma_semaphore, #tpu.memory_space<semaphore_mem>>) src(%arg11 : memref<80x128xf32, #tpu.memory_space<vmem>>) dst(%dma_wait3A_187 : memref<10112x128xf32, #tpu.memory_space<vmem_shared>>)
            tpu.yield
          }) : () -> ()
          %add3A_169 = arith.constant 3 : i32
          %add3A_170 = arith.addi %add3A_126, %add3A_169 : i32
          %lt3A_171 = arith.constant 25 : i32
          %lt3A_172 = arith.cmpi slt, %add3A_170, %lt3A_171 : i32
          %convert_element_type3A_173 = arith.extui %lt3A_172 : i1 to i32
          %cond3A_174 = arith.constant 0 : i32
          %cond3A_175 = arith.cmpi ne, %convert_element_type3A_173, %cond3A_174 : i32
          scf.if %cond3A_175 {
            %add3A_176 = arith.constant 3 : i32
            %add3A_177 = arith.addi %add3A_126, %add3A_176 : i32
            %dma_start3A_178 = arith.constant 0 : i32
            %dma_start3A_179 = tpu.memref_slice %arg7[%add3A_177, %dma_start3A_178] : memref<25x80xi32, #tpu.memory_space<vmem>> -> memref<1x80xi32, #tpu.memory_space<vmem>>
            %dma_start3A_180 = tpu.memref_squeeze %dma_start3A_179 : memref<1x80xi32, #tpu.memory_space<vmem>> -> memref<80xi32, #tpu.memory_space<vmem>>
            %dma_start3A_181 = arith.constant 0 : i32
            %dma_start3A_182 = arith.constant 0 : i32
            %dma_start3A_183 = tpu.memref_slice %arg2[%dma_start3A_181, %dma_start3A_182] : memref<10000x128xf32, #tpu.memory_space<hbm>> -> memref<10000x128xf32, #tpu.memory_space<hbm>>
            tpu.enqueue_indirect_dma source(%dma_start3A_183 : memref<10000x128xf32, #tpu.memory_space<hbm>>) target(%arg11 : memref<80x128xf32, #tpu.memory_space<vmem>>) offsets(%dma_start3A_180 : memref<80xi32, #tpu.memory_space<vmem>>) semaphore(%arg16 : memref<!tpu.dma_semaphore, #tpu.memory_space<semaphore_mem>>)
            %mul3A_184 = arith.constant 25 : i32
            %mul3A_185 = arith.muli %add3A_80, %mul3A_184 : i32
            %add3A_186 = arith.addi %mul3A_185, %add3A_177 : i32
            %mul3A_187 = arith.constant 80 : i32
            %mul3A_188 = arith.muli %add3A_186, %mul3A_187 : i32
            %add3A_189 = arith.addi %mul3A_2, %mul3A_188 : i32
            %dma_start3A_190 = arith.constant 0 : i32
            %dma_start3A_191 = tpu.memref_slice %arg3[%add3A_189, %dma_start3A_190] : memref<320000x64xi32, #tpu.memory_space<hbm>> -> memref<80x64xi32, #tpu.memory_space<hbm>>
            %dma_start3A_192 = arith.constant 0 : i32
            %dma_start3A_193 = tpu.memref_slice %arg3[%add3A_189, %dma_start3A_192] : memref<320000x64xi32, #tpu.memory_space<hbm>> -> memref<80x64xi32, #tpu.memory_space<hbm>>
            tpu.enqueue_dma source(%dma_start3A_193 : memref<80x64xi32, #tpu.memory_space<hbm>>) target(%arg12 : memref<80x64xi32, #tpu.memory_space<vmem>>) target_semaphore(%arg17 : memref<!tpu.dma_semaphore, #tpu.memory_space<semaphore_mem>>)
          } else {
          }
        } else {
        }
      }
      %scan3A_121 = arith.constant 13 : i32
    }
    %scan3A_46 = arith.constant 5 : i32
    %barrier3A_47 = arith.constant 0 : index
    tpu.barrier barrier_id(%barrier3A_47)
    %scan3A_48 = arith.constant 0 : i32
    %scan3A_49 = arith.constant 7 : i32
    %scan3A_50 = arith.addi %scan3A_48, %scan3A_49 : i32
    %scan3A_51 = arith.constant 1 : i32
    scf.for %scan3A_76 = %scan3A_48 to %scan3A_50 step %scan3A_51  : i32 {
      %mul3A_77 = arith.constant 1 : i32
      %mul3A_78 = arith.muli %scan3A_76, %mul3A_77 : i32
      %add3A_79 = arith.constant 0 : i32
      %add3A_80 = arith.addi %add3A_79, %mul3A_78 : i32
      %mul3A_81 = arith.constant 632 : i32
      %mul3A_82 = arith.muli %arg1, %mul3A_81 : i32
      %mul3A_83 = arith.constant 80 : i32
      %mul3A_84 = arith.muli %add3A_80, %mul3A_83 : i32
      %add3A_85 = arith.addi %mul3A_82, %mul3A_84 : i32
      %dma_start3A_86 = arith.constant 0 : i32
      %dma_start3A_87 = tpu.memref_slice %arg6[%arg0, %add3A_85, %dma_start3A_86] : memref<2x10112x128xf32, #tpu.memory_space<hbm>> -> memref<1x80x128xf32, #tpu.memory_space<hbm>>
      %dma_start3A_88 = tpu.memref_squeeze %dma_start3A_87 : memref<1x80x128xf32, #tpu.memory_space<hbm>> -> memref<80x128xf32, #tpu.memory_space<hbm>>
      %dma_start3A_89 = arith.constant 0 : i32
      %dma_start3A_90 = tpu.memref_slice %arg13[%add3A_85, %dma_start3A_89] : memref<10112x128xf32, #tpu.memory_space<vmem_shared>> -> memref<80x128xf32, #tpu.memory_space<vmem_shared>>
      tpu.enqueue_dma source(%dma_start3A_90 : memref<80x128xf32, #tpu.memory_space<vmem_shared>>) target(%dma_start3A_88 : memref<80x128xf32, #tpu.memory_space<hbm>>) target_semaphore(%arg14 : memref<!tpu.dma_semaphore, #tpu.memory_space<semaphore_mem>>)
    }
    %scan3A_52 = arith.constant 7 : i32
    %mul3A_53 = arith.constant 632 : i32
    %mul3A_54 = arith.muli %arg1, %mul3A_53 : i32
    %add3A_55 = arith.constant 560 : i32
    %add3A_56 = arith.addi %mul3A_54, %add3A_55 : i32
    %dma_start3A_57 = arith.constant 0 : i32
    %dma_start3A_58 = tpu.memref_slice %arg6[%arg0, %add3A_56, %dma_start3A_57] : memref<2x10112x128xf32, #tpu.memory_space<hbm>> -> memref<1x72x128xf32, #tpu.memory_space<hbm>>
    %dma_start3A_59 = tpu.memref_squeeze %dma_start3A_58 : memref<1x72x128xf32, #tpu.memory_space<hbm>> -> memref<72x128xf32, #tpu.memory_space<hbm>>
    %dma_start3A_60 = arith.constant 0 : i32
    %dma_start3A_61 = tpu.memref_slice %arg13[%add3A_56, %dma_start3A_60] : memref<10112x128xf32, #tpu.memory_space<vmem_shared>> -> memref<72x128xf32, #tpu.memory_space<vmem_shared>>
    tpu.enqueue_dma source(%dma_start3A_61 : memref<72x128xf32, #tpu.memory_space<vmem_shared>>) target(%dma_start3A_59 : memref<72x128xf32, #tpu.memory_space<hbm>>) target_semaphore(%arg15 : memref<!tpu.dma_semaphore, #tpu.memory_space<semaphore_mem>>)
    %scan3A_62 = arith.constant 0 : i32
    %scan3A_63 = arith.constant 7 : i32
    %scan3A_64 = arith.addi %scan3A_62, %scan3A_63 : i32
    %scan3A_65 = arith.constant 1 : i32
    scf.for %scan3A_76 = %scan3A_62 to %scan3A_64 step %scan3A_65  : i32 {
      %mul3A_77 = arith.constant 1 : i32
      %mul3A_78 = arith.muli %scan3A_76, %mul3A_77 : i32
      %add3A_79 = arith.constant 0 : i32
      %add3A_80 = arith.addi %add3A_79, %mul3A_78 : i32
      %mul3A_81 = arith.constant 632 : i32
      %mul3A_82 = arith.muli %arg1, %mul3A_81 : i32
      %mul3A_83 = arith.constant 632 : i32
      %mul3A_84 = arith.muli %arg1, %mul3A_83 : i32
      %dma_wait3A_85 = arith.constant 0 : i32
      %dma_wait3A_86 = tpu.memref_slice %arg6[%arg0, %mul3A_84, %dma_wait3A_85] : memref<2x10112x128xf32, #tpu.memory_space<hbm>> -> memref<1x80x128xf32, #tpu.memory_space<hbm>>
      %dma_wait3A_87 = tpu.memref_squeeze %dma_wait3A_86 : memref<1x80x128xf32, #tpu.memory_space<hbm>> -> memref<80x128xf32, #tpu.memory_space<hbm>>
      %dma_wait3A_88 = arith.constant 0 : i32
      %dma_wait3A_89 = tpu.memref_slice %arg13[%mul3A_82, %dma_wait3A_88] : memref<10112x128xf32, #tpu.memory_space<vmem_shared>> -> memref<80x128xf32, #tpu.memory_space<vmem_shared>>
      tpu.wait_dma2 semaphore(%arg14 : memref<!tpu.dma_semaphore, #tpu.memory_space<semaphore_mem>>) src(%dma_wait3A_89 : memref<80x128xf32, #tpu.memory_space<vmem_shared>>) dst(%dma_wait3A_87 : memref<80x128xf32, #tpu.memory_space<hbm>>)
    }
    %scan3A_66 = arith.constant 7 : i32
    %mul3A_67 = arith.constant 632 : i32
    %mul3A_68 = arith.muli %arg1, %mul3A_67 : i32
    %mul3A_69 = arith.constant 632 : i32
    %mul3A_70 = arith.muli %arg1, %mul3A_69 : i32
    %dma_wait3A_71 = arith.constant 0 : i32
    %dma_wait3A_72 = tpu.memref_slice %arg6[%arg0, %mul3A_70, %dma_wait3A_71] : memref<2x10112x128xf32, #tpu.memory_space<hbm>> -> memref<1x72x128xf32, #tpu.memory_space<hbm>>
    %dma_wait3A_73 = tpu.memref_squeeze %dma_wait3A_72 : memref<1x72x128xf32, #tpu.memory_space<hbm>> -> memref<72x128xf32, #tpu.memory_space<hbm>>
    %dma_wait3A_74 = arith.constant 0 : i32
    %dma_wait3A_75 = tpu.memref_slice %arg13[%mul3A_68, %dma_wait3A_74] : memref<10112x128xf32, #tpu.memory_space<vmem_shared>> -> memref<72x128xf32, #tpu.memory_space<vmem_shared>>
    tpu.wait_dma2 semaphore(%arg15 : memref<!tpu.dma_semaphore, #tpu.memory_space<semaphore_mem>>) src(%dma_wait3A_75 : memref<72x128xf32, #tpu.memory_space<vmem_shared>>) dst(%dma_wait3A_73 : memref<72x128xf32, #tpu.memory_space<hbm>>)
    return
  }
}

module attributes {stable_mosaic.version = 14 : i64} {
  func.func @body(%arg0: i32, %arg1: memref<2000x128xf32, #tpu.memory_space<vmem>>, %arg2: memref<128x128xf32, #tpu.memory_space<vmem>>, %arg3: memref<1x128xf32, #tpu.memory_space<vmem>>, %arg4: memref<128x128xf32, #tpu.memory_space<vmem>>, %arg5: memref<1x128xf32, #tpu.memory_space<vmem>>, %arg6: memref<128x128xf32, #tpu.memory_space<vmem>>, %arg7: memref<1x128xf32, #tpu.memory_space<vmem>>, %arg8: memref<2000x128xf32, #tpu.memory_space<vmem>>) attributes {dimension_semantics = [#tpu.dimension_semantics<arbitrary>], iteration_bounds = array<i64: 5>, scalar_prefetch = 0 : i64, scratch_operands = 0 : i64, tpu.core_type = #tpu.core_type<tc>, window_params = [{transform_indices = @transform_0, window_bounds = array<i64: 2000, 128>}, {pipeline_mode = #tpu.pipeline_mode<synchronous>, transform_indices = @transform_1, window_bounds = array<i64: 128, 128>}, {pipeline_mode = #tpu.pipeline_mode<synchronous>, transform_indices = @transform_2, window_bounds = array<i64: 1, 128>}, {pipeline_mode = #tpu.pipeline_mode<synchronous>, transform_indices = @transform_3, window_bounds = array<i64: 128, 128>}, {pipeline_mode = #tpu.pipeline_mode<synchronous>, transform_indices = @transform_4, window_bounds = array<i64: 1, 128>}, {pipeline_mode = #tpu.pipeline_mode<synchronous>, transform_indices = @transform_5, window_bounds = array<i64: 128, 128>}, {pipeline_mode = #tpu.pipeline_mode<synchronous>, transform_indices = @transform_6, window_bounds = array<i64: 1, 128>}, {transform_indices = @transform_7, window_bounds = array<i64: 2000, 128>}]} {
    %get3A = arith.constant 0 : index
    %get3A_0 = arith.constant 0 : index
    %get3A_1 = vector.load %arg1[%get3A, %get3A_0] : memref<2000x128xf32, #tpu.memory_space<vmem>>, vector<2000x128xf32>
    %get3A_2 = arith.constant 0 : index
    %get3A_3 = arith.constant 0 : index
    %get3A_4 = vector.load %arg2[%get3A_2, %get3A_3] : memref<128x128xf32, #tpu.memory_space<vmem>>, vector<128x128xf32>
    %get3A_5 = arith.constant 0 : index
    %get3A_6 = arith.constant 0 : index
    %get3A_7 = vector.load %arg3[%get3A_5, %get3A_6] : memref<1x128xf32, #tpu.memory_space<vmem>>, vector<1x128xf32>
    %dot_general3A = arith.constant dense<0.000000e+00> : vector<2000x128xf32>
    %dot_general3A_8 = tpu.matmul %get3A_1, %get3A_4, %dot_general3A {dimension_numbers = #tpu.dot_dimension_numbers<[1], [0], [0], [1], [0, 0, 1, 1], [], []>, transpose_lhs_hint = false} : vector<2000x128xf32>, vector<128x128xf32>, vector<2000x128xf32> -> vector<2000x128xf32>
    %add3A = vector.broadcast %get3A_7 : vector<1x128xf32> to vector<2000x128xf32>
    %add3A_9 = arith.addf %dot_general3A_8, %add3A : vector<2000x128xf32>
    %max3A = arith.constant 0.000000e+00 : f32
    %max3A_10 = vector.broadcast %max3A : f32 to vector<2000x128xf32>
    %max3A_11 = arith.maximumf %add3A_9, %max3A_10 : vector<2000x128xf32>
    %get3A_12 = arith.constant 0 : index
    %get3A_13 = arith.constant 0 : index
    %get3A_14 = vector.load %arg4[%get3A_12, %get3A_13] : memref<128x128xf32, #tpu.memory_space<vmem>>, vector<128x128xf32>
    %get3A_15 = arith.constant 0 : index
    %get3A_16 = arith.constant 0 : index
    %get3A_17 = vector.load %arg5[%get3A_15, %get3A_16] : memref<1x128xf32, #tpu.memory_space<vmem>>, vector<1x128xf32>
    %dot_general3A_18 = arith.constant dense<0.000000e+00> : vector<2000x128xf32>
    %dot_general3A_19 = tpu.matmul %max3A_11, %get3A_14, %dot_general3A_18 {dimension_numbers = #tpu.dot_dimension_numbers<[1], [0], [0], [1], [0, 0, 1, 1], [], []>, transpose_lhs_hint = false} : vector<2000x128xf32>, vector<128x128xf32>, vector<2000x128xf32> -> vector<2000x128xf32>
    %add3A_20 = vector.broadcast %get3A_17 : vector<1x128xf32> to vector<2000x128xf32>
    %add3A_21 = arith.addf %dot_general3A_19, %add3A_20 : vector<2000x128xf32>
    %max3A_22 = arith.constant 0.000000e+00 : f32
    %max3A_23 = vector.broadcast %max3A_22 : f32 to vector<2000x128xf32>
    %max3A_24 = arith.maximumf %add3A_21, %max3A_23 : vector<2000x128xf32>
    %get3A_25 = arith.constant 0 : index
    %get3A_26 = arith.constant 0 : index
    %get3A_27 = vector.load %arg6[%get3A_25, %get3A_26] : memref<128x128xf32, #tpu.memory_space<vmem>>, vector<128x128xf32>
    %get3A_28 = arith.constant 0 : index
    %get3A_29 = arith.constant 0 : index
    %get3A_30 = vector.load %arg7[%get3A_28, %get3A_29] : memref<1x128xf32, #tpu.memory_space<vmem>>, vector<1x128xf32>
    %dot_general3A_31 = arith.constant dense<0.000000e+00> : vector<2000x128xf32>
    %dot_general3A_32 = tpu.matmul %max3A_24, %get3A_27, %dot_general3A_31 {dimension_numbers = #tpu.dot_dimension_numbers<[1], [0], [0], [1], [0, 0, 1, 1], [], []>, transpose_lhs_hint = false} : vector<2000x128xf32>, vector<128x128xf32>, vector<2000x128xf32> -> vector<2000x128xf32>
    %add3A_33 = vector.broadcast %get3A_30 : vector<1x128xf32> to vector<2000x128xf32>
    %add3A_34 = arith.addf %dot_general3A_32, %add3A_33 : vector<2000x128xf32>
    %swap3A = arith.constant 0 : index
    %swap3A_35 = arith.constant 0 : index
    %swap3A_36 = vector.load %arg8[%swap3A, %swap3A_35] : memref<2000x128xf32, #tpu.memory_space<vmem>>, vector<2000x128xf32>
    tpu.vector_store %arg8[%swap3A, %swap3A_35], %add3A_34 {strides = array<i32>} : memref<2000x128xf32, #tpu.memory_space<vmem>>, vector<2000x128xf32>,
    return
  }
  func.func @transform_0(%arg0: i32) -> (i32, i32) {
    %c0_i32 = arith.constant 0 : i32
    %c0_i32_0 = arith.constant 0 : i32
    return %arg0, %c0_i32 : i32, i32
  }
  func.func @transform_1(%arg0: i32) -> (i32, i32) {
    %c0_i32 = arith.constant 0 : i32
    %c0_i32_0 = arith.constant 0 : i32
    %c0_i32_1 = arith.constant 0 : i32
    return %c0_i32, %c0_i32_0 : i32, i32
  }
  func.func @transform_2(%arg0: i32) -> (i32, i32) {
    %c0_i32 = arith.constant 0 : i32
    %c0_i32_0 = arith.constant 0 : i32
    %c0_i32_1 = arith.constant 0 : i32
    return %c0_i32, %c0_i32_0 : i32, i32
  }
  func.func @transform_3(%arg0: i32) -> (i32, i32) {
    %c0_i32 = arith.constant 0 : i32
    %c0_i32_0 = arith.constant 0 : i32
    %c0_i32_1 = arith.constant 0 : i32
    return %c0_i32, %c0_i32_0 : i32, i32
  }
  func.func @transform_4(%arg0: i32) -> (i32, i32) {
    %c0_i32 = arith.constant 0 : i32
    %c0_i32_0 = arith.constant 0 : i32
    %c0_i32_1 = arith.constant 0 : i32
    return %c0_i32, %c0_i32_0 : i32, i32
  }
  func.func @transform_5(%arg0: i32) -> (i32, i32) {
    %c0_i32 = arith.constant 0 : i32
    %c0_i32_0 = arith.constant 0 : i32
    %c0_i32_1 = arith.constant 0 : i32
    return %c0_i32, %c0_i32_0 : i32, i32
  }
  func.func @transform_6(%arg0: i32) -> (i32, i32) {
    %c0_i32 = arith.constant 0 : i32
    %c0_i32_0 = arith.constant 0 : i32
    %c0_i32_1 = arith.constant 0 : i32
    return %c0_i32, %c0_i32_0 : i32, i32
  }
  func.func @transform_7(%arg0: i32) -> (i32, i32) {
    %c0_i32 = arith.constant 0 : i32
    %c0_i32_0 = arith.constant 0 : i32
    return %arg0, %c0_i32 : i32, i32
  }
}

module attributes {stable_mosaic.version = 14 : i64} {
  func.func @body(%arg0: i32, %arg1: memref<2000x16xf32, #tpu.memory_space<vmem>>, %arg2: memref<16x128xf32, #tpu.memory_space<vmem>>, %arg3: memref<1x128xf32, #tpu.memory_space<vmem>>, %arg4: memref<128x128xf32, #tpu.memory_space<vmem>>, %arg5: memref<1x128xf32, #tpu.memory_space<vmem>>, %arg6: memref<128x64xf32, #tpu.memory_space<vmem>>, %arg7: memref<1x64xf32, #tpu.memory_space<vmem>>, %arg8: memref<128x64xf32, #tpu.memory_space<vmem>>, %arg9: memref<1x64xf32, #tpu.memory_space<vmem>>, %arg10: memref<2000x64xi32, #tpu.memory_space<vmem>>) attributes {dimension_semantics = [#tpu.dimension_semantics<arbitrary>], iteration_bounds = array<i64: 160>, scalar_prefetch = 0 : i64, scratch_operands = 0 : i64, tpu.core_type = #tpu.core_type<tc>, window_params = [{transform_indices = @transform_0, window_bounds = array<i64: 2000, 16>}, {pipeline_mode = #tpu.pipeline_mode<synchronous>, transform_indices = @transform_1, window_bounds = array<i64: 16, 128>}, {pipeline_mode = #tpu.pipeline_mode<synchronous>, transform_indices = @transform_2, window_bounds = array<i64: 1, 128>}, {pipeline_mode = #tpu.pipeline_mode<synchronous>, transform_indices = @transform_3, window_bounds = array<i64: 128, 128>}, {pipeline_mode = #tpu.pipeline_mode<synchronous>, transform_indices = @transform_4, window_bounds = array<i64: 1, 128>}, {pipeline_mode = #tpu.pipeline_mode<synchronous>, transform_indices = @transform_5, window_bounds = array<i64: 128, 64>}, {pipeline_mode = #tpu.pipeline_mode<synchronous>, transform_indices = @transform_6, window_bounds = array<i64: 1, 64>}, {pipeline_mode = #tpu.pipeline_mode<synchronous>, transform_indices = @transform_7, window_bounds = array<i64: 128, 64>}, {pipeline_mode = #tpu.pipeline_mode<synchronous>, transform_indices = @transform_8, window_bounds = array<i64: 1, 64>}, {transform_indices = @transform_9, window_bounds = array<i64: 2000, 64>}]} {
    %get3A = arith.constant 0 : index
    %get3A_0 = arith.constant 0 : index
    %get3A_1 = vector.load %arg1[%get3A, %get3A_0] : memref<2000x16xf32, #tpu.memory_space<vmem>>, vector<2000x16xf32>
    %get3A_2 = arith.constant 0 : index
    %get3A_3 = arith.constant 0 : index
    %get3A_4 = vector.load %arg2[%get3A_2, %get3A_3] : memref<16x128xf32, #tpu.memory_space<vmem>>, vector<16x128xf32>
    %get3A_5 = arith.constant 0 : index
    %get3A_6 = arith.constant 0 : index
    %get3A_7 = vector.load %arg3[%get3A_5, %get3A_6] : memref<1x128xf32, #tpu.memory_space<vmem>>, vector<1x128xf32>
    %convert_element_type3A = arith.truncf %get3A_1 : vector<2000x16xf32> to vector<2000x16xbf16>
    %convert_element_type3A_8 = arith.truncf %get3A_4 : vector<16x128xf32> to vector<16x128xbf16>
    %dot_general3A = arith.constant dense<0.000000e+00> : vector<2000x128xf32>
    %dot_general3A_9 = tpu.matmul %convert_element_type3A, %convert_element_type3A_8, %dot_general3A {dimension_numbers = #tpu.dot_dimension_numbers<[1], [0], [0], [1], [0, 0, 1, 1], [], []>, transpose_lhs_hint = false} : vector<2000x16xbf16>, vector<16x128xbf16>, vector<2000x128xf32> -> vector<2000x128xf32>
    %add3A = vector.broadcast %get3A_7 : vector<1x128xf32> to vector<2000x128xf32>
    %add3A_10 = arith.addf %dot_general3A_9, %add3A : vector<2000x128xf32>
    %max3A = arith.constant 0.000000e+00 : f32
    %max3A_11 = vector.broadcast %max3A : f32 to vector<2000x128xf32>
    %max3A_12 = arith.maximumf %add3A_10, %max3A_11 : vector<2000x128xf32>
    %get3A_13 = arith.constant 0 : index
    %get3A_14 = arith.constant 0 : index
    %get3A_15 = vector.load %arg4[%get3A_13, %get3A_14] : memref<128x128xf32, #tpu.memory_space<vmem>>, vector<128x128xf32>
    %get3A_16 = arith.constant 0 : index
    %get3A_17 = arith.constant 0 : index
    %get3A_18 = vector.load %arg5[%get3A_16, %get3A_17] : memref<1x128xf32, #tpu.memory_space<vmem>>, vector<1x128xf32>
    %convert_element_type3A_19 = arith.truncf %max3A_12 : vector<2000x128xf32> to vector<2000x128xbf16>
    %convert_element_type3A_20 = arith.truncf %get3A_15 : vector<128x128xf32> to vector<128x128xbf16>
    %dot_general3A_21 = arith.constant dense<0.000000e+00> : vector<2000x128xf32>
    %dot_general3A_22 = tpu.matmul %convert_element_type3A_19, %convert_element_type3A_20, %dot_general3A_21 {dimension_numbers = #tpu.dot_dimension_numbers<[1], [0], [0], [1], [0, 0, 1, 1], [], []>, transpose_lhs_hint = false} : vector<2000x128xbf16>, vector<128x128xbf16>, vector<2000x128xf32> -> vector<2000x128xf32>
    %add3A_23 = vector.broadcast %get3A_18 : vector<1x128xf32> to vector<2000x128xf32>
    %add3A_24 = arith.addf %dot_general3A_22, %add3A_23 : vector<2000x128xf32>
    %max3A_25 = arith.constant 0.000000e+00 : f32
    %max3A_26 = vector.broadcast %max3A_25 : f32 to vector<2000x128xf32>
    %max3A_27 = arith.maximumf %add3A_24, %max3A_26 : vector<2000x128xf32>
    %get3A_28 = arith.constant 0 : index
    %get3A_29 = arith.constant 0 : index
    %get3A_30 = vector.load %arg6[%get3A_28, %get3A_29] : memref<128x64xf32, #tpu.memory_space<vmem>>, vector<128x64xf32>
    %get3A_31 = arith.constant 0 : index
    %get3A_32 = arith.constant 0 : index
    %get3A_33 = vector.load %arg7[%get3A_31, %get3A_32] : memref<1x64xf32, #tpu.memory_space<vmem>>, vector<1x64xf32>
    %convert_element_type3A_34 = arith.truncf %max3A_27 : vector<2000x128xf32> to vector<2000x128xbf16>
    %convert_element_type3A_35 = arith.truncf %get3A_30 : vector<128x64xf32> to vector<128x64xbf16>
    %dot_general3A_36 = arith.constant dense<0.000000e+00> : vector<2000x64xf32>
    %dot_general3A_37 = tpu.matmul %convert_element_type3A_34, %convert_element_type3A_35, %dot_general3A_36 {dimension_numbers = #tpu.dot_dimension_numbers<[1], [0], [0], [1], [0, 0, 1, 1], [], []>, transpose_lhs_hint = false} : vector<2000x128xbf16>, vector<128x64xbf16>, vector<2000x64xf32> -> vector<2000x64xf32>
    %add3A_38 = vector.broadcast %get3A_33 : vector<1x64xf32> to vector<2000x64xf32>
    %add3A_39 = arith.addf %dot_general3A_37, %add3A_38 : vector<2000x64xf32>
    %bitcast_convert_type3A = tpu.bitcast %add3A_39 : vector<2000x64xf32> -> vector<2000x64xi32>
    %get3A_40 = arith.constant 0 : index
    %get3A_41 = arith.constant 0 : index
    %get3A_42 = vector.load %arg8[%get3A_40, %get3A_41] : memref<128x64xf32, #tpu.memory_space<vmem>>, vector<128x64xf32>
    %get3A_43 = arith.constant 0 : index
    %get3A_44 = arith.constant 0 : index
    %get3A_45 = vector.load %arg9[%get3A_43, %get3A_44] : memref<1x64xf32, #tpu.memory_space<vmem>>, vector<1x64xf32>
    %convert_element_type3A_46 = arith.truncf %max3A_27 : vector<2000x128xf32> to vector<2000x128xbf16>
    %convert_element_type3A_47 = arith.truncf %get3A_42 : vector<128x64xf32> to vector<128x64xbf16>
    %dot_general3A_48 = arith.constant dense<0.000000e+00> : vector<2000x64xf32>
    %dot_general3A_49 = tpu.matmul %convert_element_type3A_46, %convert_element_type3A_47, %dot_general3A_48 {dimension_numbers = #tpu.dot_dimension_numbers<[1], [0], [0], [1], [0, 0, 1, 1], [], []>, transpose_lhs_hint = false} : vector<2000x128xbf16>, vector<128x64xbf16>, vector<2000x64xf32> -> vector<2000x64xf32>
    %add3A_50 = vector.broadcast %get3A_45 : vector<1x64xf32> to vector<2000x64xf32>
    %add3A_51 = arith.addf %dot_general3A_49, %add3A_50 : vector<2000x64xf32>
    %bitcast_convert_type3A_52 = tpu.bitcast %add3A_51 : vector<2000x64xf32> -> vector<2000x64xi32>
    %add3A_53 = arith.constant 32767 : i32
    %add3A_54 = vector.broadcast %add3A_53 : i32 to vector<2000x64xi32>
    %add3A_55 = arith.addi %bitcast_convert_type3A, %add3A_54 : vector<2000x64xi32>
    %shift_right_arithmetic3A = arith.constant 16 : i32
    %shift_right_arithmetic3A_56 = vector.broadcast %shift_right_arithmetic3A : i32 to vector<2000x64xi32>
    %shift_right_arithmetic3A_57 = arith.shrsi %bitcast_convert_type3A, %shift_right_arithmetic3A_56 : vector<2000x64xi32>
    %and3A = arith.constant 1 : i32
    %and3A_58 = vector.broadcast %and3A : i32 to vector<2000x64xi32>
    %and3A_59 = arith.andi %shift_right_arithmetic3A_57, %and3A_58 : vector<2000x64xi32>
    %add3A_60 = arith.addi %add3A_55, %and3A_59 : vector<2000x64xi32>
    %shift_right_arithmetic3A_61 = arith.constant 16 : i32
    %shift_right_arithmetic3A_62 = vector.broadcast %shift_right_arithmetic3A_61 : i32 to vector<2000x64xi32>
    %shift_right_arithmetic3A_63 = arith.shrsi %add3A_60, %shift_right_arithmetic3A_62 : vector<2000x64xi32>
    %and3A_64 = arith.constant 65535 : i32
    %and3A_65 = vector.broadcast %and3A_64 : i32 to vector<2000x64xi32>
    %and3A_66 = arith.andi %shift_right_arithmetic3A_63, %and3A_65 : vector<2000x64xi32>
    %add3A_67 = arith.constant 32767 : i32
    %add3A_68 = vector.broadcast %add3A_67 : i32 to vector<2000x64xi32>
    %add3A_69 = arith.addi %bitcast_convert_type3A_52, %add3A_68 : vector<2000x64xi32>
    %shift_right_arithmetic3A_70 = arith.constant 16 : i32
    %shift_right_arithmetic3A_71 = vector.broadcast %shift_right_arithmetic3A_70 : i32 to vector<2000x64xi32>
    %shift_right_arithmetic3A_72 = arith.shrsi %bitcast_convert_type3A_52, %shift_right_arithmetic3A_71 : vector<2000x64xi32>
    %and3A_73 = arith.constant 1 : i32
    %and3A_74 = vector.broadcast %and3A_73 : i32 to vector<2000x64xi32>
    %and3A_75 = arith.andi %shift_right_arithmetic3A_72, %and3A_74 : vector<2000x64xi32>
    %add3A_76 = arith.addi %add3A_69, %and3A_75 : vector<2000x64xi32>
    %and3A_77 = arith.constant -65536 : i32
    %and3A_78 = vector.broadcast %and3A_77 : i32 to vector<2000x64xi32>
    %and3A_79 = arith.andi %add3A_76, %and3A_78 : vector<2000x64xi32>
    %or3A = arith.ori %and3A_66, %and3A_79 : vector<2000x64xi32>
    %swap3A = arith.constant 0 : index
    %swap3A_80 = arith.constant 0 : index
    %swap3A_81 = vector.load %arg10[%swap3A, %swap3A_80] : memref<2000x64xi32, #tpu.memory_space<vmem>>, vector<2000x64xi32>
    tpu.vector_store %arg10[%swap3A, %swap3A_80], %or3A {strides = array<i32>} : memref<2000x64xi32, #tpu.memory_space<vmem>>, vector<2000x64xi32>,
    return
  }
  func.func @transform_0(%arg0: i32) -> (i32, i32) {
    %c0_i32 = arith.constant 0 : i32
    %c0_i32_0 = arith.constant 0 : i32
    return %arg0, %c0_i32 : i32, i32
  }
  func.func @transform_1(%arg0: i32) -> (i32, i32) {
    %c0_i32 = arith.constant 0 : i32
    %c0_i32_0 = arith.constant 0 : i32
    %c0_i32_1 = arith.constant 0 : i32
    return %c0_i32, %c0_i32_0 : i32, i32
  }
  func.func @transform_2(%arg0: i32) -> (i32, i32) {
    %c0_i32 = arith.constant 0 : i32
    %c0_i32_0 = arith.constant 0 : i32
    %c0_i32_1 = arith.constant 0 : i32
    return %c0_i32, %c0_i32_0 : i32, i32
  }
  func.func @transform_3(%arg0: i32) -> (i32, i32) {
    %c0_i32 = arith.constant 0 : i32
    %c0_i32_0 = arith.constant 0 : i32
    %c0_i32_1 = arith.constant 0 : i32
    return %c0_i32, %c0_i32_0 : i32, i32
  }
  func.func @transform_4(%arg0: i32) -> (i32, i32) {
    %c0_i32 = arith.constant 0 : i32
    %c0_i32_0 = arith.constant 0 : i32
    %c0_i32_1 = arith.constant 0 : i32
    return %c0_i32, %c0_i32_0 : i32, i32
  }
  func.func @transform_5(%arg0: i32) -> (i32, i32) {
    %c0_i32 = arith.constant 0 : i32
    %c0_i32_0 = arith.constant 0 : i32
    %c0_i32_1 = arith.constant 0 : i32
    return %c0_i32, %c0_i32_0 : i32, i32
  }
  func.func @transform_6(%arg0: i32) -> (i32, i32) {
    %c0_i32 = arith.constant 0 : i32
    %c0_i32_0 = arith.constant 0 : i32
    %c0_i32_1 = arith.constant 0 : i32
    return %c0_i32, %c0_i32_0 : i32, i32
  }
  func.func @transform_7(%arg0: i32) -> (i32, i32) {
    %c0_i32 = arith.constant 0 : i32
    %c0_i32_0 = arith.constant 0 : i32
    %c0_i32_1 = arith.constant 0 : i32
    return %c0_i32, %c0_i32_0 : i32, i32
  }
  func.func @transform_8(%arg0: i32) -> (i32, i32) {
    %c0_i32 = arith.constant 0 : i32
    %c0_i32_0 = arith.constant 0 : i32
    %c0_i32_1 = arith.constant 0 : i32
    return %c0_i32, %c0_i32_0 : i32, i32
  }
  func.func @transform_9(%arg0: i32) -> (i32, i32) {
    %c0_i32 = arith.constant 0 : i32
    %c0_i32_0 = arith.constant 0 : i32
    return %arg0, %c0_i32 : i32, i32
  }
}

module attributes {stable_mosaic.version = 14 : i64} {
  func.func @body(%arg0: i32, %arg1: memref<2000x128xf32, #tpu.memory_space<vmem>>, %arg2: memref<1x2000x128xf32, #tpu.memory_space<vmem>>, %arg3: memref<1x2000x128xf32, #tpu.memory_space<vmem>>, %arg4: memref<128x128xf32, #tpu.memory_space<vmem>>, %arg5: memref<1x128xf32, #tpu.memory_space<vmem>>, %arg6: memref<128x128xf32, #tpu.memory_space<vmem>>, %arg7: memref<1x128xf32, #tpu.memory_space<vmem>>, %arg8: memref<128x128xf32, #tpu.memory_space<vmem>>, %arg9: memref<1x128xf32, #tpu.memory_space<vmem>>, %arg10: memref<2000x128xf32, #tpu.memory_space<vmem>>) attributes {dimension_semantics = [#tpu.dimension_semantics<arbitrary>], iteration_bounds = array<i64: 5>, scalar_prefetch = 0 : i64, scratch_operands = 0 : i64, tpu.core_type = #tpu.core_type<tc>, window_params = [{transform_indices = @transform_0, window_bounds = array<i64: 2000, 128>}, {transform_indices = @transform_1, window_bounds = array<i64: 1, 2000, 128>}, {transform_indices = @transform_2, window_bounds = array<i64: 1, 2000, 128>}, {pipeline_mode = #tpu.pipeline_mode<synchronous>, transform_indices = @transform_3, window_bounds = array<i64: 128, 128>}, {pipeline_mode = #tpu.pipeline_mode<synchronous>, transform_indices = @transform_4, window_bounds = array<i64: 1, 128>}, {pipeline_mode = #tpu.pipeline_mode<synchronous>, transform_indices = @transform_5, window_bounds = array<i64: 128, 128>}, {pipeline_mode = #tpu.pipeline_mode<synchronous>, transform_indices = @transform_6, window_bounds = array<i64: 1, 128>}, {pipeline_mode = #tpu.pipeline_mode<synchronous>, transform_indices = @transform_7, window_bounds = array<i64: 128, 128>}, {pipeline_mode = #tpu.pipeline_mode<synchronous>, transform_indices = @transform_8, window_bounds = array<i64: 1, 128>}, {transform_indices = @transform_9, window_bounds = array<i64: 2000, 128>}]} {
    %get3A = arith.constant 0 : index
    %get3A_0 = arith.constant 0 : index
    %get3A_1 = vector.load %arg1[%get3A, %get3A_0] : memref<2000x128xf32, #tpu.memory_space<vmem>>, vector<2000x128xf32>
    %get3A_2 = arith.constant 0 : index
    %get3A_3 = arith.constant 0 : index
    %get3A_4 = arith.constant 0 : index
    %get3A_5 = vector.load %arg2[%get3A_2, %get3A_3, %get3A_4] : memref<1x2000x128xf32, #tpu.memory_space<vmem>>, vector<1x2000x128xf32>
    %get3A_6 = vector.shape_cast %get3A_5 : vector<1x2000x128xf32> to vector<2000x128xf32>
    %add3A = arith.addf %get3A_1, %get3A_6 : vector<2000x128xf32>
    %get3A_7 = arith.constant 0 : index
    %get3A_8 = arith.constant 0 : index
    %get3A_9 = arith.constant 0 : index
    %get3A_10 = vector.load %arg3[%get3A_7, %get3A_8, %get3A_9] : memref<1x2000x128xf32, #tpu.memory_space<vmem>>, vector<1x2000x128xf32>
    %get3A_11 = vector.shape_cast %get3A_10 : vector<1x2000x128xf32> to vector<2000x128xf32>
    %add3A_12 = arith.addf %add3A, %get3A_11 : vector<2000x128xf32>
    %get3A_13 = arith.constant 0 : index
    %get3A_14 = arith.constant 0 : index
    %get3A_15 = vector.load %arg4[%get3A_13, %get3A_14] : memref<128x128xf32, #tpu.memory_space<vmem>>, vector<128x128xf32>
    %get3A_16 = arith.constant 0 : index
    %get3A_17 = arith.constant 0 : index
    %get3A_18 = vector.load %arg5[%get3A_16, %get3A_17] : memref<1x128xf32, #tpu.memory_space<vmem>>, vector<1x128xf32>
    %dot_general3A = arith.constant dense<0.000000e+00> : vector<2000x128xf32>
    %dot_general3A_19 = tpu.matmul %add3A_12, %get3A_15, %dot_general3A {dimension_numbers = #tpu.dot_dimension_numbers<[1], [0], [0], [1], [0, 0, 1, 1], [], []>, transpose_lhs_hint = false} : vector<2000x128xf32>, vector<128x128xf32>, vector<2000x128xf32> -> vector<2000x128xf32>
    %add3A_20 = vector.broadcast %get3A_18 : vector<1x128xf32> to vector<2000x128xf32>
    %add3A_21 = arith.addf %dot_general3A_19, %add3A_20 : vector<2000x128xf32>
    %max3A = arith.constant 0.000000e+00 : f32
    %max3A_22 = vector.broadcast %max3A : f32 to vector<2000x128xf32>
    %max3A_23 = arith.maximumf %add3A_21, %max3A_22 : vector<2000x128xf32>
    %get3A_24 = arith.constant 0 : index
    %get3A_25 = arith.constant 0 : index
    %get3A_26 = vector.load %arg6[%get3A_24, %get3A_25] : memref<128x128xf32, #tpu.memory_space<vmem>>, vector<128x128xf32>
    %get3A_27 = arith.constant 0 : index
    %get3A_28 = arith.constant 0 : index
    %get3A_29 = vector.load %arg7[%get3A_27, %get3A_28] : memref<1x128xf32, #tpu.memory_space<vmem>>, vector<1x128xf32>
    %dot_general3A_30 = arith.constant dense<0.000000e+00> : vector<2000x128xf32>
    %dot_general3A_31 = tpu.matmul %max3A_23, %get3A_26, %dot_general3A_30 {dimension_numbers = #tpu.dot_dimension_numbers<[1], [0], [0], [1], [0, 0, 1, 1], [], []>, transpose_lhs_hint = false} : vector<2000x128xf32>, vector<128x128xf32>, vector<2000x128xf32> -> vector<2000x128xf32>
    %add3A_32 = vector.broadcast %get3A_29 : vector<1x128xf32> to vector<2000x128xf32>
    %add3A_33 = arith.addf %dot_general3A_31, %add3A_32 : vector<2000x128xf32>
    %max3A_34 = arith.constant 0.000000e+00 : f32
    %max3A_35 = vector.broadcast %max3A_34 : f32 to vector<2000x128xf32>
    %max3A_36 = arith.maximumf %add3A_33, %max3A_35 : vector<2000x128xf32>
    %get3A_37 = arith.constant 0 : index
    %get3A_38 = arith.constant 0 : index
    %get3A_39 = vector.load %arg8[%get3A_37, %get3A_38] : memref<128x128xf32, #tpu.memory_space<vmem>>, vector<128x128xf32>
    %get3A_40 = arith.constant 0 : index
    %get3A_41 = arith.constant 0 : index
    %get3A_42 = vector.load %arg9[%get3A_40, %get3A_41] : memref<1x128xf32, #tpu.memory_space<vmem>>, vector<1x128xf32>
    %dot_general3A_43 = arith.constant dense<0.000000e+00> : vector<2000x128xf32>
    %dot_general3A_44 = tpu.matmul %max3A_36, %get3A_39, %dot_general3A_43 {dimension_numbers = #tpu.dot_dimension_numbers<[1], [0], [0], [1], [0, 0, 1, 1], [], []>, transpose_lhs_hint = false} : vector<2000x128xf32>, vector<128x128xf32>, vector<2000x128xf32> -> vector<2000x128xf32>
    %add3A_45 = vector.broadcast %get3A_42 : vector<1x128xf32> to vector<2000x128xf32>
    %add3A_46 = arith.addf %dot_general3A_44, %add3A_45 : vector<2000x128xf32>
    %swap3A = arith.constant 0 : index
    %swap3A_47 = arith.constant 0 : index
    %swap3A_48 = vector.load %arg10[%swap3A, %swap3A_47] : memref<2000x128xf32, #tpu.memory_space<vmem>>, vector<2000x128xf32>
    tpu.vector_store %arg10[%swap3A, %swap3A_47], %add3A_46 {strides = array<i32>} : memref<2000x128xf32, #tpu.memory_space<vmem>>, vector<2000x128xf32>,
    return
  }
  func.func @transform_0(%arg0: i32) -> (i32, i32) {
    %c0_i32 = arith.constant 0 : i32
    %c0_i32_0 = arith.constant 0 : i32
    return %arg0, %c0_i32 : i32, i32
  }
  func.func @transform_1(%arg0: i32) -> (i32, i32, i32) {
    %c0_i32 = arith.constant 0 : i32
    %c0_i32_0 = arith.constant 0 : i32
    %c0_i32_1 = arith.constant 0 : i32
    return %c0_i32, %arg0, %c0_i32_0 : i32, i32, i32
  }
  func.func @transform_2(%arg0: i32) -> (i32, i32, i32) {
    %c1_i32 = arith.constant 1 : i32
    %c0_i32 = arith.constant 0 : i32
    %c0_i32_0 = arith.constant 0 : i32
    return %c1_i32, %arg0, %c0_i32 : i32, i32, i32
  }
  func.func @transform_3(%arg0: i32) -> (i32, i32) {
    %c0_i32 = arith.constant 0 : i32
    %c0_i32_0 = arith.constant 0 : i32
    %c0_i32_1 = arith.constant 0 : i32
    return %c0_i32, %c0_i32_0 : i32, i32
  }
  func.func @transform_4(%arg0: i32) -> (i32, i32) {
    %c0_i32 = arith.constant 0 : i32
    %c0_i32_0 = arith.constant 0 : i32
    %c0_i32_1 = arith.constant 0 : i32
    return %c0_i32, %c0_i32_0 : i32, i32
  }
  func.func @transform_5(%arg0: i32) -> (i32, i32) {
    %c0_i32 = arith.constant 0 : i32
    %c0_i32_0 = arith.constant 0 : i32
    %c0_i32_1 = arith.constant 0 : i32
    return %c0_i32, %c0_i32_0 : i32, i32
  }
  func.func @transform_6(%arg0: i32) -> (i32, i32) {
    %c0_i32 = arith.constant 0 : i32
    %c0_i32_0 = arith.constant 0 : i32
    %c0_i32_1 = arith.constant 0 : i32
    return %c0_i32, %c0_i32_0 : i32, i32
  }
  func.func @transform_7(%arg0: i32) -> (i32, i32) {
    %c0_i32 = arith.constant 0 : i32
    %c0_i32_0 = arith.constant 0 : i32
    %c0_i32_1 = arith.constant 0 : i32
    return %c0_i32, %c0_i32_0 : i32, i32
  }
  func.func @transform_8(%arg0: i32) -> (i32, i32) {
    %c0_i32 = arith.constant 0 : i32
    %c0_i32_0 = arith.constant 0 : i32
    %c0_i32_1 = arith.constant 0 : i32
    return %c0_i32, %c0_i32_0 : i32, i32
  }
  func.func @transform_9(%arg0: i32) -> (i32, i32) {
    %c0_i32 = arith.constant 0 : i32
    %c0_i32_0 = arith.constant 0 : i32
    return %arg0, %c0_i32 : i32, i32
  }
}

module attributes {stable_mosaic.version = 14 : i64} {
  func.func @body(%arg0: i32, %arg1: memref<2000x128xf32, #tpu.memory_space<vmem>>, %arg2: memref<1x2000x128xf32, #tpu.memory_space<vmem>>, %arg3: memref<1x2000x128xf32, #tpu.memory_space<vmem>>, %arg4: memref<128x128xf32, #tpu.memory_space<vmem>>, %arg5: memref<1x128xf32, #tpu.memory_space<vmem>>, %arg6: memref<128x128xf32, #tpu.memory_space<vmem>>, %arg7: memref<1x128xf32, #tpu.memory_space<vmem>>, %arg8: memref<128x128xf32, #tpu.memory_space<vmem>>, %arg9: memref<1x128xf32, #tpu.memory_space<vmem>>, %arg10: memref<128x128xf32, #tpu.memory_space<vmem>>, %arg11: memref<1x128xf32, #tpu.memory_space<vmem>>, %arg12: memref<128x128xf32, #tpu.memory_space<vmem>>, %arg13: memref<1x128xf32, #tpu.memory_space<vmem>>, %arg14: memref<128x128xf32, #tpu.memory_space<vmem>>, %arg15: memref<1x128xf32, #tpu.memory_space<vmem>>, %arg16: memref<2000x128xf32, #tpu.memory_space<vmem>>) attributes {dimension_semantics = [#tpu.dimension_semantics<arbitrary>], iteration_bounds = array<i64: 5>, scalar_prefetch = 0 : i64, scratch_operands = 0 : i64, tpu.core_type = #tpu.core_type<tc>, window_params = [{transform_indices = @transform_0, window_bounds = array<i64: 2000, 128>}, {transform_indices = @transform_1, window_bounds = array<i64: 1, 2000, 128>}, {transform_indices = @transform_2, window_bounds = array<i64: 1, 2000, 128>}, {pipeline_mode = #tpu.pipeline_mode<synchronous>, transform_indices = @transform_3, window_bounds = array<i64: 128, 128>}, {pipeline_mode = #tpu.pipeline_mode<synchronous>, transform_indices = @transform_4, window_bounds = array<i64: 1, 128>}, {pipeline_mode = #tpu.pipeline_mode<synchronous>, transform_indices = @transform_5, window_bounds = array<i64: 128, 128>}, {pipeline_mode = #tpu.pipeline_mode<synchronous>, transform_indices = @transform_6, window_bounds = array<i64: 1, 128>}, {pipeline_mode = #tpu.pipeline_mode<synchronous>, transform_indices = @transform_7, window_bounds = array<i64: 128, 128>}, {pipeline_mode = #tpu.pipeline_mode<synchronous>, transform_indices = @transform_8, window_bounds = array<i64: 1, 128>}, {pipeline_mode = #tpu.pipeline_mode<synchronous>, transform_indices = @transform_9, window_bounds = array<i64: 128, 128>}, {pipeline_mode = #tpu.pipeline_mode<synchronous>, transform_indices = @transform_10, window_bounds = array<i64: 1, 128>}, {pipeline_mode = #tpu.pipeline_mode<synchronous>, transform_indices = @transform_11, window_bounds = array<i64: 128, 128>}, {pipeline_mode = #tpu.pipeline_mode<synchronous>, transform_indices = @transform_12, window_bounds = array<i64: 1, 128>}, {pipeline_mode = #tpu.pipeline_mode<synchronous>, transform_indices = @transform_13, window_bounds = array<i64: 128, 128>}, {pipeline_mode = #tpu.pipeline_mode<synchronous>, transform_indices = @transform_14, window_bounds = array<i64: 1, 128>}, {transform_indices = @transform_15, window_bounds = array<i64: 2000, 128>}]} {
    %get3A = arith.constant 0 : index
    %get3A_0 = arith.constant 0 : index
    %get3A_1 = vector.load %arg1[%get3A, %get3A_0] : memref<2000x128xf32, #tpu.memory_space<vmem>>, vector<2000x128xf32>
    %get3A_2 = arith.constant 0 : index
    %get3A_3 = arith.constant 0 : index
    %get3A_4 = arith.constant 0 : index
    %get3A_5 = vector.load %arg2[%get3A_2, %get3A_3, %get3A_4] : memref<1x2000x128xf32, #tpu.memory_space<vmem>>, vector<1x2000x128xf32>
    %get3A_6 = vector.shape_cast %get3A_5 : vector<1x2000x128xf32> to vector<2000x128xf32>
    %add3A = arith.addf %get3A_1, %get3A_6 : vector<2000x128xf32>
    %get3A_7 = arith.constant 0 : index
    %get3A_8 = arith.constant 0 : index
    %get3A_9 = arith.constant 0 : index
    %get3A_10 = vector.load %arg3[%get3A_7, %get3A_8, %get3A_9] : memref<1x2000x128xf32, #tpu.memory_space<vmem>>, vector<1x2000x128xf32>
    %get3A_11 = vector.shape_cast %get3A_10 : vector<1x2000x128xf32> to vector<2000x128xf32>
    %add3A_12 = arith.addf %add3A, %get3A_11 : vector<2000x128xf32>
    %get3A_13 = arith.constant 0 : index
    %get3A_14 = arith.constant 0 : index
    %get3A_15 = vector.load %arg4[%get3A_13, %get3A_14] : memref<128x128xf32, #tpu.memory_space<vmem>>, vector<128x128xf32>
    %get3A_16 = arith.constant 0 : index
    %get3A_17 = arith.constant 0 : index
    %get3A_18 = vector.load %arg5[%get3A_16, %get3A_17] : memref<1x128xf32, #tpu.memory_space<vmem>>, vector<1x128xf32>
    %dot_general3A = arith.constant dense<0.000000e+00> : vector<2000x128xf32>
    %dot_general3A_19 = tpu.matmul %add3A_12, %get3A_15, %dot_general3A {dimension_numbers = #tpu.dot_dimension_numbers<[1], [0], [0], [1], [0, 0, 1, 1], [], []>, transpose_lhs_hint = false} : vector<2000x128xf32>, vector<128x128xf32>, vector<2000x128xf32> -> vector<2000x128xf32>
    %add3A_20 = vector.broadcast %get3A_18 : vector<1x128xf32> to vector<2000x128xf32>
    %add3A_21 = arith.addf %dot_general3A_19, %add3A_20 : vector<2000x128xf32>
    %max3A = arith.constant 0.000000e+00 : f32
    %max3A_22 = vector.broadcast %max3A : f32 to vector<2000x128xf32>
    %max3A_23 = arith.maximumf %add3A_21, %max3A_22 : vector<2000x128xf32>
    %get3A_24 = arith.constant 0 : index
    %get3A_25 = arith.constant 0 : index
    %get3A_26 = vector.load %arg6[%get3A_24, %get3A_25] : memref<128x128xf32, #tpu.memory_space<vmem>>, vector<128x128xf32>
    %get3A_27 = arith.constant 0 : index
    %get3A_28 = arith.constant 0 : index
    %get3A_29 = vector.load %arg7[%get3A_27, %get3A_28] : memref<1x128xf32, #tpu.memory_space<vmem>>, vector<1x128xf32>
    %dot_general3A_30 = arith.constant dense<0.000000e+00> : vector<2000x128xf32>
    %dot_general3A_31 = tpu.matmul %max3A_23, %get3A_26, %dot_general3A_30 {dimension_numbers = #tpu.dot_dimension_numbers<[1], [0], [0], [1], [0, 0, 1, 1], [], []>, transpose_lhs_hint = false} : vector<2000x128xf32>, vector<128x128xf32>, vector<2000x128xf32> -> vector<2000x128xf32>
    %add3A_32 = vector.broadcast %get3A_29 : vector<1x128xf32> to vector<2000x128xf32>
    %add3A_33 = arith.addf %dot_general3A_31, %add3A_32 : vector<2000x128xf32>
    %max3A_34 = arith.constant 0.000000e+00 : f32
    %max3A_35 = vector.broadcast %max3A_34 : f32 to vector<2000x128xf32>
    %max3A_36 = arith.maximumf %add3A_33, %max3A_35 : vector<2000x128xf32>
    %get3A_37 = arith.constant 0 : index
    %get3A_38 = arith.constant 0 : index
    %get3A_39 = vector.load %arg8[%get3A_37, %get3A_38] : memref<128x128xf32, #tpu.memory_space<vmem>>, vector<128x128xf32>
    %get3A_40 = arith.constant 0 : index
    %get3A_41 = arith.constant 0 : index
    %get3A_42 = vector.load %arg9[%get3A_40, %get3A_41] : memref<1x128xf32, #tpu.memory_space<vmem>>, vector<1x128xf32>
    %dot_general3A_43 = arith.constant dense<0.000000e+00> : vector<2000x128xf32>
    %dot_general3A_44 = tpu.matmul %max3A_36, %get3A_39, %dot_general3A_43 {dimension_numbers = #tpu.dot_dimension_numbers<[1], [0], [0], [1], [0, 0, 1, 1], [], []>, transpose_lhs_hint = false} : vector<2000x128xf32>, vector<128x128xf32>, vector<2000x128xf32> -> vector<2000x128xf32>
    %add3A_45 = vector.broadcast %get3A_42 : vector<1x128xf32> to vector<2000x128xf32>
    %add3A_46 = arith.addf %dot_general3A_44, %add3A_45 : vector<2000x128xf32>
    %get3A_47 = arith.constant 0 : index
    %get3A_48 = arith.constant 0 : index
    %get3A_49 = vector.load %arg10[%get3A_47, %get3A_48] : memref<128x128xf32, #tpu.memory_space<vmem>>, vector<128x128xf32>
    %get3A_50 = arith.constant 0 : index
    %get3A_51 = arith.constant 0 : index
    %get3A_52 = vector.load %arg11[%get3A_50, %get3A_51] : memref<1x128xf32, #tpu.memory_space<vmem>>, vector<1x128xf32>
    %dot_general3A_53 = arith.constant dense<0.000000e+00> : vector<2000x128xf32>
    %dot_general3A_54 = tpu.matmul %add3A_46, %get3A_49, %dot_general3A_53 {dimension_numbers = #tpu.dot_dimension_numbers<[1], [0], [0], [1], [0, 0, 1, 1], [], []>, transpose_lhs_hint = false} : vector<2000x128xf32>, vector<128x128xf32>, vector<2000x128xf32> -> vector<2000x128xf32>
    %add3A_55 = vector.broadcast %get3A_52 : vector<1x128xf32> to vector<2000x128xf32>
    %add3A_56 = arith.addf %dot_general3A_54, %add3A_55 : vector<2000x128xf32>
    %max3A_57 = arith.constant 0.000000e+00 : f32
    %max3A_58 = vector.broadcast %max3A_57 : f32 to vector<2000x128xf32>
    %max3A_59 = arith.maximumf %add3A_56, %max3A_58 : vector<2000x128xf32>
    %get3A_60 = arith.constant 0 : index
    %get3A_61 = arith.constant 0 : index
    %get3A_62 = vector.load %arg12[%get3A_60, %get3A_61] : memref<128x128xf32, #tpu.memory_space<vmem>>, vector<128x128xf32>
    %get3A_63 = arith.constant 0 : index
    %get3A_64 = arith.constant 0 : index
    %get3A_65 = vector.load %arg13[%get3A_63, %get3A_64] : memref<1x128xf32, #tpu.memory_space<vmem>>, vector<1x128xf32>
    %dot_general3A_66 = arith.constant dense<0.000000e+00> : vector<2000x128xf32>
    %dot_general3A_67 = tpu.matmul %max3A_59, %get3A_62, %dot_general3A_66 {dimension_numbers = #tpu.dot_dimension_numbers<[1], [0], [0], [1], [0, 0, 1, 1], [], []>, transpose_lhs_hint = false} : vector<2000x128xf32>, vector<128x128xf32>, vector<2000x128xf32> -> vector<2000x128xf32>
    %add3A_68 = vector.broadcast %get3A_65 : vector<1x128xf32> to vector<2000x128xf32>
    %add3A_69 = arith.addf %dot_general3A_67, %add3A_68 : vector<2000x128xf32>
    %max3A_70 = arith.constant 0.000000e+00 : f32
    %max3A_71 = vector.broadcast %max3A_70 : f32 to vector<2000x128xf32>
    %max3A_72 = arith.maximumf %add3A_69, %max3A_71 : vector<2000x128xf32>
    %get3A_73 = arith.constant 0 : index
    %get3A_74 = arith.constant 0 : index
    %get3A_75 = vector.load %arg14[%get3A_73, %get3A_74] : memref<128x128xf32, #tpu.memory_space<vmem>>, vector<128x128xf32>
    %get3A_76 = arith.constant 0 : index
    %get3A_77 = arith.constant 0 : index
    %get3A_78 = vector.load %arg15[%get3A_76, %get3A_77] : memref<1x128xf32, #tpu.memory_space<vmem>>, vector<1x128xf32>
    %dot_general3A_79 = arith.constant dense<0.000000e+00> : vector<2000x128xf32>
    %dot_general3A_80 = tpu.matmul %max3A_72, %get3A_75, %dot_general3A_79 {dimension_numbers = #tpu.dot_dimension_numbers<[1], [0], [0], [1], [0, 0, 1, 1], [], []>, transpose_lhs_hint = false} : vector<2000x128xf32>, vector<128x128xf32>, vector<2000x128xf32> -> vector<2000x128xf32>
    %add3A_81 = vector.broadcast %get3A_78 : vector<1x128xf32> to vector<2000x128xf32>
    %add3A_82 = arith.addf %dot_general3A_80, %add3A_81 : vector<2000x128xf32>
    %swap3A = arith.constant 0 : index
    %swap3A_83 = arith.constant 0 : index
    %swap3A_84 = vector.load %arg16[%swap3A, %swap3A_83] : memref<2000x128xf32, #tpu.memory_space<vmem>>, vector<2000x128xf32>
    tpu.vector_store %arg16[%swap3A, %swap3A_83], %add3A_82 {strides = array<i32>} : memref<2000x128xf32, #tpu.memory_space<vmem>>, vector<2000x128xf32>,
    return
  }
  func.func @transform_0(%arg0: i32) -> (i32, i32) {
    %c0_i32 = arith.constant 0 : i32
    %c0_i32_0 = arith.constant 0 : i32
    return %arg0, %c0_i32 : i32, i32
  }
  func.func @transform_1(%arg0: i32) -> (i32, i32, i32) {
    %c0_i32 = arith.constant 0 : i32
    %c0_i32_0 = arith.constant 0 : i32
    %c0_i32_1 = arith.constant 0 : i32
    return %c0_i32, %arg0, %c0_i32_0 : i32, i32, i32
  }
  func.func @transform_2(%arg0: i32) -> (i32, i32, i32) {
    %c1_i32 = arith.constant 1 : i32
    %c0_i32 = arith.constant 0 : i32
    %c0_i32_0 = arith.constant 0 : i32
    return %c1_i32, %arg0, %c0_i32 : i32, i32, i32
  }
  func.func @transform_3(%arg0: i32) -> (i32, i32) {
    %c0_i32 = arith.constant 0 : i32
    %c0_i32_0 = arith.constant 0 : i32
    %c0_i32_1 = arith.constant 0 : i32
    return %c0_i32, %c0_i32_0 : i32, i32
  }
  func.func @transform_4(%arg0: i32) -> (i32, i32) {
    %c0_i32 = arith.constant 0 : i32
    %c0_i32_0 = arith.constant 0 : i32
    %c0_i32_1 = arith.constant 0 : i32
    return %c0_i32, %c0_i32_0 : i32, i32
  }
  func.func @transform_5(%arg0: i32) -> (i32, i32) {
    %c0_i32 = arith.constant 0 : i32
    %c0_i32_0 = arith.constant 0 : i32
    %c0_i32_1 = arith.constant 0 : i32
    return %c0_i32, %c0_i32_0 : i32, i32
  }
  func.func @transform_6(%arg0: i32) -> (i32, i32) {
    %c0_i32 = arith.constant 0 : i32
    %c0_i32_0 = arith.constant 0 : i32
    %c0_i32_1 = arith.constant 0 : i32
    return %c0_i32, %c0_i32_0 : i32, i32
  }
  func.func @transform_7(%arg0: i32) -> (i32, i32) {
    %c0_i32 = arith.constant 0 : i32
    %c0_i32_0 = arith.constant 0 : i32
    %c0_i32_1 = arith.constant 0 : i32
    return %c0_i32, %c0_i32_0 : i32, i32
  }
  func.func @transform_8(%arg0: i32) -> (i32, i32) {
    %c0_i32 = arith.constant 0 : i32
    %c0_i32_0 = arith.constant 0 : i32
    %c0_i32_1 = arith.constant 0 : i32
    return %c0_i32, %c0_i32_0 : i32, i32
  }
  func.func @transform_9(%arg0: i32) -> (i32, i32) {
    %c0_i32 = arith.constant 0 : i32
    %c0_i32_0 = arith.constant 0 : i32
    %c0_i32_1 = arith.constant 0 : i32
    return %c0_i32, %c0_i32_0 : i32, i32
  }
  func.func @transform_10(%arg0: i32) -> (i32, i32) {
    %c0_i32 = arith.constant 0 : i32
    %c0_i32_0 = arith.constant 0 : i32
    %c0_i32_1 = arith.constant 0 : i32
    return %c0_i32, %c0_i32_0 : i32, i32
  }
  func.func @transform_11(%arg0: i32) -> (i32, i32) {
    %c0_i32 = arith.constant 0 : i32
    %c0_i32_0 = arith.constant 0 : i32
    %c0_i32_1 = arith.constant 0 : i32
    return %c0_i32, %c0_i32_0 : i32, i32
  }
  func.func @transform_12(%arg0: i32) -> (i32, i32) {
    %c0_i32 = arith.constant 0 : i32
    %c0_i32_0 = arith.constant 0 : i32
    %c0_i32_1 = arith.constant 0 : i32
    return %c0_i32, %c0_i32_0 : i32, i32
  }
  func.func @transform_13(%arg0: i32) -> (i32, i32) {
    %c0_i32 = arith.constant 0 : i32
    %c0_i32_0 = arith.constant 0 : i32
    %c0_i32_1 = arith.constant 0 : i32
    return %c0_i32, %c0_i32_0 : i32, i32
  }
  func.func @transform_14(%arg0: i32) -> (i32, i32) {
    %c0_i32 = arith.constant 0 : i32
    %c0_i32_0 = arith.constant 0 : i32
    %c0_i32_1 = arith.constant 0 : i32
    return %c0_i32, %c0_i32_0 : i32, i32
  }
  func.func @transform_15(%arg0: i32) -> (i32, i32) {
    %c0_i32 = arith.constant 0 : i32
    %c0_i32_0 = arith.constant 0 : i32
    return %arg0, %c0_i32 : i32, i32
  }
}

</mosaic_0001>

<sc_bundles>
// kernel: kernel.11.cloned.1.call-start
scs
__scs_entry_jumppad:
0x0: {  	(pc) =	sbr.rel $0x88, $3  }
0x1: {  	(tag) =	ssettag $0x0;
	lr =	simm.s32 $0x1  }
0x2: {  	[smem:$0x3F80] =	sst lr;
	_ =	strace $0xD0000000  }
0x3: {  	_ = 	snop  }
0x4: {  	_ = 	snop  }
0x5: {  	_ = 	snop  }
0x6: {  	_ = 	snop  }
0x7: {  	_ = 	snop  }
__scs_overlays_trampoline_lowered:
0x8: {  	[smem:$0x3F8F] =	sst s0  }
0x9: {  	[smem:$0x3F90] =	sst s1  }
0xa: {  	[smem:$0x3F91] =	sst s2  }
0xb: {  	[smem:$0x3F92] =	sst s3  }
0xc: {  	[smem:$0x3F93] =	sst s4  }
0xd: {  	[smem:$0x3F94] =	sst s5  }
0xe: {  	[smem:$0x3F95] =	sst s6  }
0xf: {  	[smem:$0x3F96] =	sst s7  }
0x10: {  	[smem:$0x3F97] =	sst s8  }
0x11: {  	[smem:$0x3F98] =	sst s9;
	s0 =	simm.s32 @!p0 $0x0  }
0x12: {  	s1 =	sld [smem:$0x3F7E];
	s0 =	simm.s32 @p0 $0x1  }
0x13: {  	[smem:$0x3F99] =	sst s0;
	s0 =	simm.s32 @!p1 $0x0  }
0x14: {  	s2 =	sld [smem:$0x3F7D];
	s0 =	simm.s32 @p1 $0x1  }
0x15: {  	[smem:$0x3F9A] =	sst s0;
	s0 =	simm.s32 @!p2 $0x0  }
0x16: {  	s3 =	sld [smem:$0x3FDB];
	s0 =	simm.s32 @p2 $0x1  }
0x17: {  	s4 =	simm.s32 $0x1BF5;
	[smem:$0x3F9C] =	sst s0  }
0x18: {  	s0 =	sld [smem:$0x3F7F];
	_ =	swait.ge [sflag:s4], $0x0  }
0x19: {  	s7 =	sld [smem:$0x3F80]  }
0x1a: {  	s8 =	sadd.s32 $0xFFFFE003, lr  }
0x1b: {  	s9 =	sadd.s32 $0xFFFFFEF7, lr;
	s5 =	simm.s32 $0xFFFFFFFF;
	p2 =	slt.u32 s8, $0xFFFFF086  }
0x1c: {  	p1 =	slt.u32 s9, $0xF7A;
	s5 =	simm.s32 @!p2 $0x0  }
0x1d: {  	s5 =	simm.s32 @p1 $0x1;
	p0 =	seq.s32 s7, s2  }
0x1e: {  	s7 =	smul.u32 @!p0 $0xF7A, s2;
	p2 =	seq.s32 @!p0 s5, $0x0  }
0x1f: {  	s9 =	smul.u32 $0xF7A, s1;
	s8 =	simm.s32 @!p0 $0x1BF5;
	p2 =	por !p2, p0  }
0x20: {  	[sflag:s8] =	ssyncset.s32 @!p0 $0xFFFFF086;
	s6 =	sadd.s32 @!p0 s3, s7;
	s7 =	simm.s32 @!p0 $0x108  }
0x21: {  	s3 =	sadd.s32 s3, s9;
	s6 =	sadd.s32 @!p0 $0x88, s6;
	s7 =	simm.s32 @p2 $0x1082  }
0x22: {  	[simem:s7], [sflag:s8] =	dma.local @!p0 [hbm:s6], $0xF7A  }
0x23: {  	s9 =	sor.u32 $0xD0000000, s2;
	s6 =	simm.s32 $0x108;
	_ =	swait.ge @!p0 [sflag:s8], $0x0  }
0x24: {  	s3 =	sadd.s32 $0x88, s3;
	s6 =	simm.s32 @!p1 $0x1082;
	[sflag:s4] =	ssyncset.s32 $0xFFFFF086  }
0x25: {  	[simem:s6], [sflag:s4] =	dma.local [hbm:s3], $0xF7A  }
0x26: {  	[smem:$0x3F80] =	sst s1;
	(tag) =	ssettag s2;
	_ =	strace s9  }
0x27: {  	s1 =	sld [smem:$0x3F90]  }
0x28: {  	s2 =	sld [smem:$0x3F91]  }
0x29: {  	s4 =	sld [smem:$0x3F93]  }
0x2a: {  	p0 =	seq.s32 s5, $0x0;
	s5 =	sld [smem:$0x3F94]  }
0x2b: {  	s6 =	sld [smem:$0x3F95]  }
0x2c: {  	s7 =	sld [smem:$0x3F96]  }
0x2d: {  	s3 =	simm.s32 $0x108;
	s8 =	sld [smem:$0x3F97]  }
0x2e: {  	s3 =	simm.s32 @!p0 $0x1082;
	s9 =	sld [smem:$0x3F98]  }
0x2f: {  	lr =	sadd.s32 s0, s3;
	s0 =	sld [smem:$0x3F8F]  }
0x30: {  	s3 =	sld [smem:$0x3F92]  }
0x31: {  	[smem:$0x3F9B] =	sst s10  }
0x32: {  	s10 =	sld [smem:$0x3F99];
	_ =	sdelay $0x3  }
0x33: {  	p0 =	seq.s32 s10, $0x1;
	s10 =	sld [smem:$0x3F9B];
	_ =	sdelay $0x3  }
0x34: {  	[smem:$0x3F9B] =	sst s10  }
0x35: {  	s10 =	sld [smem:$0x3F9A];
	_ =	sdelay $0x3  }
0x36: {  	p1 =	seq.s32 s10, $0x1;
	s10 =	sld [smem:$0x3F9B];
	_ =	sdelay $0x3  }
0x37: {  	[smem:$0x3F9B] =	sst s10  }
0x38: {  	s10 =	sld [smem:$0x3F9C]  }
0x39: {  	_ = 	snop;
	(pc) =	sbr.ind lr, $3  }
0x3a: {  	_ = 	snop  }
0x3b: {  	_ = 	snop  }
0x3c: {  	p2 =	seq.s32 s10, $0x1;
	s10 =	sld [smem:$0x3F9B]  }
0x3d: {  	_ =	shalt  }
0x3e: {  	_ =	shalt  }
0x3f: {  	_ =	shalt  }
0x40: {  	_ =	shalt  }
0x41: {  	_ =	shalt  }
0x42: {  	_ =	shalt  }
0x43: {  	_ =	shalt  }
0x44: {  	_ =	shalt  }
0x45: {  	_ =	shalt  }
0x46: {  	_ =	shalt  }
0x47: {  	_ =	shalt  }
0x48: {  	_ =	shalt  }
0x49: {  	_ =	shalt  }
0x4a: {  	_ =	shalt  }
0x4b: {  	_ =	shalt  }
0x4c: {  	_ =	shalt  }
0x4d: {  	_ =	shalt  }
0x4e: {  	_ =	shalt  }
0x4f: {  	_ =	shalt  }
0x50: {  	_ =	shalt  }
0x51: {  	_ =	shalt  }
0x52: {  	_ =	shalt  }
0x53: {  	_ =	shalt  }
0x54: {  	_ =	shalt  }
0x55: {  	_ =	shalt  }
0x56: {  	_ =	shalt  }
0x57: {  	_ =	shalt  }
0x58: {  	_ =	shalt  }
0x59: {  	_ =	shalt  }
0x5a: {  	_ =	shalt  }
0x5b: {  	_ =	shalt  }
0x5c: {  	_ =	shalt  }
0x5d: {  	_ =	shalt  }
0x5e: {  	_ =	shalt  }
0x5f: {  	_ =	shalt  }
0x60: {  	_ =	shalt  }
0x61: {  	_ =	shalt  }
0x62: {  	_ =	shalt  }
0x63: {  	_ =	shalt  }
0x64: {  	_ =	shalt  }
0x65: {  	_ =	shalt  }
0x66: {  	_ =	shalt  }
0x67: {  	_ =	shalt  }
0x68: {  	_ =	shalt  }
0x69: {  	_ =	shalt  }
0x6a: {  	_ =	shalt  }
0x6b: {  	_ =	shalt  }
0x6c: {  	_ =	shalt  }
0x6d: {  	_ =	shalt  }
0x6e: {  	_ =	shalt  }
0x6f: {  	_ =	shalt  }
0x70: {  	_ =	shalt  }
0x71: {  	_ =	shalt  }
0x72: {  	_ =	shalt  }
0x73: {  	_ =	shalt  }
0x74: {  	_ =	shalt  }
0x75: {  	_ =	shalt  }
0x76: {  	_ =	shalt  }
0x77: {  	_ =	shalt  }
0x78: {  	_ =	shalt  }
0x79: {  	_ =	shalt  }
0x7a: {  	_ =	shalt  }
0x7b: {  	_ =	shalt  }
0x7c: {  	_ =	shalt  }
0x7d: {  	_ =	shalt  }
0x7e: {  	_ =	shalt  }
0x7f: {  	_ =	shalt  }
0x80: {  	_ =	shalt  }
0x81: {  	_ =	shalt  }
0x82: {  	_ =	shalt  }
0x83: {  	_ =	shalt  }
0x84: {  	_ =	shalt  }
0x85: {  	_ =	shalt  }
0x86: {  	_ =	shalt  }
0x87: {  	_ =	shalt  }
.Lfunc_end0:
.L_simem_size_0:
called_computation.1_lowered:
.L_overlay_start_0:
0x88: {  	s2 =	sld [smem:$0x3FD9]  }
0x89: {  	s3 =	sld [smem:$0x3FFE];
	_ =	sdelay $0x1  }
0x8a: {  	s1 =	srdreg.scid  }
0x8b: {  	s0 =	sand.u32 $0x1, s1  }
0x8c: {  	s17 =	sshll.u32 s0, $0xA;
	s2 =	sadd.s32 s3, s2  }
0x8d: {  	s2 =	sadd.s32 s2, s17  }
0x8e: {  	[smem:$0x3FA7] =	sst s2  }
0x8f: {  	_ = 	snop  }
0x90: {  	s2 =	sld [smem:$0x3FD0];
	(tm) =	ssettm $0x1  }
0x91: {  	s18 =	sld [smem:$0x3FFB];
	_ =	sdelay $0x3  }
0x92: {  	_ =	strace s18  }
0x93: {  	s3 =	sld [smem:$0x3FFC];
	_ =	sdelay $0x3  }
0x94: {  	_ =	strace s3  }
0x95: {  	s3 =	sld [smem:$0x3FFD];
	_ =	sdelay $0x3  }
0x96: {  	_ =	strace s3  }
0x97: {  	_ =	strace $0x8FFFFFFF  }
0x98: {  	s19 =	sld [smem:$0x3FDB];
	_ =	sdelay $0x1  }
0x99: {  	s4 =	simm.s32 $_scs_section_size  }
0x9a: {  	s5 =	simm.s32 $_size__tile_overlayer_lowered;
	s6 =	simm.s32 $_tile_overlayer_lowered  }
0x9b: {  	s22 =	simm.s32 $0x1BFF;
	s21 =	sshll.u32 s6, $0x1;
	s3 =	sadd.s32 s4, s19  }
0x9c: {  	s7 =	simm.s32 $0x0;
	s20 =	sshll.u32 s5, $0x1;
	s5 =	sadd.s32 s21, s3  }
0x9d: {  	[timem:s7], [sflag:s22] =	dma.local [hbm:s5], s20  }
0x9e: {  	_ =	swait.ge [sflag:s22], s20  }
0x9f: {  	s4 =	ssub.s32 $0x0, s20;
	[sflag:s22] =	ssyncset.done $0x0  }
0xa0: {  	[sflag:s22] =	ssyncadd.s32 s4;
	_ =	sdelay $0x1  }
0xa1: {  	s23 =	simm.s32 $0x1B8B  }
0xa2: {  	_ =	swait.ge [sflag:s23], $0x1  }
0xa3: {  	[sflag:s23] =	ssyncset.done $0x0  }
0xa4: {  	s25 =	simm.s32 $0x1B8E;
	s24 =	sld [smem:$0x3FFE];
	[sflag:s23] =	ssyncadd.s32 $0xFFFFFFFF  }
0xa5: {  	s26 =	simm.s32 $execute0_lowered;
	[smem:$0x3FD2] =	sst s25  }
0xa6: {  	s5 =	sshll.u32 s26, $0x1;
	_ =	strace $0x80000049;
	[dreg:$0x1] =	wrdreg $0xFFFFFFFF  }
0xa7: {  	s28 =	simm.s32 $_size_execute0_lowered;
	s3 =	sadd.s32 s3, s5;
	[dreg:$0x0] =	wrdreg $0x0  }
0xa8: {  	s5 =	sshll.u32 s28, $0x1;
	[dreg:$0x2] =	wrdreg s3  }
0xa9: {  	[dreg:$0x3] =	wrdreg s5  }
0xaa: {  	[dreg:$0x4] =	wrdreg $0xC0  }
0xab: {  	_ =	task [dreg:s7], $0x5FFFF  }
0xac: {  	[dreg:$0x1] =	wrdreg $0xFFFFFFFF  }
0xad: {  	[dreg:$0x0] =	wrdreg $0x60  }
0xae: {  	[dreg:$0x2] =	wrdreg s2  }
0xaf: {  	[dreg:$0x3] =	wrdreg s24  }
0xb0: {  	[dreg:$0x4] =	wrdreg $0xC0000  }
0xb1: {  	[dreg:$0x5] =	wrdreg $0x9  }
0xb2: {  	_ =	task.clear_ibuf [dreg:s7], $0x6FFFF;
	_ =	strace $0x90000049  }
0xb3: {  	s29 =	simm.s32 $0x9;
	_ =	strace $0x8000004B  }
0xb4: {  	_ =	swait.ge [sflag:s29], $0x1  }
0xb5: {  	[sflag:s29] =	ssyncadd.s32 $0xFFFFFFFF  }
0xb6: {  	_ =	strace $0x9000004B  }
0xb7: {  	_ =	sfence  }
0xb8: {  	s30 =	sld [smem:$0x0];
	_ =	sdelay $0x2  }
0xb9: {  	s31 =	sshll.u32 s1, $0xD;
	s1 =	sshrl.u32 s1, $0x2  }
0xba: {  	s3 =	sand.u32 $0x4000, s31;
	s1 =	sadd.s32 s1, s30  }
0xbb: {  	s0 =	sor.u32 s3, s0;
	s1 =	sshll.u32 s1, $0x11  }
0xbc: {  	s0 =	sor.u32 s1, s0  }
0xbd: {  	s0 =	sadd.s32 $0x8F2B, s0  }
0xbe: {  	[sflag:s0] =	ssyncadd.remote.s32 $0x1  }
0xbf: {  	_ =	sfence.sel $0xFFFF  }
0xc0: {  	[dreg:$0x0] =	wrdreg $0xFFFFFFFF;
	(pc) =	sbr.abs _section_cstart, $3  }
0xc1: {  	[dreg:$0x1] =	wrdreg $0xFFFFFFFF  }
0xc2: {  	_ =	task.clear_ibuf [dreg:s7], $0x2FFFF;
	_ =	strace $0x9FFFFFFF  }
0xc3: {  	(tm) =	ssettm $0x7FFFFFFF  }
tec
execute0_lowered:
.L_overlay_start_1:
0x0: {  	(tag) =	ssettag $0x1  }
0x1: {  	s1 =	rddreg [dreg:$0x0]  }
0x2: {  	s0 =	rddreg [dreg:$0x1]  }
0x3: {  	s2 =	rddreg [dreg:$0x2];
	s4 =	simm.s32 $0x0;
	s3 =	srdreg.scid  }
0x4: {  	s17 =	stileid.u32;
	s29 =	simm.s32 $0x2000;
	s30 =	simm.s32 $0x1  }
0x5: {  	s31 =	simm.s32 $0x2;
	[smem:$0x7FF] =	sst s4;
	s7 =	smul.u32 $0x13C00, s17  }
0x6: {  	s5 =	sadd.s32 $0x50F200, s0;
	s3 =	sand.u32 $0x1, s3;
	s13 =	smul.u32 $0x5000, s17  }
0x7: {  	s8 =	sadd.s32 $0x5200, s0;
	_ =	strace $0x8000004A;
	s9 =	smul.u32 $0x13C000, s3  }
0x8: {  	s6 =	ssub.s32 $0x2, s3;
	s12 =	smul.u32 $0x50000, s3;
	s3 =	sshll.u32 s3, $0x4  }
0x9: {  	s10 =	sshrl.u32 s6, $0x1;
	s11 =	sadd.s32 $0x11800, s7;
	s3 =	sor.u32 s17, s3  }
0xa: {  	s15 =	sadd.s32 $0x7800, s7;
	s18 =	sadd.s32 $0xA000, s7;
	s19 =	sadd.s32 $0xC800, s7  }
0xb: {  	s20 =	sadd.s32 $0xF000, s7;
	s14 =	sadd.s32 s9, s11;
	s10 =	ssub.s32 s6, s10  }
0xc: {  	s6 =	sadd.s32 s13, s12;
	s12 =	sadd.s32 $0x2800, s7;
	s13 =	sadd.s32 $0x5000, s7  }
0xd: {  	s7 =	sadd.s32 s9, s7;
	s21 =	sadd.s32 s9, s19;
	s14 =	sshrl.u32 s14, $0x3  }
0xe: {  	s7 =	sshrl.u32 s7, $0x3;
	s23 =	sadd.s32 s9, s12;
	s16 =	sadd.s32 s9, s13  }
0xf: {  	s10 =	smax.u32 s10, $0x1;
	s22 =	sadd.s32 s8, s14;
	s7 =	sadd.s32 s8, s7  }
0x10: {  	s24 =	sshrl.u32 s23, $0x3;
	s25 =	sshrl.u32 s16, $0x3;
	s14 =	sadd.s32 s9, s15  }
0x11: {  	s16 =	sadd.s32 s9, s18;
	s23 =	sshrl.u32 s21, $0x3;
	[dreg:$0xd] =	wrdreg s10  }
0x12: {  	s21 =	sadd.s32 s11, s2;
	s15 =	sadd.s32 s15, s2;
	[dreg:$0x4] =	wrdreg s22  }
0x13: {  	s18 =	sadd.s32 s18, s2;
	s10 =	simm.s32 $0x7000;
	[dreg:$0x5] =	wrdreg s7  }
0x14: {  	s7 =	sadd.s32 s8, s24;
	s26 =	sadd.s32 s8, s25;
	[dreg:$0x11] =	wrdreg s15  }
0x15: {  	s22 =	sshrl.u32 s16, $0x3;
	s24 =	sadd.s32 s8, s23;
	[dreg:$0x12] =	wrdreg s18  }
0x16: {  	s25 =	sadd.s32 s9, s20;
	s16 =	sadd.s32 $0x4FB200, s0;
	[dreg:$0xc] =	wrdreg s21  }
0x17: {  	s23 =	sadd.s32 s12, s2;
	s9 =	simm.s32 $0x80;
	[dreg:$0x6] =	wrdreg s7  }
0x18: {  	s12 =	simm.s32 $0x3;
	s15 =	simm.s32 $0x0;
	[dreg:$0x7] =	wrdreg s26  }
0x19: {  	s7 =	sshrl.u32 s14, $0x3;
	[dreg:$0xa] =	wrdreg s24;
	s26 =	smul.u32 $0x4F000, s17  }
0x1a: {  	s14 =	sadd.s32 $0x4E7200, s0;
	s17 =	smul.u32 $0x2710, s3;
	s24 =	sadd.s32 s13, s2  }
0x1b: {  	s0 =	simm.s32 $0x5;
	s3 =	simm.s32 $0x1000;
	[dreg:$0xf] =	wrdreg s23  }
0x1c: {  	s13 =	simm.s32 $0x4;
	s7 =	sadd.s32 s8, s7;
	[dreg:$0x10] =	wrdreg s24  }
0x1d: {  	[dreg:$0x8] =	wrdreg s7;
	s7 =	sadd.s32 s8, s22;
	s11 =	sshrl.u32 s26, $0x2  }
.Ltmp0:
0x1e: {  	s26 =	sadd.s32 s20, s2;
	[dreg:$0x9] =	wrdreg s7;
	(pc) =	sbr.rel .LBB2_1-.Ltmp0, $4  }
0x1f: {  	s7 =	sshrl.u32 s25, $0x3;
	s25 =	sadd.s32 s19, s2;
	[dreg:$0x14] =	wrdreg s26  }
0x20: {  	s28 =	sadd.s32 $0x50, s17;
	s22 =	sadd.s32 s11, s2;
	[dreg:$0x13] =	wrdreg s25  }
0x21: {  	s11 =	simm.s32 $0x9800;
	s7 =	sadd.s32 s8, s7;
	[dreg:$0xe] =	wrdreg s22  }
0x22: {  	v0 =	vimm.f32 $0.0e+00;
	s8 =	simm.s32 $0x4800;
	[dreg:$0xb] =	wrdreg s7;
	s7 =	simm.s32 $0x50  }
.LBB2_14:
0x23: {  	s18 =	stileid.u32;
	[bflag:$0x0] =	sbarrier.arrive $0xFFFF  }
0x24: {  	s18 =	sshll.u32 s18, $0x6;
	s22 =	rddreg [dreg:$0xe]  }
0x25: {  	s21 =	rddreg [dreg:$0x5];
	s19 =	sor.u32 $0x1C01, s18;
	s20 =	sshrl.u32 s22, $0x3  }
0x26: {  	[hbm:s21], [sflag:s19] =	dma.local [spmem:s20], $0x500  }
0x27: {  	s23 =	rddreg [dreg:$0xf]  }
0x28: {  	s21 =	rddreg [dreg:$0x6];
	s25 =	sshrl.u32 s23, $0x3  }
0x29: {  	[hbm:s21], [sflag:s19] =	dma.local [spmem:s25], $0x500  }
0x2a: {  	s24 =	rddreg [dreg:$0x10]  }
0x2b: {  	s21 =	rddreg [dreg:$0x7];
	s26 =	sshrl.u32 s24, $0x3  }
0x2c: {  	[hbm:s21], [sflag:s19] =	dma.local [spmem:s26], $0x500  }
0x2d: {  	s20 =	rddreg [dreg:$0x11]  }
0x2e: {  	s21 =	rddreg [dreg:$0x8];
	s20 =	sshrl.u32 s20, $0x3  }
0x2f: {  	[hbm:s21], [sflag:s19] =	dma.local [spmem:s20], $0x500  }
0x30: {  	s20 =	rddreg [dreg:$0x12]  }
0x31: {  	s21 =	rddreg [dreg:$0x9];
	s20 =	sshrl.u32 s20, $0x3  }
0x32: {  	[hbm:s21], [sflag:s19] =	dma.local [spmem:s20], $0x500  }
0x33: {  	s20 =	rddreg [dreg:$0x13]  }
0x34: {  	s21 =	rddreg [dreg:$0xa];
	s20 =	sshrl.u32 s20, $0x3  }
0x35: {  	[hbm:s21], [sflag:s19] =	dma.local [spmem:s20], $0x500  }
0x36: {  	s20 =	rddreg [dreg:$0x14]  }
0x37: {  	s21 =	rddreg [dreg:$0xb];
	s20 =	sshrl.u32 s20, $0x3  }
0x38: {  	[hbm:s21], [sflag:s19] =	dma.local [spmem:s20], $0x500  }
0x39: {  	s21 =	rddreg [dreg:$0xc]  }
0x3a: {  	s18 =	sor.u32 $0x1C02, s18;
	s20 =	rddreg [dreg:$0x4];
	s25 =	sshrl.u32 s21, $0x3  }
0x3b: {  	[hbm:s20], [sflag:s18] =	dma.local [spmem:s25], $0x480  }
0x3c: {  	_ =	swait.ge [sflag:s30], $0x500  }
0x3d: {  	[sflag:s30] =	ssyncset.done $0x0  }
0x3e: {  	[sflag:s30] =	ssyncadd.s32 $0xFFFFFB00  }
0x3f: {  	_ =	swait.ge [sflag:s30], $0x500  }
0x40: {  	[sflag:s30] =	ssyncset.done $0x0  }
0x41: {  	[sflag:s30] =	ssyncadd.s32 $0xFFFFFB00  }
0x42: {  	_ =	swait.ge [sflag:s30], $0x500  }
0x43: {  	[sflag:s30] =	ssyncset.done $0x0  }
0x44: {  	[sflag:s30] =	ssyncadd.s32 $0xFFFFFB00  }
0x45: {  	_ =	swait.ge [sflag:s30], $0x500  }
0x46: {  	[sflag:s30] =	ssyncset.done $0x0  }
0x47: {  	[sflag:s30] =	ssyncadd.s32 $0xFFFFFB00  }
0x48: {  	_ =	swait.ge [sflag:s30], $0x500  }
0x49: {  	[sflag:s30] =	ssyncset.done $0x0  }
0x4a: {  	[sflag:s30] =	ssyncadd.s32 $0xFFFFFB00  }
0x4b: {  	_ =	swait.ge [sflag:s30], $0x500  }
0x4c: {  	[sflag:s30] =	ssyncset.done $0x0  }
0x4d: {  	[sflag:s30] =	ssyncadd.s32 $0xFFFFFB00  }
0x4e: {  	_ =	swait.ge [sflag:s30], $0x500  }
0x4f: {  	[sflag:s30] =	ssyncset.done $0x0  }
0x50: {  	[sflag:s30] =	ssyncadd.s32 $0xFFFFFB00  }
0x51: {  	_ =	swait.ge [sflag:s31], $0x480  }
0x52: {  	s15 =	sadd.s32 $0x1, s15;
	s26 =	rddreg [dreg:$0xd]  }
0x53: {  	p0 =	sne.s32 s15, s26  }
.Ltmp1:
0x54: {  	_ = 	snop;
	(pc) =	sbr.rel @!p0 .LBB2_15-.Ltmp1, $3  }
0x55: {  	_ =	sdelay $0x1  }
0x56: {  	[sflag:s31] =	ssyncset.done $0x0  }
0x57: {  	[sflag:s31] =	ssyncadd.s32 $0xFFFFFB80  }
.LBB2_1:
0x58: {  	s18 =	simm.s32 $0x0;
	s19 =	simm.s32 $0x200  }
.LBB2_2:
0x59: {  	p0 =	sne.s32 s19, $0x9E00;
	[tilespmem:s18+$0x2070] =	vst v0  }
0x5a: {  	[tilespmem:s18+$0x2000] =	vst v0  }
0x5b: {  	[tilespmem:s18+$0x2010] =	vst v0  }
.Ltmp2:
0x5c: {  	[tilespmem:s18+$0x2020] =	vst v0;
	(pc) =	sbr.rel @p0 .LBB2_2-.Ltmp2, $4  }
0x5d: {  	[tilespmem:s18+$0x2030] =	vst v0  }
0x5e: {  	[tilespmem:s18+$0x2040] =	vst v0  }
0x5f: {  	[tilespmem:s18+$0x2050] =	vst v0  }
0x60: {  	[tilespmem:s18+$0x2060] =	vst v0;
	s18 =	sshra.s32 s19, $0x2;
	s19 =	sadd.s32 $0x200, s19  }
0x61: {  	[tilespmem:s18+$0x2070] =	vst v0  }
0x62: {  	[tilespmem:s18+$0x2000] =	vst v0  }
0x63: {  	[tilespmem:s18+$0x2010] =	vst v0  }
0x64: {  	[tilespmem:s18+$0x2020] =	vst v0  }
0x65: {  	[tilespmem:s18+$0x2030] =	vst v0  }
0x66: {  	[tilespmem:s18+$0x2040] =	vst v0  }
0x67: {  	[tilespmem:s18+$0x2050] =	vst v0  }
0x68: {  	[tilespmem:s18+$0x2060] =	vst v0  }
0x69: {  	[spmem:s22] =	stream.linear.scatter [tilespmem:s29], [sflag:$0x1], $0x2800, $0x38;
	[tilespmem:$0x1FC00] =	vst v63  }
0x6a: {  	_ = 	snop  }
0x6b: {  	[spmem:s23] =	stream.linear.scatter [tilespmem:s29], [sflag:$0x1], $0x2800, $0x38;
	[tilespmem:$0x1FC00] =	vst v63  }
0x6c: {  	_ = 	snop  }
0x6d: {  	[spmem:s24] =	stream.linear.scatter [tilespmem:s29], [sflag:$0x1], $0x2800, $0x38;
	[tilespmem:$0x1FC00] =	vst v63  }
0x6e: {  	s23 =	rddreg [dreg:$0x11]  }
0x6f: {  	[spmem:s23] =	stream.linear.scatter [tilespmem:s29], [sflag:$0x1], $0x2800, $0x38;
	[tilespmem:$0x1FC00] =	vst v63  }
0x70: {  	s24 =	rddreg [dreg:$0x12]  }
0x71: {  	[spmem:s24] =	stream.linear.scatter [tilespmem:s29], [sflag:$0x1], $0x2800, $0x38;
	[tilespmem:$0x1FC00] =	vst v63  }
0x72: {  	s25 =	rddreg [dreg:$0x13]  }
0x73: {  	[spmem:s25] =	stream.linear.scatter [tilespmem:s29], [sflag:$0x1], $0x2800, $0x38;
	[tilespmem:$0x1FC00] =	vst v63  }
0x74: {  	s26 =	rddreg [dreg:$0x14]  }
0x75: {  	[spmem:s26] =	stream.linear.scatter [tilespmem:s29], [sflag:$0x1], $0x2800, $0x38;
	[tilespmem:$0x1FC00] =	vst v63  }
0x76: {  	_ = 	snop  }
0x77: {  	[spmem:s21] =	stream.linear.scatter [tilespmem:s29], [sflag:$0x2], $0x2400, $0x38;
	[tilespmem:$0x1FC00] =	vst v63  }
0x78: {  	_ =	swait.ge [sflag:s30], $0x2800  }
0x79: {  	[sflag:s30] =	ssyncset.done $0x0  }
0x7a: {  	[sflag:s30] =	ssyncadd.s32 $0xFFFFD800  }
0x7b: {  	_ =	swait.ge [sflag:s30], $0x2800  }
0x7c: {  	[sflag:s30] =	ssyncset.done $0x0  }
0x7d: {  	[sflag:s30] =	ssyncadd.s32 $0xFFFFD800  }
0x7e: {  	_ =	swait.ge [sflag:s30], $0x2800  }
0x7f: {  	[sflag:s30] =	ssyncset.done $0x0  }
0x80: {  	[sflag:s30] =	ssyncadd.s32 $0xFFFFD800  }
0x81: {  	_ =	swait.ge [sflag:s30], $0x2800  }
0x82: {  	[sflag:s30] =	ssyncset.done $0x0  }
0x83: {  	[sflag:s30] =	ssyncadd.s32 $0xFFFFD800  }
0x84: {  	_ =	swait.ge [sflag:s30], $0x2800  }
0x85: {  	[sflag:s30] =	ssyncset.done $0x0  }
0x86: {  	[sflag:s30] =	ssyncadd.s32 $0xFFFFD800  }
0x87: {  	_ =	swait.ge [sflag:s30], $0x2800  }
0x88: {  	[sflag:s30] =	ssyncset.done $0x0  }
0x89: {  	[sflag:s30] =	ssyncadd.s32 $0xFFFFD800  }
0x8a: {  	_ =	swait.ge [sflag:s30], $0x2800  }
0x8b: {  	[sflag:s30] =	ssyncset.done $0x0  }
0x8c: {  	[sflag:s30] =	ssyncadd.s32 $0xFFFFD800  }
.Ltmp3:
0x8d: {  	_ =	swait.ge [sflag:s31], $0x2400;
	(pc) =	sbr.rel .LBB2_4-.Ltmp3, $4  }
0x8e: {  	[sflag:s31] =	ssyncset.done $0x0  }
0x8f: {  	[sflag:s31] =	ssyncadd.s32 $0xFFFFDC00  }
0x90: {  	[bflag:$0x0] =	sbarrier.arrive $0xFFFF  }
0x91: {  	s19 =	simm.s32 $0x0;
	s18 =	simm.s32 $0x0  }
.LBB2_13:
0x92: {  	s18 =	sadd.s32 $0x1, s18  }
0x93: {  	p0 =	sne.s32 s18, $0x5  }
.Ltmp4:
0x94: {  	_ = 	snop;
	(pc) =	sbr.rel @!p0 .LBB2_14-.Ltmp4, $1  }
0x95: {  	_ =	sdelay $0x3  }
.LBB2_4:
0x96: {  	s20 =	sshll.u32 s18, $0xC  }
0x97: {  	s20 =	sadd.s32 s20, s6  }
0x98: {  	s20 =	sshrl.u32 s20, $0x3  }
0x99: {  	s21 =	sadd.s32 s14, s20  }
0x9a: {  	[tilespmem:s19], [sflag:$0x5] =	stream.linear.gather [hbm4b:s21+s19], $0xC80, $0x38;
	[tilespmem:$0x1FC00] =	vst v63  }
0x9b: {  	_ =	swait.ge [sflag:s0], $0xC80  }
0x9c: {  	[sflag:s0] =	ssyncset.done $0x0  }
0x9d: {  	s25 =	smul.u32 $0x7D0, s18;
	s20 =	sadd.s32 s16, s20;
	[sflag:s0] =	ssyncadd.s32 $0xFFFFF380  }
0x9e: {  	[tilespmem:s3], [sflag:$0x5] =	stream.linear.gather [hbm4b:s20+s19], $0xC80, $0x38;
	[tilespmem:$0x1FC00] =	vst v63  }
0x9f: {  	_ =	swait.ge [sflag:s0], $0xC80  }
0xa0: {  	s26 =	sadd.s32 s17, s25;
	[sflag:s0] =	ssyncset.done $0x0  }
0xa1: {  	s21 =	sshll.u32 s26, $0x4;
	[sflag:s0] =	ssyncadd.s32 $0xFFFFF380  }
0xa2: {  	[tilespmem:s29], [sflag:$0x1] =	stream.indirect.gather [hbm4b:s1+s7], $0x80, s19, s7, $0xb8;
	[tilespmem:$0x1FC00] =	vst v63  }
0xa3: {  	s21 =	sadd.s32 s5, s21;
	s20 =	sadd.s32 s25, s28  }
0xa4: {  	[tilespmem:s8], [sflag:$0x2] =	stream.linear.gather [hbm4b:s21+s19], $0x2800, $0x38;
	[tilespmem:$0x1FC00] =	vst v63  }
.Ltmp5:
0xa5: {  	s20 =	sshll.u32 s20, $0x4;
	(pc) =	sbr.rel .LBB2_5-.Ltmp5, $4  }
0xa6: {  	[tilespmem:s10], [sflag:$0x3] =	stream.indirect.gather [hbm4b:s1+s7], $0x80, s9, s7, $0xb8;
	[tilespmem:$0x1FC00] =	vst v63  }
0xa7: {  	s20 =	sadd.s32 s5, s20  }
0xa8: {  	[tilespmem:s11], [sflag:$0x4] =	stream.linear.gather [hbm4b:s20+s19], $0x2800, $0x38;
	[tilespmem:$0x1FC00] =	vst v63  }
0xa9: {  	s21 =	simm.s32 $0x0;
	s20 =	smul.u32 $0x19, s18  }
.LBB2_12:
0xaa: {  	s21 =	sadd.s32 $0x1, s21  }
0xab: {  	p0 =	sne.s32 s21, $0xD  }
.Ltmp6:
0xac: {  	_ = 	snop;
	(pc) =	sbr.rel @!p0 .LBB2_13-.Ltmp6, $1  }
0xad: {  	_ =	sdelay $0x3  }
.LBB2_5:
0xae: {  	_ =	swait.ge [sflag:s30], $0x2800  }
0xaf: {  	[sflag:s30] =	ssyncset.done $0x0  }
0xb0: {  	[sflag:s30] =	ssyncadd.s32 $0xFFFFD800  }
0xb1: {  	_ =	swait.ge [sflag:s31], $0x2800  }
0xb2: {  	[sflag:s31] =	ssyncset.done $0x0  }
0xb3: {  	s22 =	simm.s32 $0x0;
	[sflag:s31] =	ssyncadd.s32 $0xFFFFD800  }
0xb4: {  	v1 =	vld [tilespmem:s22+$0x4830]  }
0xb5: {  	v2 =	vld [tilespmem:s22+$0x2070]  }
0xb6: {  	v4 =	vld [tilespmem:s22+$0x4800]  }
0xb7: {  	v6 =	vld [tilespmem:s22+$0x4810]  }
0xb8: {  	v7 =	vld [tilespmem:s22+$0x4820]  }
0xb9: {  	v11 =	vld [tilespmem:s22+$0x2000]  }
0xba: {  	v13 =	vld [tilespmem:s22+$0x2010]  }
0xbb: {  	v8 =	vld [tilespmem:s22+$0x2020];
	v3 =	vand.u32 $0xFFFF0000, v1  }
0xbc: {  	v5 =	vld [tilespmem:s22+$0x2030];
	v1 =	vshll.u32 v1, $0x10;
	v2 =	vadd.f32 v3, v2  }
0xbd: {  	v12 =	vshll.u32 v4, $0x10;
	v14 =	vand.u32 $0xFFFF0000, v4;
	v10 =	vshll.u32 v6, $0x10;
	v3 =	vld [tilespmem:s22+$0x2040]  }
0xbe: {  	v9 =	vand.u32 $0xFFFF0000, v6;
	v4 =	vld [tilespmem:s22+$0x2050];
	v12 =	vadd.f32 v12, v11;
	v2 =	vmax.f32 v2, $0.0e+00  }
0xbf: {  	s23 =	simm.s32 $0x80;
	s24 =	simm.s32 $0x400;
	v6 =	vshll.u32 v7, $0x10;
	v11 =	vadd.f32 v14, v13;
	[tilespmem:s22+$0x2070] =	vst v2;
	v2 =	vand.u32 $0xFFFF0000, v7;
	v7 =	vld [tilespmem:s22+$0x2060]  }
.LBB2_6:
0xc0: {  	p0 =	sne.s32 s24, $0x9E00;
	v13 =	vld [tilespmem:s23+$0x4830];
	v12 =	vmax.f32 v12, $0.0e+00;
	v8 =	vadd.f32 v10, v8  }
0xc1: {  	v10 =	vld [tilespmem:s23+$0x2070];
	[tilespmem:s22+$0x2000] =	vst v12;
	v11 =	vmax.f32 v11, $0.0e+00;
	v5 =	vadd.f32 v9, v5  }
0xc2: {  	v9 =	vld [tilespmem:s23+$0x4800];
	[tilespmem:s22+$0x2010] =	vst v11;
	v8 =	vmax.f32 v8, $0.0e+00;
	v3 =	vadd.f32 v6, v3  }
0xc3: {  	v6 =	vld [tilespmem:s23+$0x4810];
	[tilespmem:s22+$0x2020] =	vst v8;
	v5 =	vmax.f32 v5, $0.0e+00;
	v2 =	vadd.f32 v2, v4  }
0xc4: {  	v4 =	vld [tilespmem:s23+$0x4820];
	[tilespmem:s22+$0x2030] =	vst v5;
	v3 =	vmax.f32 v3, $0.0e+00;
	v5 =	vadd.f32 v1, v7  }
0xc5: {  	v7 =	vld [tilespmem:s23+$0x2000];
	v1 =	vshll.u32 v13, $0x10;
	v8 =	vand.u32 $0xFFFF0000, v13;
	[tilespmem:s22+$0x2040] =	vst v3;
	v2 =	vmax.f32 v2, $0.0e+00  }
0xc6: {  	v11 =	vld [tilespmem:s23+$0x2010];
	v3 =	vadd.f32 v8, v10;
	[tilespmem:s22+$0x2050] =	vst v2;
	v2 =	vmax.f32 v5, $0.0e+00  }
.Ltmp7:
0xc7: {  	v12 =	vshll.u32 v9, $0x10;
	v13 =	vand.u32 $0xFFFF0000, v9;
	v8 =	vld [tilespmem:s23+$0x2020];
	[tilespmem:s22+$0x2060] =	vst v2;
	s22 =	smov.u32 s23;
	(pc) =	sbr.rel @p0 .LBB2_6-.Ltmp7, $4  }
0xc8: {  	v10 =	vshll.u32 v6, $0x10;
	v9 =	vand.u32 $0xFFFF0000, v6;
	v5 =	vld [tilespmem:s22+$0x2030];
	v14 =	vmax.f32 v3, $0.0e+00  }
0xc9: {  	v6 =	vshll.u32 v4, $0x10;
	v2 =	vand.u32 $0xFFFF0000, v4;
	v3 =	vld [tilespmem:s22+$0x2040];
	[tilespmem:s22+$0x2070] =	vst v14  }
0xca: {  	v12 =	vadd.f32 v12, v7;
	v4 =	vld [tilespmem:s22+$0x2050]  }
0xcb: {  	s23 =	sshra.s32 s24, $0x2;
	s24 =	sadd.s32 $0x200, s24;
	v11 =	vadd.f32 v13, v11;
	v7 =	vld [tilespmem:s22+$0x2060]  }
0xcc: {  	v13 =	vld [tilespmem:s23+$0x4830]  }
0xcd: {  	v14 =	vld [tilespmem:s23+$0x2070]  }
0xce: {  	v15 =	vld [tilespmem:s23+$0x4800]  }
0xcf: {  	v16 =	vld [tilespmem:s23+$0x4810]  }
0xd0: {  	v17 =	vld [tilespmem:s23+$0x4820];
	v12 =	vmax.f32 v12, $0.0e+00;
	v8 =	vadd.f32 v10, v8  }
0xd1: {  	v51 =	vld [tilespmem:s23+$0x2000];
	[tilespmem:s22+$0x2000] =	vst v12;
	v11 =	vmax.f32 v11, $0.0e+00;
	v5 =	vadd.f32 v9, v5  }
0xd2: {  	v53 =	vld [tilespmem:s23+$0x2010];
	[tilespmem:s22+$0x2010] =	vst v11;
	v8 =	vmax.f32 v8, $0.0e+00;
	v3 =	vadd.f32 v6, v3  }
0xd3: {  	v54 =	vld [tilespmem:s23+$0x2020];
	[tilespmem:s22+$0x2020] =	vst v8;
	v5 =	vmax.f32 v5, $0.0e+00;
	v2 =	vadd.f32 v2, v4  }
0xd4: {  	v55 =	vld [tilespmem:s23+$0x2030];
	[tilespmem:s22+$0x2030] =	vst v5;
	v1 =	vadd.f32 v1, v7;
	v3 =	vmax.f32 v3, $0.0e+00;
	v52 =	vand.u32 $0xFFFF0000, v13  }
0xd5: {  	v57 =	vld [tilespmem:s23+$0x2040];
	v58 =	vshll.u32 v15, $0x10;
	[tilespmem:s22+$0x2040] =	vst v3;
	v2 =	vmax.f32 v2, $0.0e+00;
	v9 =	vadd.f32 v52, v14  }
0xd6: {  	v59 =	vld [tilespmem:s23+$0x2050];
	v3 =	vand.u32 $0xFFFF0000, v15;
	v4 =	vadd.f32 v58, v51;
	[tilespmem:s22+$0x2050] =	vst v2;
	v1 =	vmax.f32 v1, $0.0e+00  }
0xd7: {  	v60 =	vld [tilespmem:s23+$0x2060];
	v2 =	vshll.u32 v16, $0x10;
	v3 =	vadd.f32 v3, v53;
	[tilespmem:s22+$0x2060] =	vst v1;
	v56 =	vmax.f32 v9, $0.0e+00  }
0xd8: {  	v1 =	vand.u32 $0xFFFF0000, v16;
	v2 =	vadd.f32 v2, v54;
	v4 =	vmax.f32 v4, $0.0e+00;
	[tilespmem:s23+$0x2070] =	vst v56  }
0xd9: {  	v61 =	vshll.u32 v17, $0x10;
	v3 =	vmax.f32 v3, $0.0e+00;
	v1 =	vadd.f32 v1, v55;
	[tilespmem:s23+$0x2000] =	vst v4  }
0xda: {  	v62 =	vand.u32 $0xFFFF0000, v17;
	[tilespmem:s23+$0x2010] =	vst v3;
	v2 =	vmax.f32 v2, $0.0e+00;
	v3 =	vadd.f32 v61, v57  }
0xdb: {  	v63 =	vshll.u32 v13, $0x10;
	[tilespmem:s23+$0x2020] =	vst v2;
	v1 =	vmax.f32 v1, $0.0e+00;
	v2 =	vadd.f32 v62, v59  }
0xdc: {  	[tilespmem:s23+$0x2030] =	vst v1;
	v1 =	vmax.f32 v3, $0.0e+00;
	v3 =	vadd.f32 v63, v60  }
0xdd: {  	s26 =	sshll.u32 s21, $0x8;
	[tilespmem:s23+$0x2040] =	vst v1;
	v1 =	vmax.f32 v2, $0.0e+00  }
0xde: {  	p0 =	seq.s32 s21, $0xC;
	s22 =	sand.u32 $0x3FFFFF00, s26;
	[tilespmem:s23+$0x2050] =	vst v1;
	v1 =	vmax.f32 v3, $0.0e+00  }
.Ltmp8:
0xdf: {  	s22 =	sadd.s32 $0x1000, s22;
	[tilespmem:s23+$0x2060] =	vst v1;
	(pc) =	sbr.rel @p0 .LBB2_13-.Ltmp8, $4  }
0xe0: {  	[spmem:s2] =	stream.indirect.scatter.add.f32 [tilespmem:s29], [sflag:$0x5], $0x80, s22, s7, $0xb8;
	[tilespmem:$0x1FC00] =	vst v63  }
0xe1: {  	_ =	swait.ge [sflag:s0], $0x2800  }
0xe2: {  	[sflag:s0] =	ssyncset.done $0x0  }
0xe3: {  	[sflag:s0] =	ssyncadd.s32 $0xFFFFD800  }
0xe4: {  	s22 =	sshll.u32 s21, $0x1  }
0xe5: {  	s23 =	sadd.s32 $0x2, s22  }
0xe6: {  	s24 =	sshll.u32 s23, $0x7;
	s23 =	sadd.s32 s20, s23  }
0xe7: {  	s24 =	sand.u32 $0x3FFFFF80, s24;
	s23 =	smul.u32 $0x50, s23  }
0xe8: {  	[tilespmem:s29], [sflag:$0x1] =	stream.indirect.gather [hbm4b:s1+s7], $0x80, s24, s7, $0xb8;
	[tilespmem:$0x1FC00] =	vst v63  }
0xe9: {  	s23 =	sadd.s32 s17, s23  }
0xea: {  	s23 =	sshll.u32 s23, $0x4  }
0xeb: {  	s23 =	sadd.s32 s5, s23  }
0xec: {  	[tilespmem:s8], [sflag:$0x2] =	stream.linear.gather [hbm4b:s23+s4], $0x2800, $0x38;
	[tilespmem:$0x1FC00] =	vst v63  }
0xed: {  	s23 =	sor.u32 $0x1, s22  }
0xee: {  	p0 =	sgt.u32 s23, $0x18  }
.Ltmp9:
0xef: {  	_ = 	snop;
	(pc) =	sbr.rel @p0 .LBB2_12-.Ltmp9, $1  }
0xf0: {  	_ =	sdelay $0x3  }
0xf1: {  	_ =	swait.ge [sflag:s12], $0x2800  }
0xf2: {  	[sflag:s12] =	ssyncset.done $0x0  }
0xf3: {  	[sflag:s12] =	ssyncadd.s32 $0xFFFFD800  }
0xf4: {  	_ =	swait.ge [sflag:s13], $0x2800  }
0xf5: {  	[sflag:s13] =	ssyncset.done $0x0  }
0xf6: {  	s24 =	simm.s32 $0x0;
	[sflag:s13] =	ssyncadd.s32 $0xFFFFD800  }
0xf7: {  	v1 =	vld [tilespmem:s24+$0x9830]  }
0xf8: {  	v2 =	vld [tilespmem:s24+$0x7070]  }
0xf9: {  	v4 =	vld [tilespmem:s24+$0x9800]  }
0xfa: {  	v6 =	vld [tilespmem:s24+$0x9810]  }
0xfb: {  	v7 =	vld [tilespmem:s24+$0x9820]  }
0xfc: {  	v11 =	vld [tilespmem:s24+$0x7000]  }
0xfd: {  	v13 =	vld [tilespmem:s24+$0x7010]  }
0xfe: {  	v8 =	vld [tilespmem:s24+$0x7020];
	v3 =	vand.u32 $0xFFFF0000, v1  }
0xff: {  	v5 =	vld [tilespmem:s24+$0x7030];
	v1 =	vshll.u32 v1, $0x10;
	v2 =	vadd.f32 v3, v2  }
0x100: {  	v12 =	vshll.u32 v4, $0x10;
	v14 =	vand.u32 $0xFFFF0000, v4;
	v10 =	vshll.u32 v6, $0x10;
	v3 =	vld [tilespmem:s24+$0x7040]  }
0x101: {  	v9 =	vand.u32 $0xFFFF0000, v6;
	v4 =	vld [tilespmem:s24+$0x7050];
	v12 =	vadd.f32 v12, v11;
	v2 =	vmax.f32 v2, $0.0e+00  }
0x102: {  	s25 =	simm.s32 $0x80;
	s26 =	simm.s32 $0x400;
	v6 =	vshll.u32 v7, $0x10;
	v11 =	vadd.f32 v14, v13;
	[tilespmem:s24+$0x7070] =	vst v2;
	v2 =	vand.u32 $0xFFFF0000, v7;
	v7 =	vld [tilespmem:s24+$0x7060]  }
.LBB2_10:
0x103: {  	p0 =	sne.s32 s26, $0x9E00;
	v13 =	vld [tilespmem:s25+$0x9830];
	v12 =	vmax.f32 v12, $0.0e+00;
	v8 =	vadd.f32 v10, v8  }
0x104: {  	v10 =	vld [tilespmem:s25+$0x7070];
	[tilespmem:s24+$0x7000] =	vst v12;
	v11 =	vmax.f32 v11, $0.0e+00;
	v5 =	vadd.f32 v9, v5  }
0x105: {  	v9 =	vld [tilespmem:s25+$0x9800];
	[tilespmem:s24+$0x7010] =	vst v11;
	v8 =	vmax.f32 v8, $0.0e+00;
	v3 =	vadd.f32 v6, v3  }
0x106: {  	v6 =	vld [tilespmem:s25+$0x9810];
	[tilespmem:s24+$0x7020] =	vst v8;
	v5 =	vmax.f32 v5, $0.0e+00;
	v2 =	vadd.f32 v2, v4  }
0x107: {  	v4 =	vld [tilespmem:s25+$0x9820];
	[tilespmem:s24+$0x7030] =	vst v5;
	v3 =	vmax.f32 v3, $0.0e+00;
	v5 =	vadd.f32 v1, v7  }
0x108: {  	v7 =	vld [tilespmem:s25+$0x7000];
	v1 =	vshll.u32 v13, $0x10;
	v8 =	vand.u32 $0xFFFF0000, v13;
	[tilespmem:s24+$0x7040] =	vst v3;
	v2 =	vmax.f32 v2, $0.0e+00  }
0x109: {  	v11 =	vld [tilespmem:s25+$0x7010];
	v3 =	vadd.f32 v8, v10;
	[tilespmem:s24+$0x7050] =	vst v2;
	v2 =	vmax.f32 v5, $0.0e+00  }
.Ltmp10:
0x10a: {  	v12 =	vshll.u32 v9, $0x10;
	v13 =	vand.u32 $0xFFFF0000, v9;
	v8 =	vld [tilespmem:s25+$0x7020];
	[tilespmem:s24+$0x7060] =	vst v2;
	s24 =	smov.u32 s25;
	(pc) =	sbr.rel @p0 .LBB2_10-.Ltmp10, $4  }
0x10b: {  	v10 =	vshll.u32 v6, $0x10;
	v9 =	vand.u32 $0xFFFF0000, v6;
	v5 =	vld [tilespmem:s24+$0x7030];
	v14 =	vmax.f32 v3, $0.0e+00  }
0x10c: {  	v6 =	vshll.u32 v4, $0x10;
	v2 =	vand.u32 $0xFFFF0000, v4;
	v3 =	vld [tilespmem:s24+$0x7040];
	[tilespmem:s24+$0x7070] =	vst v14  }
0x10d: {  	v12 =	vadd.f32 v12, v7;
	v4 =	vld [tilespmem:s24+$0x7050]  }
0x10e: {  	s25 =	sshra.s32 s26, $0x2;
	s26 =	sadd.s32 $0x200, s26;
	v11 =	vadd.f32 v13, v11;
	v7 =	vld [tilespmem:s24+$0x7060]  }
0x10f: {  	v13 =	vld [tilespmem:s25+$0x9830]  }
0x110: {  	v14 =	vld [tilespmem:s25+$0x7070]  }
0x111: {  	v15 =	vld [tilespmem:s25+$0x9800]  }
0x112: {  	v16 =	vld [tilespmem:s25+$0x9810]  }
0x113: {  	v17 =	vld [tilespmem:s25+$0x9820];
	v12 =	vmax.f32 v12, $0.0e+00;
	v8 =	vadd.f32 v10, v8  }
0x114: {  	v51 =	vld [tilespmem:s25+$0x7000];
	[tilespmem:s24+$0x7000] =	vst v12;
	v11 =	vmax.f32 v11, $0.0e+00;
	v5 =	vadd.f32 v9, v5  }
0x115: {  	v53 =	vld [tilespmem:s25+$0x7010];
	[tilespmem:s24+$0x7010] =	vst v11;
	v8 =	vmax.f32 v8, $0.0e+00;
	v3 =	vadd.f32 v6, v3  }
0x116: {  	v54 =	vld [tilespmem:s25+$0x7020];
	[tilespmem:s24+$0x7020] =	vst v8;
	v5 =	vmax.f32 v5, $0.0e+00;
	v2 =	vadd.f32 v2, v4  }
0x117: {  	v55 =	vld [tilespmem:s25+$0x7030];
	[tilespmem:s24+$0x7030] =	vst v5;
	v1 =	vadd.f32 v1, v7;
	v3 =	vmax.f32 v3, $0.0e+00;
	v52 =	vand.u32 $0xFFFF0000, v13  }
0x118: {  	v57 =	vld [tilespmem:s25+$0x7040];
	v58 =	vshll.u32 v15, $0x10;
	[tilespmem:s24+$0x7040] =	vst v3;
	v2 =	vmax.f32 v2, $0.0e+00;
	v9 =	vadd.f32 v52, v14  }
0x119: {  	v59 =	vld [tilespmem:s25+$0x7050];
	v3 =	vand.u32 $0xFFFF0000, v15;
	v4 =	vadd.f32 v58, v51;
	[tilespmem:s24+$0x7050] =	vst v2;
	v1 =	vmax.f32 v1, $0.0e+00  }
0x11a: {  	v60 =	vld [tilespmem:s25+$0x7060];
	v2 =	vshll.u32 v16, $0x10;
	v3 =	vadd.f32 v3, v53;
	[tilespmem:s24+$0x7060] =	vst v1;
	v56 =	vmax.f32 v9, $0.0e+00  }
0x11b: {  	v1 =	vand.u32 $0xFFFF0000, v16;
	v2 =	vadd.f32 v2, v54;
	v4 =	vmax.f32 v4, $0.0e+00;
	[tilespmem:s25+$0x7070] =	vst v56  }
0x11c: {  	v61 =	vshll.u32 v17, $0x10;
	v3 =	vmax.f32 v3, $0.0e+00;
	v1 =	vadd.f32 v1, v55;
	[tilespmem:s25+$0x7000] =	vst v4  }
0x11d: {  	v62 =	vand.u32 $0xFFFF0000, v17;
	[tilespmem:s25+$0x7010] =	vst v3;
	v2 =	vmax.f32 v2, $0.0e+00;
	v3 =	vadd.f32 v61, v57  }
0x11e: {  	v63 =	vshll.u32 v13, $0x10;
	[tilespmem:s25+$0x7020] =	vst v2;
	v1 =	vmax.f32 v1, $0.0e+00;
	v2 =	vadd.f32 v62, v59  }
0x11f: {  	[tilespmem:s25+$0x7030] =	vst v1;
	v1 =	vmax.f32 v3, $0.0e+00;
	v3 =	vadd.f32 v63, v60  }
0x120: {  	s23 =	sshll.u32 s23, $0x7;
	[tilespmem:s25+$0x7040] =	vst v1;
	v1 =	vmax.f32 v2, $0.0e+00  }
0x121: {  	p0 =	sgt.u32 s21, $0xA;
	s23 =	sand.u32 $0x3FFFFF80, s23;
	[tilespmem:s25+$0x7050] =	vst v1;
	v1 =	vmax.f32 v3, $0.0e+00  }
0x122: {  	s22 =	sadd.s32 @!p0 $0x3, s22;
	s23 =	sadd.s32 $0x1000, s23;
	[tilespmem:s25+$0x7060] =	vst v1  }
0x123: {  	[spmem:s2] =	stream.indirect.scatter.add.f32 [tilespmem:s10], [sflag:$0x5], $0x80, s23, s7, $0xb8;
	[tilespmem:$0x1FC00] =	vst v63  }
0x124: {  	s23 =	sshll.u32 @!p0 s22, $0x7;
	s22 =	sadd.s32 @!p0 s20, s22  }
0x125: {  	s24 =	simm.s32 @!p0 $0x50;
	_ =	swait.ge [sflag:s0], $0x2800;
	s22 =	smul.u32 @!p0 $0x50, s22  }
0x126: {  	s25 =	simm.s32 @!p0 $0x7000;
	s23 =	sand.u32 @!p0 $0x3FFFFF80, s23;
	[sflag:s0] =	ssyncset.done $0x0  }
.Ltmp11:
0x127: {  	[sflag:s0] =	ssyncadd.s32 $0xFFFFD800;
	s22 =	sadd.s32 @!p0 s17, s22;
	(pc) =	sbr.rel .LBB2_12-.Ltmp11, $4  }
0x128: {  	[tilespmem:s25], [sflag:$0x3] =	stream.indirect.gather @!p0 [hbm4b:s1+s24], $0x80, s23, s24, $0xb8;
	[tilespmem:$0x1FC00] =	vst v63  }
0x129: {  	s22 =	sshll.u32 @!p0 s22, $0x4  }
0x12a: {  	s23 =	simm.s32 @!p0 $0x0;
	s24 =	simm.s32 @!p0 $0x9800;
	s22 =	sadd.s32 @!p0 s5, s22  }
0x12b: {  	[tilespmem:s24], [sflag:$0x4] =	stream.linear.gather @!p0 [hbm4b:s22+s23], $0x2800, $0x38;
	[tilespmem:$0x1FC00] =	vst v63  }
.LBB2_15:
0x12c: {  	_ =	sfence.sel $0x180000  }
0x12d: {  	[bflag:$0x0] =	sbarrier.arrive $0xFFFF  }
0x12e: {  	_ =	strace $0x9000004A  }
0x12f: {  	s0 =	stileid.u32;
	[bflag:$0x2] =	sbarrier.arrive $0xFFFF  }
0x130: {  	p0 =	sne.s32 s0, $0x0;
	s0 =	rddreg [dreg:$0x3]  }
0x131: {  	s0 =	sadd.s32 @!p0 $0x100000, s0  }
0x132: {  	[sflag:s0] =	ssyncadd.tile.s32 @!p0 $0x1;
	_ =	shalt  }
.Lfunc_end2:
_tile_overlayer_lowered:
.L_overlay_start_2:
0x133: {  	(tag) =	ssettag $0x2  }
0x134: {  	s0 =	rddreg [dreg:$0x0];
	s2 =	stileid.u32  }
0x135: {  	s1 =	rddreg [dreg:$0x1];
	p0 =	sne.s32 s2, $0x0  }
0x136: {  	s3 =	rddreg [dreg:$0x2];
	[bflag:$0x3] =	sbarrier.arrive $0xFFFF;
	s2 =	simm.s32 @!p0 $0x1C05  }
0x137: {  	[timem:s3], [sflag:s2] =	dma.local @!p0 [hbm:s0], s1  }
0x138: {  	s0 =	simm.s32 @!p0 $0x5  }
0x139: {  	_ =	swait.ge @!p0 [sflag:s0], s1  }
0x13a: {  	s1 =	ssub.s32 @!p0 $0x0, s1;
	[sflag:s0] =	ssyncset.done @!p0 $0x0  }
0x13b: {  	[sflag:s0] =	ssyncadd.s32 @!p0 s1  }
0x13c: {  	[bflag:$0x3] =	sbarrier.arrive $0xFFFF  }
0x13d: {  	_ =	shalt  }

// kernel: kernel.8.cloned.1.call-start
scs
__scs_entry_jumppad:
0x0: {  	(pc) =	sbr.rel $0x88, $3  }
0x1: {  	(tag) =	ssettag $0x0;
	lr =	simm.s32 $0x1  }
0x2: {  	[smem:$0x3F80] =	sst lr;
	_ =	strace $0xD0000000  }
0x3: {  	_ = 	snop  }
0x4: {  	_ = 	snop  }
0x5: {  	_ = 	snop  }
0x6: {  	_ = 	snop  }
0x7: {  	_ = 	snop  }
__scs_overlays_trampoline_lowered:
0x8: {  	[smem:$0x3F8F] =	sst s0  }
0x9: {  	[smem:$0x3F90] =	sst s1  }
0xa: {  	[smem:$0x3F91] =	sst s2  }
0xb: {  	[smem:$0x3F92] =	sst s3  }
0xc: {  	[smem:$0x3F93] =	sst s4  }
0xd: {  	[smem:$0x3F94] =	sst s5  }
0xe: {  	[smem:$0x3F95] =	sst s6  }
0xf: {  	[smem:$0x3F96] =	sst s7  }
0x10: {  	[smem:$0x3F97] =	sst s8  }
0x11: {  	[smem:$0x3F98] =	sst s9;
	s0 =	simm.s32 @!p0 $0x0  }
0x12: {  	s1 =	sld [smem:$0x3F7E];
	s0 =	simm.s32 @p0 $0x1  }
0x13: {  	[smem:$0x3F99] =	sst s0;
	s0 =	simm.s32 @!p1 $0x0  }
0x14: {  	s2 =	sld [smem:$0x3F7D];
	s0 =	simm.s32 @p1 $0x1  }
0x15: {  	[smem:$0x3F9A] =	sst s0;
	s0 =	simm.s32 @!p2 $0x0  }
0x16: {  	s3 =	sld [smem:$0x3FDB];
	s0 =	simm.s32 @p2 $0x1  }
0x17: {  	s4 =	simm.s32 $0x1BF5;
	[smem:$0x3F9C] =	sst s0  }
0x18: {  	s0 =	sld [smem:$0x3F7F];
	_ =	swait.ge [sflag:s4], $0x0  }
0x19: {  	s7 =	sld [smem:$0x3F80]  }
0x1a: {  	s8 =	sadd.s32 $0xFFFFE003, lr  }
0x1b: {  	s9 =	sadd.s32 $0xFFFFFEF7, lr;
	s5 =	simm.s32 $0xFFFFFFFF;
	p2 =	slt.u32 s8, $0xFFFFF086  }
0x1c: {  	p1 =	slt.u32 s9, $0xF7A;
	s5 =	simm.s32 @!p2 $0x0  }
0x1d: {  	s5 =	simm.s32 @p1 $0x1;
	p0 =	seq.s32 s7, s2  }
0x1e: {  	s7 =	smul.u32 @!p0 $0xF7A, s2;
	p2 =	seq.s32 @!p0 s5, $0x0  }
0x1f: {  	s9 =	smul.u32 $0xF7A, s1;
	s8 =	simm.s32 @!p0 $0x1BF5;
	p2 =	por !p2, p0  }
0x20: {  	[sflag:s8] =	ssyncset.s32 @!p0 $0xFFFFF086;
	s6 =	sadd.s32 @!p0 s3, s7;
	s7 =	simm.s32 @!p0 $0x108  }
0x21: {  	s3 =	sadd.s32 s3, s9;
	s6 =	sadd.s32 @!p0 $0x88, s6;
	s7 =	simm.s32 @p2 $0x1082  }
0x22: {  	[simem:s7], [sflag:s8] =	dma.local @!p0 [hbm:s6], $0xF7A  }
0x23: {  	s9 =	sor.u32 $0xD0000000, s2;
	s6 =	simm.s32 $0x108;
	_ =	swait.ge @!p0 [sflag:s8], $0x0  }
0x24: {  	s3 =	sadd.s32 $0x88, s3;
	s6 =	simm.s32 @!p1 $0x1082;
	[sflag:s4] =	ssyncset.s32 $0xFFFFF086  }
0x25: {  	[simem:s6], [sflag:s4] =	dma.local [hbm:s3], $0xF7A  }
0x26: {  	[smem:$0x3F80] =	sst s1;
	(tag) =	ssettag s2;
	_ =	strace s9  }
0x27: {  	s1 =	sld [smem:$0x3F90]  }
0x28: {  	s2 =	sld [smem:$0x3F91]  }
0x29: {  	s4 =	sld [smem:$0x3F93]  }
0x2a: {  	p0 =	seq.s32 s5, $0x0;
	s5 =	sld [smem:$0x3F94]  }
0x2b: {  	s6 =	sld [smem:$0x3F95]  }
0x2c: {  	s7 =	sld [smem:$0x3F96]  }
0x2d: {  	s3 =	simm.s32 $0x108;
	s8 =	sld [smem:$0x3F97]  }
0x2e: {  	s3 =	simm.s32 @!p0 $0x1082;
	s9 =	sld [smem:$0x3F98]  }
0x2f: {  	lr =	sadd.s32 s0, s3;
	s0 =	sld [smem:$0x3F8F]  }
0x30: {  	s3 =	sld [smem:$0x3F92]  }
0x31: {  	[smem:$0x3F9B] =	sst s10  }
0x32: {  	s10 =	sld [smem:$0x3F99];
	_ =	sdelay $0x3  }
0x33: {  	p0 =	seq.s32 s10, $0x1;
	s10 =	sld [smem:$0x3F9B];
	_ =	sdelay $0x3  }
0x34: {  	[smem:$0x3F9B] =	sst s10  }
0x35: {  	s10 =	sld [smem:$0x3F9A];
	_ =	sdelay $0x3  }
0x36: {  	p1 =	seq.s32 s10, $0x1;
	s10 =	sld [smem:$0x3F9B];
	_ =	sdelay $0x3  }
0x37: {  	[smem:$0x3F9B] =	sst s10  }
0x38: {  	s10 =	sld [smem:$0x3F9C]  }
0x39: {  	_ = 	snop;
	(pc) =	sbr.ind lr, $3  }
0x3a: {  	_ = 	snop  }
0x3b: {  	_ = 	snop  }
0x3c: {  	p2 =	seq.s32 s10, $0x1;
	s10 =	sld [smem:$0x3F9B]  }
0x3d: {  	_ =	shalt  }
0x3e: {  	_ =	shalt  }
0x3f: {  	_ =	shalt  }
0x40: {  	_ =	shalt  }
0x41: {  	_ =	shalt  }
0x42: {  	_ =	shalt  }
0x43: {  	_ =	shalt  }
0x44: {  	_ =	shalt  }
0x45: {  	_ =	shalt  }
0x46: {  	_ =	shalt  }
0x47: {  	_ =	shalt  }
0x48: {  	_ =	shalt  }
0x49: {  	_ =	shalt  }
0x4a: {  	_ =	shalt  }
0x4b: {  	_ =	shalt  }
0x4c: {  	_ =	shalt  }
0x4d: {  	_ =	shalt  }
0x4e: {  	_ =	shalt  }
0x4f: {  	_ =	shalt  }
0x50: {  	_ =	shalt  }
0x51: {  	_ =	shalt  }
0x52: {  	_ =	shalt  }
0x53: {  	_ =	shalt  }
0x54: {  	_ =	shalt  }
0x55: {  	_ =	shalt  }
0x56: {  	_ =	shalt  }
0x57: {  	_ =	shalt  }
0x58: {  	_ =	shalt  }
0x59: {  	_ =	shalt  }
0x5a: {  	_ =	shalt  }
0x5b: {  	_ =	shalt  }
0x5c: {  	_ =	shalt  }
0x5d: {  	_ =	shalt  }
0x5e: {  	_ =	shalt  }
0x5f: {  	_ =	shalt  }
0x60: {  	_ =	shalt  }
0x61: {  	_ =	shalt  }
0x62: {  	_ =	shalt  }
0x63: {  	_ =	shalt  }
0x64: {  	_ =	shalt  }
0x65: {  	_ =	shalt  }
0x66: {  	_ =	shalt  }
0x67: {  	_ =	shalt  }
0x68: {  	_ =	shalt  }
0x69: {  	_ =	shalt  }
0x6a: {  	_ =	shalt  }
0x6b: {  	_ =	shalt  }
0x6c: {  	_ =	shalt  }
0x6d: {  	_ =	shalt  }
0x6e: {  	_ =	shalt  }
0x6f: {  	_ =	shalt  }
0x70: {  	_ =	shalt  }
0x71: {  	_ =	shalt  }
0x72: {  	_ =	shalt  }
0x73: {  	_ =	shalt  }
0x74: {  	_ =	shalt  }
0x75: {  	_ =	shalt  }
0x76: {  	_ =	shalt  }
0x77: {  	_ =	shalt  }
0x78: {  	_ =	shalt  }
0x79: {  	_ =	shalt  }
0x7a: {  	_ =	shalt  }
0x7b: {  	_ =	shalt  }
0x7c: {  	_ =	shalt  }
0x7d: {  	_ =	shalt  }
0x7e: {  	_ =	shalt  }
0x7f: {  	_ =	shalt  }
0x80: {  	_ =	shalt  }
0x81: {  	_ =	shalt  }
0x82: {  	_ =	shalt  }
0x83: {  	_ =	shalt  }
0x84: {  	_ =	shalt  }
0x85: {  	_ =	shalt  }
0x86: {  	_ =	shalt  }
0x87: {  	_ =	shalt  }
.Lfunc_end0:
.L_simem_size_0:
called_computation_lowered:
.L_overlay_start_0:
0x88: {  	s2 =	sld [smem:$0x3FD9]  }
0x89: {  	s3 =	sld [smem:$0x3FFE];
	_ =	sdelay $0x1  }
0x8a: {  	s1 =	srdreg.scid  }
0x8b: {  	s0 =	sand.u32 $0x1, s1  }
0x8c: {  	s17 =	sshll.u32 s0, $0xA;
	s2 =	sadd.s32 s3, s2  }
0x8d: {  	s2 =	sadd.s32 s2, s17  }
0x8e: {  	[smem:$0x3FA7] =	sst s2  }
0x8f: {  	_ = 	snop  }
0x90: {  	s2 =	sld [smem:$0x3FD0];
	(tm) =	ssettm $0x1  }
0x91: {  	s18 =	sld [smem:$0x3FFB];
	_ =	sdelay $0x3  }
0x92: {  	_ =	strace s18  }
0x93: {  	s3 =	sld [smem:$0x3FFC];
	_ =	sdelay $0x3  }
0x94: {  	_ =	strace s3  }
0x95: {  	s3 =	sld [smem:$0x3FFD];
	_ =	sdelay $0x3  }
0x96: {  	_ =	strace s3  }
0x97: {  	_ =	strace $0x8FFFFFFF  }
0x98: {  	s19 =	sld [smem:$0x3FDB];
	_ =	sdelay $0x1  }
0x99: {  	s4 =	simm.s32 $_scs_section_size  }
0x9a: {  	s5 =	simm.s32 $_size__tile_overlayer_lowered;
	s6 =	simm.s32 $_tile_overlayer_lowered  }
0x9b: {  	s22 =	simm.s32 $0x1BFF;
	s21 =	sshll.u32 s6, $0x1;
	s3 =	sadd.s32 s4, s19  }
0x9c: {  	s7 =	simm.s32 $0x0;
	s20 =	sshll.u32 s5, $0x1;
	s5 =	sadd.s32 s21, s3  }
0x9d: {  	[timem:s7], [sflag:s22] =	dma.local [hbm:s5], s20  }
0x9e: {  	_ =	swait.ge [sflag:s22], s20  }
0x9f: {  	s4 =	ssub.s32 $0x0, s20;
	[sflag:s22] =	ssyncset.done $0x0  }
0xa0: {  	[sflag:s22] =	ssyncadd.s32 s4;
	_ =	sdelay $0x1  }
0xa1: {  	s23 =	simm.s32 $0x1B8B  }
0xa2: {  	_ =	swait.ge [sflag:s23], $0x1  }
0xa3: {  	[sflag:s23] =	ssyncset.done $0x0  }
0xa4: {  	s25 =	simm.s32 $0x1B8E;
	s24 =	sld [smem:$0x3FFE];
	[sflag:s23] =	ssyncadd.s32 $0xFFFFFFFF  }
0xa5: {  	s26 =	simm.s32 $execute0_lowered;
	[smem:$0x3FD2] =	sst s25  }
0xa6: {  	s5 =	sshll.u32 s26, $0x1;
	_ =	strace $0x80000046;
	[dreg:$0x1] =	wrdreg $0xFFFFFFFF  }
0xa7: {  	s28 =	simm.s32 $_size_execute0_lowered;
	s3 =	sadd.s32 s3, s5;
	[dreg:$0x0] =	wrdreg $0x0  }
0xa8: {  	s5 =	sshll.u32 s28, $0x1;
	[dreg:$0x2] =	wrdreg s3  }
0xa9: {  	[dreg:$0x3] =	wrdreg s5  }
0xaa: {  	[dreg:$0x4] =	wrdreg $0xC0  }
0xab: {  	_ =	task [dreg:s7], $0x5FFFF  }
0xac: {  	[dreg:$0x1] =	wrdreg $0xFFFFFFFF  }
0xad: {  	[dreg:$0x0] =	wrdreg $0x60  }
0xae: {  	[dreg:$0x2] =	wrdreg s2  }
0xaf: {  	[dreg:$0x3] =	wrdreg s24  }
0xb0: {  	[dreg:$0x4] =	wrdreg $0xC0000  }
0xb1: {  	[dreg:$0x5] =	wrdreg $0x9  }
0xb2: {  	_ =	task.clear_ibuf [dreg:s7], $0x6FFFF;
	_ =	strace $0x90000046  }
0xb3: {  	s29 =	simm.s32 $0x9;
	_ =	strace $0x80000048  }
0xb4: {  	_ =	swait.ge [sflag:s29], $0x1  }
0xb5: {  	[sflag:s29] =	ssyncadd.s32 $0xFFFFFFFF  }
0xb6: {  	_ =	strace $0x90000048  }
0xb7: {  	_ =	sfence  }
0xb8: {  	s30 =	sld [smem:$0x0];
	_ =	sdelay $0x2  }
0xb9: {  	s31 =	sshll.u32 s1, $0xD;
	s1 =	sshrl.u32 s1, $0x2  }
0xba: {  	s3 =	sand.u32 $0x4000, s31;
	s1 =	sadd.s32 s1, s30  }
0xbb: {  	s0 =	sor.u32 s3, s0;
	s1 =	sshll.u32 s1, $0x11  }
0xbc: {  	s0 =	sor.u32 s1, s0  }
0xbd: {  	s0 =	sadd.s32 $0x8F2B, s0  }
0xbe: {  	[sflag:s0] =	ssyncadd.remote.s32 $0x1  }
0xbf: {  	_ =	sfence.sel $0xFFFF  }
0xc0: {  	[dreg:$0x0] =	wrdreg $0xFFFFFFFF;
	(pc) =	sbr.abs _section_cstart, $3  }
0xc1: {  	[dreg:$0x1] =	wrdreg $0xFFFFFFFF  }
0xc2: {  	_ =	task.clear_ibuf [dreg:s7], $0x2FFFF;
	_ =	strace $0x9FFFFFFF  }
0xc3: {  	(tm) =	ssettm $0x7FFFFFFF  }
tec
execute0_lowered:
.L_overlay_start_1:
0x0: {  	(tag) =	ssettag $0x1  }
0x1: {  	s1 =	rddreg [dreg:$0x0]  }
0x2: {  	s0 =	rddreg [dreg:$0x1]  }
0x3: {  	s2 =	rddreg [dreg:$0x2];
	s4 =	simm.s32 $0x0;
	s3 =	srdreg.scid  }
0x4: {  	s17 =	stileid.u32;
	s29 =	simm.s32 $0x2000;
	s30 =	simm.s32 $0x1  }
0x5: {  	s31 =	simm.s32 $0x2;
	[smem:$0x7FF] =	sst s4;
	s7 =	smul.u32 $0x13C00, s17  }
0x6: {  	s5 =	sadd.s32 $0x50F200, s0;
	s3 =	sand.u32 $0x1, s3;
	s13 =	smul.u32 $0x5000, s17  }
0x7: {  	s8 =	sadd.s32 $0x5200, s0;
	_ =	strace $0x80000047;
	s9 =	smul.u32 $0x13C000, s3  }
0x8: {  	s6 =	ssub.s32 $0x2, s3;
	s12 =	smul.u32 $0x50000, s3;
	s3 =	sshll.u32 s3, $0x4  }
0x9: {  	s10 =	sshrl.u32 s6, $0x1;
	s11 =	sadd.s32 $0x11800, s7;
	s3 =	sor.u32 s17, s3  }
0xa: {  	s15 =	sadd.s32 $0x7800, s7;
	s18 =	sadd.s32 $0xA000, s7;
	s19 =	sadd.s32 $0xC800, s7  }
0xb: {  	s20 =	sadd.s32 $0xF000, s7;
	s14 =	sadd.s32 s9, s11;
	s10 =	ssub.s32 s6, s10  }
0xc: {  	s6 =	sadd.s32 s13, s12;
	s12 =	sadd.s32 $0x2800, s7;
	s13 =	sadd.s32 $0x5000, s7  }
0xd: {  	s7 =	sadd.s32 s9, s7;
	s21 =	sadd.s32 s9, s19;
	s14 =	sshrl.u32 s14, $0x3  }
0xe: {  	s7 =	sshrl.u32 s7, $0x3;
	s23 =	sadd.s32 s9, s12;
	s16 =	sadd.s32 s9, s13  }
0xf: {  	s10 =	smax.u32 s10, $0x1;
	s22 =	sadd.s32 s8, s14;
	s7 =	sadd.s32 s8, s7  }
0x10: {  	s24 =	sshrl.u32 s23, $0x3;
	s25 =	sshrl.u32 s16, $0x3;
	s14 =	sadd.s32 s9, s15  }
0x11: {  	s16 =	sadd.s32 s9, s18;
	s23 =	sshrl.u32 s21, $0x3;
	[dreg:$0xd] =	wrdreg s10  }
0x12: {  	s21 =	sadd.s32 s11, s2;
	s15 =	sadd.s32 s15, s2;
	[dreg:$0x4] =	wrdreg s22  }
0x13: {  	s18 =	sadd.s32 s18, s2;
	s10 =	simm.s32 $0x7000;
	[dreg:$0x5] =	wrdreg s7  }
0x14: {  	s7 =	sadd.s32 s8, s24;
	s26 =	sadd.s32 s8, s25;
	[dreg:$0x11] =	wrdreg s15  }
0x15: {  	s22 =	sshrl.u32 s16, $0x3;
	s24 =	sadd.s32 s8, s23;
	[dreg:$0x12] =	wrdreg s18  }
0x16: {  	s25 =	sadd.s32 s9, s20;
	s16 =	sadd.s32 $0x4FB200, s0;
	[dreg:$0xc] =	wrdreg s21  }
0x17: {  	s23 =	sadd.s32 s12, s2;
	s9 =	simm.s32 $0x80;
	[dreg:$0x6] =	wrdreg s7  }
0x18: {  	s12 =	simm.s32 $0x3;
	s15 =	simm.s32 $0x0;
	[dreg:$0x7] =	wrdreg s26  }
0x19: {  	s7 =	sshrl.u32 s14, $0x3;
	[dreg:$0xa] =	wrdreg s24;
	s26 =	smul.u32 $0x4F000, s17  }
0x1a: {  	s14 =	sadd.s32 $0x4E7200, s0;
	s17 =	smul.u32 $0x2710, s3;
	s24 =	sadd.s32 s13, s2  }
0x1b: {  	s0 =	simm.s32 $0x5;
	s3 =	simm.s32 $0x1000;
	[dreg:$0xf] =	wrdreg s23  }
0x1c: {  	s13 =	simm.s32 $0x4;
	s7 =	sadd.s32 s8, s7;
	[dreg:$0x10] =	wrdreg s24  }
0x1d: {  	[dreg:$0x8] =	wrdreg s7;
	s7 =	sadd.s32 s8, s22;
	s11 =	sshrl.u32 s26, $0x2  }
.Ltmp0:
0x1e: {  	s26 =	sadd.s32 s20, s2;
	[dreg:$0x9] =	wrdreg s7;
	(pc) =	sbr.rel .LBB2_1-.Ltmp0, $4  }
0x1f: {  	s7 =	sshrl.u32 s25, $0x3;
	s25 =	sadd.s32 s19, s2;
	[dreg:$0x14] =	wrdreg s26  }
0x20: {  	s28 =	sadd.s32 $0x50, s17;
	s22 =	sadd.s32 s11, s2;
	[dreg:$0x13] =	wrdreg s25  }
0x21: {  	s11 =	simm.s32 $0x9800;
	s7 =	sadd.s32 s8, s7;
	[dreg:$0xe] =	wrdreg s22  }
0x22: {  	v0 =	vimm.f32 $0.0e+00;
	s8 =	simm.s32 $0x4800;
	[dreg:$0xb] =	wrdreg s7;
	s7 =	simm.s32 $0x50  }
.LBB2_14:
0x23: {  	s18 =	stileid.u32;
	[bflag:$0x0] =	sbarrier.arrive $0xFFFF  }
0x24: {  	s18 =	sshll.u32 s18, $0x6;
	s22 =	rddreg [dreg:$0xe]  }
0x25: {  	s21 =	rddreg [dreg:$0x5];
	s19 =	sor.u32 $0x1C01, s18;
	s20 =	sshrl.u32 s22, $0x3  }
0x26: {  	[hbm:s21], [sflag:s19] =	dma.local [spmem:s20], $0x500  }
0x27: {  	s23 =	rddreg [dreg:$0xf]  }
0x28: {  	s21 =	rddreg [dreg:$0x6];
	s25 =	sshrl.u32 s23, $0x3  }
0x29: {  	[hbm:s21], [sflag:s19] =	dma.local [spmem:s25], $0x500  }
0x2a: {  	s24 =	rddreg [dreg:$0x10]  }
0x2b: {  	s21 =	rddreg [dreg:$0x7];
	s26 =	sshrl.u32 s24, $0x3  }
0x2c: {  	[hbm:s21], [sflag:s19] =	dma.local [spmem:s26], $0x500  }
0x2d: {  	s20 =	rddreg [dreg:$0x11]  }
0x2e: {  	s21 =	rddreg [dreg:$0x8];
	s20 =	sshrl.u32 s20, $0x3  }
0x2f: {  	[hbm:s21], [sflag:s19] =	dma.local [spmem:s20], $0x500  }
0x30: {  	s20 =	rddreg [dreg:$0x12]  }
0x31: {  	s21 =	rddreg [dreg:$0x9];
	s20 =	sshrl.u32 s20, $0x3  }
0x32: {  	[hbm:s21], [sflag:s19] =	dma.local [spmem:s20], $0x500  }
0x33: {  	s20 =	rddreg [dreg:$0x13]  }
0x34: {  	s21 =	rddreg [dreg:$0xa];
	s20 =	sshrl.u32 s20, $0x3  }
0x35: {  	[hbm:s21], [sflag:s19] =	dma.local [spmem:s20], $0x500  }
0x36: {  	s20 =	rddreg [dreg:$0x14]  }
0x37: {  	s21 =	rddreg [dreg:$0xb];
	s20 =	sshrl.u32 s20, $0x3  }
0x38: {  	[hbm:s21], [sflag:s19] =	dma.local [spmem:s20], $0x500  }
0x39: {  	s21 =	rddreg [dreg:$0xc]  }
0x3a: {  	s18 =	sor.u32 $0x1C02, s18;
	s20 =	rddreg [dreg:$0x4];
	s25 =	sshrl.u32 s21, $0x3  }
0x3b: {  	[hbm:s20], [sflag:s18] =	dma.local [spmem:s25], $0x480  }
0x3c: {  	_ =	swait.ge [sflag:s30], $0x500  }
0x3d: {  	[sflag:s30] =	ssyncset.done $0x0  }
0x3e: {  	[sflag:s30] =	ssyncadd.s32 $0xFFFFFB00  }
0x3f: {  	_ =	swait.ge [sflag:s30], $0x500  }
0x40: {  	[sflag:s30] =	ssyncset.done $0x0  }
0x41: {  	[sflag:s30] =	ssyncadd.s32 $0xFFFFFB00  }
0x42: {  	_ =	swait.ge [sflag:s30], $0x500  }
0x43: {  	[sflag:s30] =	ssyncset.done $0x0  }
0x44: {  	[sflag:s30] =	ssyncadd.s32 $0xFFFFFB00  }
0x45: {  	_ =	swait.ge [sflag:s30], $0x500  }
0x46: {  	[sflag:s30] =	ssyncset.done $0x0  }
0x47: {  	[sflag:s30] =	ssyncadd.s32 $0xFFFFFB00  }
0x48: {  	_ =	swait.ge [sflag:s30], $0x500  }
0x49: {  	[sflag:s30] =	ssyncset.done $0x0  }
0x4a: {  	[sflag:s30] =	ssyncadd.s32 $0xFFFFFB00  }
0x4b: {  	_ =	swait.ge [sflag:s30], $0x500  }
0x4c: {  	[sflag:s30] =	ssyncset.done $0x0  }
0x4d: {  	[sflag:s30] =	ssyncadd.s32 $0xFFFFFB00  }
0x4e: {  	_ =	swait.ge [sflag:s30], $0x500  }
0x4f: {  	[sflag:s30] =	ssyncset.done $0x0  }
0x50: {  	[sflag:s30] =	ssyncadd.s32 $0xFFFFFB00  }
0x51: {  	_ =	swait.ge [sflag:s31], $0x480  }
0x52: {  	s15 =	sadd.s32 $0x1, s15;
	s26 =	rddreg [dreg:$0xd]  }
0x53: {  	p0 =	sne.s32 s15, s26  }
.Ltmp1:
0x54: {  	_ = 	snop;
	(pc) =	sbr.rel @!p0 .LBB2_15-.Ltmp1, $3  }
0x55: {  	_ =	sdelay $0x1  }
0x56: {  	[sflag:s31] =	ssyncset.done $0x0  }
0x57: {  	[sflag:s31] =	ssyncadd.s32 $0xFFFFFB80  }
.LBB2_1:
0x58: {  	s18 =	simm.s32 $0x0;
	s19 =	simm.s32 $0x200  }
.LBB2_2:
0x59: {  	p0 =	sne.s32 s19, $0x9E00;
	[tilespmem:s18+$0x2070] =	vst v0  }
0x5a: {  	[tilespmem:s18+$0x2000] =	vst v0  }
0x5b: {  	[tilespmem:s18+$0x2010] =	vst v0  }
.Ltmp2:
0x5c: {  	[tilespmem:s18+$0x2020] =	vst v0;
	(pc) =	sbr.rel @p0 .LBB2_2-.Ltmp2, $4  }
0x5d: {  	[tilespmem:s18+$0x2030] =	vst v0  }
0x5e: {  	[tilespmem:s18+$0x2040] =	vst v0  }
0x5f: {  	[tilespmem:s18+$0x2050] =	vst v0  }
0x60: {  	[tilespmem:s18+$0x2060] =	vst v0;
	s18 =	sshra.s32 s19, $0x2;
	s19 =	sadd.s32 $0x200, s19  }
0x61: {  	[tilespmem:s18+$0x2070] =	vst v0  }
0x62: {  	[tilespmem:s18+$0x2000] =	vst v0  }
0x63: {  	[tilespmem:s18+$0x2010] =	vst v0  }
0x64: {  	[tilespmem:s18+$0x2020] =	vst v0  }
0x65: {  	[tilespmem:s18+$0x2030] =	vst v0  }
0x66: {  	[tilespmem:s18+$0x2040] =	vst v0  }
0x67: {  	[tilespmem:s18+$0x2050] =	vst v0  }
0x68: {  	[tilespmem:s18+$0x2060] =	vst v0  }
0x69: {  	[spmem:s22] =	stream.linear.scatter [tilespmem:s29], [sflag:$0x1], $0x2800, $0x38;
	[tilespmem:$0x1FC00] =	vst v63  }
0x6a: {  	_ = 	snop  }
0x6b: {  	[spmem:s23] =	stream.linear.scatter [tilespmem:s29], [sflag:$0x1], $0x2800, $0x38;
	[tilespmem:$0x1FC00] =	vst v63  }
0x6c: {  	_ = 	snop  }
0x6d: {  	[spmem:s24] =	stream.linear.scatter [tilespmem:s29], [sflag:$0x1], $0x2800, $0x38;
	[tilespmem:$0x1FC00] =	vst v63  }
0x6e: {  	s23 =	rddreg [dreg:$0x11]  }
0x6f: {  	[spmem:s23] =	stream.linear.scatter [tilespmem:s29], [sflag:$0x1], $0x2800, $0x38;
	[tilespmem:$0x1FC00] =	vst v63  }
0x70: {  	s24 =	rddreg [dreg:$0x12]  }
0x71: {  	[spmem:s24] =	stream.linear.scatter [tilespmem:s29], [sflag:$0x1], $0x2800, $0x38;
	[tilespmem:$0x1FC00] =	vst v63  }
0x72: {  	s25 =	rddreg [dreg:$0x13]  }
0x73: {  	[spmem:s25] =	stream.linear.scatter [tilespmem:s29], [sflag:$0x1], $0x2800, $0x38;
	[tilespmem:$0x1FC00] =	vst v63  }
0x74: {  	s26 =	rddreg [dreg:$0x14]  }
0x75: {  	[spmem:s26] =	stream.linear.scatter [tilespmem:s29], [sflag:$0x1], $0x2800, $0x38;
	[tilespmem:$0x1FC00] =	vst v63  }
0x76: {  	_ = 	snop  }
0x77: {  	[spmem:s21] =	stream.linear.scatter [tilespmem:s29], [sflag:$0x2], $0x2400, $0x38;
	[tilespmem:$0x1FC00] =	vst v63  }
0x78: {  	_ =	swait.ge [sflag:s30], $0x2800  }
0x79: {  	[sflag:s30] =	ssyncset.done $0x0  }
0x7a: {  	[sflag:s30] =	ssyncadd.s32 $0xFFFFD800  }
0x7b: {  	_ =	swait.ge [sflag:s30], $0x2800  }
0x7c: {  	[sflag:s30] =	ssyncset.done $0x0  }
0x7d: {  	[sflag:s30] =	ssyncadd.s32 $0xFFFFD800  }
0x7e: {  	_ =	swait.ge [sflag:s30], $0x2800  }
0x7f: {  	[sflag:s30] =	ssyncset.done $0x0  }
0x80: {  	[sflag:s30] =	ssyncadd.s32 $0xFFFFD800  }
0x81: {  	_ =	swait.ge [sflag:s30], $0x2800  }
0x82: {  	[sflag:s30] =	ssyncset.done $0x0  }
0x83: {  	[sflag:s30] =	ssyncadd.s32 $0xFFFFD800  }
0x84: {  	_ =	swait.ge [sflag:s30], $0x2800  }
0x85: {  	[sflag:s30] =	ssyncset.done $0x0  }
0x86: {  	[sflag:s30] =	ssyncadd.s32 $0xFFFFD800  }
0x87: {  	_ =	swait.ge [sflag:s30], $0x2800  }
0x88: {  	[sflag:s30] =	ssyncset.done $0x0  }
0x89: {  	[sflag:s30] =	ssyncadd.s32 $0xFFFFD800  }
0x8a: {  	_ =	swait.ge [sflag:s30], $0x2800  }
0x8b: {  	[sflag:s30] =	ssyncset.done $0x0  }
0x8c: {  	[sflag:s30] =	ssyncadd.s32 $0xFFFFD800  }
.Ltmp3:
0x8d: {  	_ =	swait.ge [sflag:s31], $0x2400;
	(pc) =	sbr.rel .LBB2_4-.Ltmp3, $4  }
0x8e: {  	[sflag:s31] =	ssyncset.done $0x0  }
0x8f: {  	[sflag:s31] =	ssyncadd.s32 $0xFFFFDC00  }
0x90: {  	[bflag:$0x0] =	sbarrier.arrive $0xFFFF  }
0x91: {  	s19 =	simm.s32 $0x0;
	s18 =	simm.s32 $0x0  }
.LBB2_13:
0x92: {  	s18 =	sadd.s32 $0x1, s18  }
0x93: {  	p0 =	sne.s32 s18, $0x5  }
.Ltmp4:
0x94: {  	_ = 	snop;
	(pc) =	sbr.rel @!p0 .LBB2_14-.Ltmp4, $1  }
0x95: {  	_ =	sdelay $0x3  }
.LBB2_4:
0x96: {  	s20 =	sshll.u32 s18, $0xC  }
0x97: {  	s20 =	sadd.s32 s20, s6  }
0x98: {  	s20 =	sshrl.u32 s20, $0x3  }
0x99: {  	s21 =	sadd.s32 s14, s20  }
0x9a: {  	[tilespmem:s19], [sflag:$0x5] =	stream.linear.gather [hbm4b:s21+s19], $0xC80, $0x38;
	[tilespmem:$0x1FC00] =	vst v63  }
0x9b: {  	_ =	swait.ge [sflag:s0], $0xC80  }
0x9c: {  	[sflag:s0] =	ssyncset.done $0x0  }
0x9d: {  	s25 =	smul.u32 $0x7D0, s18;
	s20 =	sadd.s32 s16, s20;
	[sflag:s0] =	ssyncadd.s32 $0xFFFFF380  }
0x9e: {  	[tilespmem:s3], [sflag:$0x5] =	stream.linear.gather [hbm4b:s20+s19], $0xC80, $0x38;
	[tilespmem:$0x1FC00] =	vst v63  }
0x9f: {  	_ =	swait.ge [sflag:s0], $0xC80  }
0xa0: {  	s26 =	sadd.s32 s17, s25;
	[sflag:s0] =	ssyncset.done $0x0  }
0xa1: {  	s21 =	sshll.u32 s26, $0x4;
	[sflag:s0] =	ssyncadd.s32 $0xFFFFF380  }
0xa2: {  	[tilespmem:s29], [sflag:$0x1] =	stream.indirect.gather [hbm4b:s1+s7], $0x80, s19, s7, $0xb8;
	[tilespmem:$0x1FC00] =	vst v63  }
0xa3: {  	s21 =	sadd.s32 s5, s21;
	s20 =	sadd.s32 s25, s28  }
0xa4: {  	[tilespmem:s8], [sflag:$0x2] =	stream.linear.gather [hbm4b:s21+s19], $0x2800, $0x38;
	[tilespmem:$0x1FC00] =	vst v63  }
.Ltmp5:
0xa5: {  	s20 =	sshll.u32 s20, $0x4;
	(pc) =	sbr.rel .LBB2_5-.Ltmp5, $4  }
0xa6: {  	[tilespmem:s10], [sflag:$0x3] =	stream.indirect.gather [hbm4b:s1+s7], $0x80, s9, s7, $0xb8;
	[tilespmem:$0x1FC00] =	vst v63  }
0xa7: {  	s20 =	sadd.s32 s5, s20  }
0xa8: {  	[tilespmem:s11], [sflag:$0x4] =	stream.linear.gather [hbm4b:s20+s19], $0x2800, $0x38;
	[tilespmem:$0x1FC00] =	vst v63  }
0xa9: {  	s21 =	simm.s32 $0x0;
	s20 =	smul.u32 $0x19, s18  }
.LBB2_12:
0xaa: {  	s21 =	sadd.s32 $0x1, s21  }
0xab: {  	p0 =	sne.s32 s21, $0xD  }
.Ltmp6:
0xac: {  	_ = 	snop;
	(pc) =	sbr.rel @!p0 .LBB2_13-.Ltmp6, $1  }
0xad: {  	_ =	sdelay $0x3  }
.LBB2_5:
0xae: {  	_ =	swait.ge [sflag:s30], $0x2800  }
0xaf: {  	[sflag:s30] =	ssyncset.done $0x0  }
0xb0: {  	[sflag:s30] =	ssyncadd.s32 $0xFFFFD800  }
0xb1: {  	_ =	swait.ge [sflag:s31], $0x2800  }
0xb2: {  	[sflag:s31] =	ssyncset.done $0x0  }
0xb3: {  	s22 =	simm.s32 $0x0;
	[sflag:s31] =	ssyncadd.s32 $0xFFFFD800  }
0xb4: {  	v1 =	vld [tilespmem:s22+$0x4830]  }
0xb5: {  	v2 =	vld [tilespmem:s22+$0x2070]  }
0xb6: {  	v4 =	vld [tilespmem:s22+$0x4800]  }
0xb7: {  	v6 =	vld [tilespmem:s22+$0x4810]  }
0xb8: {  	v7 =	vld [tilespmem:s22+$0x4820]  }
0xb9: {  	v11 =	vld [tilespmem:s22+$0x2000]  }
0xba: {  	v13 =	vld [tilespmem:s22+$0x2010]  }
0xbb: {  	v8 =	vld [tilespmem:s22+$0x2020];
	v3 =	vand.u32 $0xFFFF0000, v1  }
0xbc: {  	v5 =	vld [tilespmem:s22+$0x2030];
	v1 =	vshll.u32 v1, $0x10;
	v2 =	vadd.f32 v3, v2  }
0xbd: {  	v12 =	vshll.u32 v4, $0x10;
	v14 =	vand.u32 $0xFFFF0000, v4;
	v10 =	vshll.u32 v6, $0x10;
	v3 =	vld [tilespmem:s22+$0x2040]  }
0xbe: {  	v9 =	vand.u32 $0xFFFF0000, v6;
	v4 =	vld [tilespmem:s22+$0x2050];
	v12 =	vadd.f32 v12, v11;
	v2 =	vmax.f32 v2, $0.0e+00  }
0xbf: {  	s23 =	simm.s32 $0x80;
	s24 =	simm.s32 $0x400;
	v6 =	vshll.u32 v7, $0x10;
	v11 =	vadd.f32 v14, v13;
	[tilespmem:s22+$0x2070] =	vst v2;
	v2 =	vand.u32 $0xFFFF0000, v7;
	v7 =	vld [tilespmem:s22+$0x2060]  }
.LBB2_6:
0xc0: {  	p0 =	sne.s32 s24, $0x9E00;
	v13 =	vld [tilespmem:s23+$0x4830];
	v12 =	vmax.f32 v12, $0.0e+00;
	v8 =	vadd.f32 v10, v8  }
0xc1: {  	v10 =	vld [tilespmem:s23+$0x2070];
	[tilespmem:s22+$0x2000] =	vst v12;
	v11 =	vmax.f32 v11, $0.0e+00;
	v5 =	vadd.f32 v9, v5  }
0xc2: {  	v9 =	vld [tilespmem:s23+$0x4800];
	[tilespmem:s22+$0x2010] =	vst v11;
	v8 =	vmax.f32 v8, $0.0e+00;
	v3 =	vadd.f32 v6, v3  }
0xc3: {  	v6 =	vld [tilespmem:s23+$0x4810];
	[tilespmem:s22+$0x2020] =	vst v8;
	v5 =	vmax.f32 v5, $0.0e+00;
	v2 =	vadd.f32 v2, v4  }
0xc4: {  	v4 =	vld [tilespmem:s23+$0x4820];
	[tilespmem:s22+$0x2030] =	vst v5;
	v3 =	vmax.f32 v3, $0.0e+00;
	v5 =	vadd.f32 v1, v7  }
0xc5: {  	v7 =	vld [tilespmem:s23+$0x2000];
	v1 =	vshll.u32 v13, $0x10;
	v8 =	vand.u32 $0xFFFF0000, v13;
	[tilespmem:s22+$0x2040] =	vst v3;
	v2 =	vmax.f32 v2, $0.0e+00  }
0xc6: {  	v11 =	vld [tilespmem:s23+$0x2010];
	v3 =	vadd.f32 v8, v10;
	[tilespmem:s22+$0x2050] =	vst v2;
	v2 =	vmax.f32 v5, $0.0e+00  }
.Ltmp7:
0xc7: {  	v12 =	vshll.u32 v9, $0x10;
	v13 =	vand.u32 $0xFFFF0000, v9;
	v8 =	vld [tilespmem:s23+$0x2020];
	[tilespmem:s22+$0x2060] =	vst v2;
	s22 =	smov.u32 s23;
	(pc) =	sbr.rel @p0 .LBB2_6-.Ltmp7, $4  }
0xc8: {  	v10 =	vshll.u32 v6, $0x10;
	v9 =	vand.u32 $0xFFFF0000, v6;
	v5 =	vld [tilespmem:s22+$0x2030];
	v14 =	vmax.f32 v3, $0.0e+00  }
0xc9: {  	v6 =	vshll.u32 v4, $0x10;
	v2 =	vand.u32 $0xFFFF0000, v4;
	v3 =	vld [tilespmem:s22+$0x2040];
	[tilespmem:s22+$0x2070] =	vst v14  }
0xca: {  	v12 =	vadd.f32 v12, v7;
	v4 =	vld [tilespmem:s22+$0x2050]  }
0xcb: {  	s23 =	sshra.s32 s24, $0x2;
	s24 =	sadd.s32 $0x200, s24;
	v11 =	vadd.f32 v13, v11;
	v7 =	vld [tilespmem:s22+$0x2060]  }
0xcc: {  	v13 =	vld [tilespmem:s23+$0x4830]  }
0xcd: {  	v14 =	vld [tilespmem:s23+$0x2070]  }
0xce: {  	v15 =	vld [tilespmem:s23+$0x4800]  }
0xcf: {  	v16 =	vld [tilespmem:s23+$0x4810]  }
0xd0: {  	v17 =	vld [tilespmem:s23+$0x4820];
	v12 =	vmax.f32 v12, $0.0e+00;
	v8 =	vadd.f32 v10, v8  }
0xd1: {  	v51 =	vld [tilespmem:s23+$0x2000];
	[tilespmem:s22+$0x2000] =	vst v12;
	v11 =	vmax.f32 v11, $0.0e+00;
	v5 =	vadd.f32 v9, v5  }
0xd2: {  	v53 =	vld [tilespmem:s23+$0x2010];
	[tilespmem:s22+$0x2010] =	vst v11;
	v8 =	vmax.f32 v8, $0.0e+00;
	v3 =	vadd.f32 v6, v3  }
0xd3: {  	v54 =	vld [tilespmem:s23+$0x2020];
	[tilespmem:s22+$0x2020] =	vst v8;
	v5 =	vmax.f32 v5, $0.0e+00;
	v2 =	vadd.f32 v2, v4  }
0xd4: {  	v55 =	vld [tilespmem:s23+$0x2030];
	[tilespmem:s22+$0x2030] =	vst v5;
	v1 =	vadd.f32 v1, v7;
	v3 =	vmax.f32 v3, $0.0e+00;
	v52 =	vand.u32 $0xFFFF0000, v13  }
0xd5: {  	v57 =	vld [tilespmem:s23+$0x2040];
	v58 =	vshll.u32 v15, $0x10;
	[tilespmem:s22+$0x2040] =	vst v3;
	v2 =	vmax.f32 v2, $0.0e+00;
	v9 =	vadd.f32 v52, v14  }
0xd6: {  	v59 =	vld [tilespmem:s23+$0x2050];
	v3 =	vand.u32 $0xFFFF0000, v15;
	v4 =	vadd.f32 v58, v51;
	[tilespmem:s22+$0x2050] =	vst v2;
	v1 =	vmax.f32 v1, $0.0e+00  }
0xd7: {  	v60 =	vld [tilespmem:s23+$0x2060];
	v2 =	vshll.u32 v16, $0x10;
	v3 =	vadd.f32 v3, v53;
	[tilespmem:s22+$0x2060] =	vst v1;
	v56 =	vmax.f32 v9, $0.0e+00  }
0xd8: {  	v1 =	vand.u32 $0xFFFF0000, v16;
	v2 =	vadd.f32 v2, v54;
	v4 =	vmax.f32 v4, $0.0e+00;
	[tilespmem:s23+$0x2070] =	vst v56  }
0xd9: {  	v61 =	vshll.u32 v17, $0x10;
	v3 =	vmax.f32 v3, $0.0e+00;
	v1 =	vadd.f32 v1, v55;
	[tilespmem:s23+$0x2000] =	vst v4  }
0xda: {  	v62 =	vand.u32 $0xFFFF0000, v17;
	[tilespmem:s23+$0x2010] =	vst v3;
	v2 =	vmax.f32 v2, $0.0e+00;
	v3 =	vadd.f32 v61, v57  }
0xdb: {  	v63 =	vshll.u32 v13, $0x10;
	[tilespmem:s23+$0x2020] =	vst v2;
	v1 =	vmax.f32 v1, $0.0e+00;
	v2 =	vadd.f32 v62, v59  }
0xdc: {  	[tilespmem:s23+$0x2030] =	vst v1;
	v1 =	vmax.f32 v3, $0.0e+00;
	v3 =	vadd.f32 v63, v60  }
0xdd: {  	s26 =	sshll.u32 s21, $0x8;
	[tilespmem:s23+$0x2040] =	vst v1;
	v1 =	vmax.f32 v2, $0.0e+00  }
0xde: {  	p0 =	seq.s32 s21, $0xC;
	s22 =	sand.u32 $0x3FFFFF00, s26;
	[tilespmem:s23+$0x2050] =	vst v1;
	v1 =	vmax.f32 v3, $0.0e+00  }
.Ltmp8:
0xdf: {  	s22 =	sadd.s32 $0x1000, s22;
	[tilespmem:s23+$0x2060] =	vst v1;
	(pc) =	sbr.rel @p0 .LBB2_13-.Ltmp8, $4  }
0xe0: {  	[spmem:s2] =	stream.indirect.scatter.add.f32 [tilespmem:s29], [sflag:$0x5], $0x80, s22, s7, $0xb8;
	[tilespmem:$0x1FC00] =	vst v63  }
0xe1: {  	_ =	swait.ge [sflag:s0], $0x2800  }
0xe2: {  	[sflag:s0] =	ssyncset.done $0x0  }
0xe3: {  	[sflag:s0] =	ssyncadd.s32 $0xFFFFD800  }
0xe4: {  	s22 =	sshll.u32 s21, $0x1  }
0xe5: {  	s23 =	sadd.s32 $0x2, s22  }
0xe6: {  	s24 =	sshll.u32 s23, $0x7;
	s23 =	sadd.s32 s20, s23  }
0xe7: {  	s24 =	sand.u32 $0x3FFFFF80, s24;
	s23 =	smul.u32 $0x50, s23  }
0xe8: {  	[tilespmem:s29], [sflag:$0x1] =	stream.indirect.gather [hbm4b:s1+s7], $0x80, s24, s7, $0xb8;
	[tilespmem:$0x1FC00] =	vst v63  }
0xe9: {  	s23 =	sadd.s32 s17, s23  }
0xea: {  	s23 =	sshll.u32 s23, $0x4  }
0xeb: {  	s23 =	sadd.s32 s5, s23  }
0xec: {  	[tilespmem:s8], [sflag:$0x2] =	stream.linear.gather [hbm4b:s23+s4], $0x2800, $0x38;
	[tilespmem:$0x1FC00] =	vst v63  }
0xed: {  	s23 =	sor.u32 $0x1, s22  }
0xee: {  	p0 =	sgt.u32 s23, $0x18  }
.Ltmp9:
0xef: {  	_ = 	snop;
	(pc) =	sbr.rel @p0 .LBB2_12-.Ltmp9, $1  }
0xf0: {  	_ =	sdelay $0x3  }
0xf1: {  	_ =	swait.ge [sflag:s12], $0x2800  }
0xf2: {  	[sflag:s12] =	ssyncset.done $0x0  }
0xf3: {  	[sflag:s12] =	ssyncadd.s32 $0xFFFFD800  }
0xf4: {  	_ =	swait.ge [sflag:s13], $0x2800  }
0xf5: {  	[sflag:s13] =	ssyncset.done $0x0  }
0xf6: {  	s24 =	simm.s32 $0x0;
	[sflag:s13] =	ssyncadd.s32 $0xFFFFD800  }
0xf7: {  	v1 =	vld [tilespmem:s24+$0x9830]  }
0xf8: {  	v2 =	vld [tilespmem:s24+$0x7070]  }
0xf9: {  	v4 =	vld [tilespmem:s24+$0x9800]  }
0xfa: {  	v6 =	vld [tilespmem:s24+$0x9810]  }
0xfb: {  	v7 =	vld [tilespmem:s24+$0x9820]  }
0xfc: {  	v11 =	vld [tilespmem:s24+$0x7000]  }
0xfd: {  	v13 =	vld [tilespmem:s24+$0x7010]  }
0xfe: {  	v8 =	vld [tilespmem:s24+$0x7020];
	v3 =	vand.u32 $0xFFFF0000, v1  }
0xff: {  	v5 =	vld [tilespmem:s24+$0x7030];
	v1 =	vshll.u32 v1, $0x10;
	v2 =	vadd.f32 v3, v2  }
0x100: {  	v12 =	vshll.u32 v4, $0x10;
	v14 =	vand.u32 $0xFFFF0000, v4;
	v10 =	vshll.u32 v6, $0x10;
	v3 =	vld [tilespmem:s24+$0x7040]  }
0x101: {  	v9 =	vand.u32 $0xFFFF0000, v6;
	v4 =	vld [tilespmem:s24+$0x7050];
	v12 =	vadd.f32 v12, v11;
	v2 =	vmax.f32 v2, $0.0e+00  }
0x102: {  	s25 =	simm.s32 $0x80;
	s26 =	simm.s32 $0x400;
	v6 =	vshll.u32 v7, $0x10;
	v11 =	vadd.f32 v14, v13;
	[tilespmem:s24+$0x7070] =	vst v2;
	v2 =	vand.u32 $0xFFFF0000, v7;
	v7 =	vld [tilespmem:s24+$0x7060]  }
.LBB2_10:
0x103: {  	p0 =	sne.s32 s26, $0x9E00;
	v13 =	vld [tilespmem:s25+$0x9830];
	v12 =	vmax.f32 v12, $0.0e+00;
	v8 =	vadd.f32 v10, v8  }
0x104: {  	v10 =	vld [tilespmem:s25+$0x7070];
	[tilespmem:s24+$0x7000] =	vst v12;
	v11 =	vmax.f32 v11, $0.0e+00;
	v5 =	vadd.f32 v9, v5  }
0x105: {  	v9 =	vld [tilespmem:s25+$0x9800];
	[tilespmem:s24+$0x7010] =	vst v11;
	v8 =	vmax.f32 v8, $0.0e+00;
	v3 =	vadd.f32 v6, v3  }
0x106: {  	v6 =	vld [tilespmem:s25+$0x9810];
	[tilespmem:s24+$0x7020] =	vst v8;
	v5 =	vmax.f32 v5, $0.0e+00;
	v2 =	vadd.f32 v2, v4  }
0x107: {  	v4 =	vld [tilespmem:s25+$0x9820];
	[tilespmem:s24+$0x7030] =	vst v5;
	v3 =	vmax.f32 v3, $0.0e+00;
	v5 =	vadd.f32 v1, v7  }
0x108: {  	v7 =	vld [tilespmem:s25+$0x7000];
	v1 =	vshll.u32 v13, $0x10;
	v8 =	vand.u32 $0xFFFF0000, v13;
	[tilespmem:s24+$0x7040] =	vst v3;
	v2 =	vmax.f32 v2, $0.0e+00  }
0x109: {  	v11 =	vld [tilespmem:s25+$0x7010];
	v3 =	vadd.f32 v8, v10;
	[tilespmem:s24+$0x7050] =	vst v2;
	v2 =	vmax.f32 v5, $0.0e+00  }
.Ltmp10:
0x10a: {  	v12 =	vshll.u32 v9, $0x10;
	v13 =	vand.u32 $0xFFFF0000, v9;
	v8 =	vld [tilespmem:s25+$0x7020];
	[tilespmem:s24+$0x7060] =	vst v2;
	s24 =	smov.u32 s25;
	(pc) =	sbr.rel @p0 .LBB2_10-.Ltmp10, $4  }
0x10b: {  	v10 =	vshll.u32 v6, $0x10;
	v9 =	vand.u32 $0xFFFF0000, v6;
	v5 =	vld [tilespmem:s24+$0x7030];
	v14 =	vmax.f32 v3, $0.0e+00  }
0x10c: {  	v6 =	vshll.u32 v4, $0x10;
	v2 =	vand.u32 $0xFFFF0000, v4;
	v3 =	vld [tilespmem:s24+$0x7040];
	[tilespmem:s24+$0x7070] =	vst v14  }
0x10d: {  	v12 =	vadd.f32 v12, v7;
	v4 =	vld [tilespmem:s24+$0x7050]  }
0x10e: {  	s25 =	sshra.s32 s26, $0x2;
	s26 =	sadd.s32 $0x200, s26;
	v11 =	vadd.f32 v13, v11;
	v7 =	vld [tilespmem:s24+$0x7060]  }
0x10f: {  	v13 =	vld [tilespmem:s25+$0x9830]  }
0x110: {  	v14 =	vld [tilespmem:s25+$0x7070]  }
0x111: {  	v15 =	vld [tilespmem:s25+$0x9800]  }
0x112: {  	v16 =	vld [tilespmem:s25+$0x9810]  }
0x113: {  	v17 =	vld [tilespmem:s25+$0x9820];
	v12 =	vmax.f32 v12, $0.0e+00;
	v8 =	vadd.f32 v10, v8  }
0x114: {  	v51 =	vld [tilespmem:s25+$0x7000];
	[tilespmem:s24+$0x7000] =	vst v12;
	v11 =	vmax.f32 v11, $0.0e+00;
	v5 =	vadd.f32 v9, v5  }
0x115: {  	v53 =	vld [tilespmem:s25+$0x7010];
	[tilespmem:s24+$0x7010] =	vst v11;
	v8 =	vmax.f32 v8, $0.0e+00;
	v3 =	vadd.f32 v6, v3  }
0x116: {  	v54 =	vld [tilespmem:s25+$0x7020];
	[tilespmem:s24+$0x7020] =	vst v8;
	v5 =	vmax.f32 v5, $0.0e+00;
	v2 =	vadd.f32 v2, v4  }
0x117: {  	v55 =	vld [tilespmem:s25+$0x7030];
	[tilespmem:s24+$0x7030] =	vst v5;
	v1 =	vadd.f32 v1, v7;
	v3 =	vmax.f32 v3, $0.0e+00;
	v52 =	vand.u32 $0xFFFF0000, v13  }
0x118: {  	v57 =	vld [tilespmem:s25+$0x7040];
	v58 =	vshll.u32 v15, $0x10;
	[tilespmem:s24+$0x7040] =	vst v3;
	v2 =	vmax.f32 v2, $0.0e+00;
	v9 =	vadd.f32 v52, v14  }
0x119: {  	v59 =	vld [tilespmem:s25+$0x7050];
	v3 =	vand.u32 $0xFFFF0000, v15;
	v4 =	vadd.f32 v58, v51;
	[tilespmem:s24+$0x7050] =	vst v2;
	v1 =	vmax.f32 v1, $0.0e+00  }
0x11a: {  	v60 =	vld [tilespmem:s25+$0x7060];
	v2 =	vshll.u32 v16, $0x10;
	v3 =	vadd.f32 v3, v53;
	[tilespmem:s24+$0x7060] =	vst v1;
	v56 =	vmax.f32 v9, $0.0e+00  }
0x11b: {  	v1 =	vand.u32 $0xFFFF0000, v16;
	v2 =	vadd.f32 v2, v54;
	v4 =	vmax.f32 v4, $0.0e+00;
	[tilespmem:s25+$0x7070] =	vst v56  }
0x11c: {  	v61 =	vshll.u32 v17, $0x10;
	v3 =	vmax.f32 v3, $0.0e+00;
	v1 =	vadd.f32 v1, v55;
	[tilespmem:s25+$0x7000] =	vst v4  }
0x11d: {  	v62 =	vand.u32 $0xFFFF0000, v17;
	[tilespmem:s25+$0x7010] =	vst v3;
	v2 =	vmax.f32 v2, $0.0e+00;
	v3 =	vadd.f32 v61, v57  }
0x11e: {  	v63 =	vshll.u32 v13, $0x10;
	[tilespmem:s25+$0x7020] =	vst v2;
	v1 =	vmax.f32 v1, $0.0e+00;
	v2 =	vadd.f32 v62, v59  }
0x11f: {  	[tilespmem:s25+$0x7030] =	vst v1;
	v1 =	vmax.f32 v3, $0.0e+00;
	v3 =	vadd.f32 v63, v60  }
0x120: {  	s23 =	sshll.u32 s23, $0x7;
	[tilespmem:s25+$0x7040] =	vst v1;
	v1 =	vmax.f32 v2, $0.0e+00  }
0x121: {  	p0 =	sgt.u32 s21, $0xA;
	s23 =	sand.u32 $0x3FFFFF80, s23;
	[tilespmem:s25+$0x7050] =	vst v1;
	v1 =	vmax.f32 v3, $0.0e+00  }
0x122: {  	s22 =	sadd.s32 @!p0 $0x3, s22;
	s23 =	sadd.s32 $0x1000, s23;
	[tilespmem:s25+$0x7060] =	vst v1  }
0x123: {  	[spmem:s2] =	stream.indirect.scatter.add.f32 [tilespmem:s10], [sflag:$0x5], $0x80, s23, s7, $0xb8;
	[tilespmem:$0x1FC00] =	vst v63  }
0x124: {  	s23 =	sshll.u32 @!p0 s22, $0x7;
	s22 =	sadd.s32 @!p0 s20, s22  }
0x125: {  	s24 =	simm.s32 @!p0 $0x50;
	_ =	swait.ge [sflag:s0], $0x2800;
	s22 =	smul.u32 @!p0 $0x50, s22  }
0x126: {  	s25 =	simm.s32 @!p0 $0x7000;
	s23 =	sand.u32 @!p0 $0x3FFFFF80, s23;
	[sflag:s0] =	ssyncset.done $0x0  }
.Ltmp11:
0x127: {  	[sflag:s0] =	ssyncadd.s32 $0xFFFFD800;
	s22 =	sadd.s32 @!p0 s17, s22;
	(pc) =	sbr.rel .LBB2_12-.Ltmp11, $4  }
0x128: {  	[tilespmem:s25], [sflag:$0x3] =	stream.indirect.gather @!p0 [hbm4b:s1+s24], $0x80, s23, s24, $0xb8;
	[tilespmem:$0x1FC00] =	vst v63  }
0x129: {  	s22 =	sshll.u32 @!p0 s22, $0x4  }
0x12a: {  	s23 =	simm.s32 @!p0 $0x0;
	s24 =	simm.s32 @!p0 $0x9800;
	s22 =	sadd.s32 @!p0 s5, s22  }
0x12b: {  	[tilespmem:s24], [sflag:$0x4] =	stream.linear.gather @!p0 [hbm4b:s22+s23], $0x2800, $0x38;
	[tilespmem:$0x1FC00] =	vst v63  }
.LBB2_15:
0x12c: {  	_ =	sfence.sel $0x180000  }
0x12d: {  	[bflag:$0x0] =	sbarrier.arrive $0xFFFF  }
0x12e: {  	_ =	strace $0x90000047  }
0x12f: {  	s0 =	stileid.u32;
	[bflag:$0x2] =	sbarrier.arrive $0xFFFF  }
0x130: {  	p0 =	sne.s32 s0, $0x0;
	s0 =	rddreg [dreg:$0x3]  }
0x131: {  	s0 =	sadd.s32 @!p0 $0x100000, s0  }
0x132: {  	[sflag:s0] =	ssyncadd.tile.s32 @!p0 $0x1;
	_ =	shalt  }
.Lfunc_end2:
_tile_overlayer_lowered:
.L_overlay_start_2:
0x133: {  	(tag) =	ssettag $0x2  }
0x134: {  	s0 =	rddreg [dreg:$0x0];
	s2 =	stileid.u32  }
0x135: {  	s1 =	rddreg [dreg:$0x1];
	p0 =	sne.s32 s2, $0x0  }
0x136: {  	s3 =	rddreg [dreg:$0x2];
	[bflag:$0x3] =	sbarrier.arrive $0xFFFF;
	s2 =	simm.s32 @!p0 $0x1C05  }
0x137: {  	[timem:s3], [sflag:s2] =	dma.local @!p0 [hbm:s0], s1  }
0x138: {  	s0 =	simm.s32 @!p0 $0x5  }
0x139: {  	_ =	swait.ge @!p0 [sflag:s0], s1  }
0x13a: {  	s1 =	ssub.s32 @!p0 $0x0, s1;
	[sflag:s0] =	ssyncset.done @!p0 $0x0  }
0x13b: {  	[sflag:s0] =	ssyncadd.s32 @!p0 s1  }
0x13c: {  	[bflag:$0x3] =	sbarrier.arrive $0xFFFF  }
0x13d: {  	_ =	shalt  }

</sc_bundles>
